<compile_context>
chip_gen: v7x
topology: tpu7x:2x2x1
jax: 0.10.2.dev20260603
libtpu: 0.0.44.dev20260713+nightly
codegen_flags: <defaults>
</compile_context>

<pallas_src>
import functools

import jax
import jax.numpy as jnp
from jax.experimental import pallas as pl
from jax.experimental.pallas import tpu as pltpu

_RADIUS = 0.1
_QT = 64
_NTS = 1024
_CH = 128
_LT = 128


def _lift_kernel(pnd_ref, wt_ref, b_ref, f_ref):
    x = pnd_ref[...]
    b_dim, n2, in2 = x.shape
    y = jnp.dot(x.reshape(b_dim * n2, in2), wt_ref[...],
                preferred_element_type=jnp.float32) + b_ref[...]
    f_ref[...] = y.reshape(b_dim, n2, -1)


def _enc_kernel(q_ref, xt_ref, xs6_ref, xb_ref, f2_ref, w1q2_ref, b12_ref,
                w1x6_ref, w22_ref, b22_ref, w32_ref, b32_ref,
                out_ref, acc_ref, cnt_ref, *, r2, batch, out_ch):
    j = pl.program_id(1)
    nj = pl.num_programs(1)
    q = q_ref[...]

    @pl.when(j == 0)
    def _init():
        acc_ref[...] = jnp.zeros_like(acc_ref)
        cnt_ref[...] = jnp.zeros_like(cnt_ref)

    qw2 = jnp.dot(q, w1q2_ref[...],
                  preferred_element_type=jnp.float32) + b12_ref[...]
    qt = q.shape[0]
    lanes = 2 * out_ch
    n_chunks = _NTS // _CH
    p_ch = _CH // 2

    for ch in range(n_chunks):
        xtc = xt_ref[0:8, _CH * ch:_CH * (ch + 1)]
        d2 = None
        for c in range(3):
            dc = q[:, c:c + 1] - xtc[c:c + 1, :]
            s = dc * dc
            d2 = s if d2 is None else d2 + s
        cm = d2 <= r2
        p0 = p_ch * ch

        @pl.when(jnp.any(cm))
        def _chunk(cm=cm, p0=p0):
            cnt_ref[...] += jnp.sum(cm.astype(jnp.float32), axis=1,
                                    keepdims=True)
            xs6 = xs6_ref[p0:p0 + p_ch, :]
            xw2 = jnp.dot(xs6, w1x6_ref[...],
                          preferred_element_type=jnp.float32)
            h1 = jax.nn.gelu(qw2[:, None, :] + xw2[None, :, :])
            h2 = jax.nn.gelu(
                jnp.dot(h1.reshape(qt * p_ch, lanes), w22_ref[...],
                        preferred_element_type=jnp.float32) + b22_ref[...])
            k2 = jnp.dot(h2, w32_ref[...],
                         preferred_element_type=jnp.float32) + b32_ref[...]
            k2 = k2.reshape(qt, p_ch, lanes)
            xb = xb_ref[:, p0:p0 + p_ch, :]
            d2p = None
            for c in range(3):
                qb = jnp.broadcast_to(q[:, c:c + 1], (qt, lanes))
                dc = qb[:, None, :] - xb[c][None, :, :]
                s = dc * dc
                d2p = s if d2p is None else d2p + s
            k2 = k2 * (d2p <= r2).astype(jnp.float32)
            for b in range(batch):
                acc_ref[b] += jnp.sum(
                    k2 * f2_ref[b, p0:p0 + p_ch, :][None, :, :], axis=1)

    @pl.when(j == nj - 1)
    def _fini():
        denom = jnp.maximum(cnt_ref[...], 1.0)
        acc = acc_ref[...]
        out_ref[...] = ((acc[:, :, 0:out_ch] + acc[:, :, out_ch:])
                        / denom[None, :, :])


def kernel(x_coord, pndata, latent_tokens_coord, W_lift, b_lift,
           W1, b1, W2, b2, W3, b3):
    num_nodes = x_coord.shape[0]
    num_latent = latent_tokens_coord.shape[0]
    batch, _, in_ch = pndata.shape
    out_ch = W_lift.shape[0]
    hid = W1.shape[1]
    r2 = _RADIUS * _RADIUS
    n2 = num_nodes // 2
    nt2s = _NTS // 2

    def cell_code(c):
        g = jnp.clip(jnp.floor(c * (1.0 / _RADIUS)), 0, 9).astype(jnp.int32)
        return (g[:, 0] * 10 + g[:, 1]) * 10 + g[:, 2]

    perm_n = jnp.argsort(cell_code(x_coord))
    perm_q = jnp.argsort(cell_code(latent_tokens_coord))
    xs = x_coord[perm_n]
    qs = latent_tokens_coord[perm_q]
    pnds = pndata[:, perm_n, :]

    xt8 = jnp.zeros((8, num_nodes), jnp.float32).at[0:3, :].set(xs.T)
    xs6 = xs.reshape(n2, 6)
    xb = jnp.concatenate([
        jnp.broadcast_to(xs[0::2].T[:, :, None], (3, n2, out_ch)),
        jnp.broadcast_to(xs[1::2].T[:, :, None], (3, n2, out_ch)),
    ], axis=2)

    def blockdiag(w):
        r, c = w.shape
        z = jnp.zeros((2 * r, 2 * c), w.dtype)
        return z.at[0:r, 0:c].set(w).at[r:, c:].set(w)

    wl2 = blockdiag(W_lift.T)
    bl2 = jnp.tile(b_lift.reshape(1, -1), (1, 2))
    w1x6 = blockdiag(W1[0:3, :])
    w1q2 = jnp.tile(W1[3:6, :], (1, 2))
    b12 = jnp.tile(b1.reshape(1, -1), (1, 2))
    w22 = blockdiag(W2)
    b22 = jnp.tile(b2.reshape(1, -1), (1, 2))
    w32 = blockdiag(W3)
    b32 = jnp.tile(b3.reshape(1, -1), (1, 2))

    pnd6 = pnds.reshape(batch, n2, 2 * in_ch)
    lift_tiles = num_nodes // _LT
    lt2 = _LT // 2
    f2 = pl.pallas_call(
        _lift_kernel,
        grid=(lift_tiles,),
        in_specs=[
            pl.BlockSpec((batch, lt2, 2 * in_ch), lambda i: (0, i, 0)),
            pl.BlockSpec((2 * in_ch, 2 * out_ch), lambda i: (0, 0)),
            pl.BlockSpec((1, 2 * out_ch), lambda i: (0, 0)),
        ],
        out_specs=pl.BlockSpec((batch, lt2, 2 * out_ch), lambda i: (0, i, 0)),
        out_shape=jax.ShapeDtypeStruct((batch, n2, 2 * out_ch), jnp.float32),
    )(pnd6, wl2, bl2)

    q_tiles = num_latent // _QT
    j_tiles = num_nodes // _NTS
    enc = functools.partial(_enc_kernel, r2=r2, batch=batch, out_ch=out_ch)
    out_sorted = pl.pallas_call(
        enc,
        grid=(q_tiles, j_tiles),
        in_specs=[
            pl.BlockSpec((_QT, 3), lambda i, j: (i, 0)),
            pl.BlockSpec((8, _NTS), lambda i, j: (0, j)),
            pl.BlockSpec((nt2s, 6), lambda i, j: (j, 0)),
            pl.BlockSpec((3, nt2s, 2 * out_ch), lambda i, j: (0, j, 0)),
            pl.BlockSpec((batch, nt2s, 2 * out_ch), lambda i, j: (0, j, 0)),
            pl.BlockSpec((3, 2 * hid), lambda i, j: (0, 0)),
            pl.BlockSpec((1, 2 * hid), lambda i, j: (0, 0)),
            pl.BlockSpec((6, 2 * hid), lambda i, j: (0, 0)),
            pl.BlockSpec((2 * hid, 2 * hid), lambda i, j: (0, 0)),
            pl.BlockSpec((1, 2 * hid), lambda i, j: (0, 0)),
            pl.BlockSpec((2 * hid, 2 * out_ch), lambda i, j: (0, 0)),
            pl.BlockSpec((1, 2 * out_ch), lambda i, j: (0, 0)),
        ],
        out_specs=pl.BlockSpec((batch, _QT, out_ch), lambda i, j: (0, i, 0)),
        out_shape=jax.ShapeDtypeStruct((batch, num_latent, out_ch),
                                       jnp.float32),
        scratch_shapes=[
            pltpu.VMEM((batch, _QT, 2 * out_ch), jnp.float32),
            pltpu.VMEM((_QT, 1), jnp.float32),
        ],
    )(qs, xt8, xs6, xb, f2, w1q2, b12, w1x6, w22, b22, w32, b32)

    inv_q = jnp.argsort(perm_q)
    return out_sorted[:, inv_q, :]

# --- scband reference (transcript-rebuilt; emitter-appended) ---
"""Pipeline reference for scband-magnoencoder-72816875536552 (READ-ONLY COPY).

The authoritative reference and input builder live on the scoring server;
editing this copy changes nothing except your own understanding.
"""

import jax, jax.numpy as jnp
import numpy as np

GNO_RADIUS = 0.1
SCALES = [1.0]
NUM_NODES = 8192
NUM_LATENT = 4096
IN_CH = 32
OUT_CH = 64
HID = 64
BATCH = 4

def _neighbor_search(data, queries, radius):
    data = np.asarray(data)
    queries = np.asarray(queries)
    r2 = radius * radius
    idx_list = []
    counts = []
    chunk = 512
    for s in range(0, queries.shape[0], chunk):
        q = queries[s:s + chunk]
        d2 = ((q[:, None, :] - data[None, :, :]) ** 2).sum(-1)
        mask = d2 <= r2
        for row in mask:
            nz = np.nonzero(row)[0]
            idx_list.append(nz)
            counts.append(nz.shape[0])
    nbr_idx = np.concatenate(idx_list).astype(np.int64)
    counts = np.asarray(counts, dtype=np.int64)
    return nbr_idx, counts

def setup_inputs(seed: int = 0):
    key = jax.random.key(seed)
    ks = jax.random.split(key, 9)
    x_coord = jax.random.uniform(ks[0], (NUM_NODES, 3), dtype=jnp.float32)
    pndata = jax.random.normal(ks[1], (BATCH, NUM_NODES, IN_CH), dtype=jnp.float32)
    latent_tokens_coord = jax.random.uniform(ks[2], (NUM_LATENT, 3), dtype=jnp.float32)
    W_lift = jax.random.normal(ks[3], (OUT_CH, IN_CH), dtype=jnp.float32) / np.sqrt(IN_CH)
    b_lift = jnp.zeros((OUT_CH,), dtype=jnp.float32)
    W1 = jax.random.normal(ks[4], (6, HID), dtype=jnp.float32) / np.sqrt(6.0)
    b1 = jnp.zeros((HID,), dtype=jnp.float32)
    W2 = jax.random.normal(ks[5], (HID, HID), dtype=jnp.float32) / np.sqrt(HID)
    b2 = jnp.zeros((HID,), dtype=jnp.float32)
    W3 = jax.random.normal(ks[6], (HID, OUT_CH), dtype=jnp.float32) / np.sqrt(HID)
    b3 = jnp.zeros((OUT_CH,), dtype=jnp.float32)
    return {"x_coord": x_coord, "pndata": pndata, "latent_tokens_coord": latent_tokens_coord, "W_lift": W_lift, "b_lift": b_lift, "W1": W1, "b1": b1, "W2": W2, "b2": b2, "W3": W3, "b3": b3}

def reference(x_coord, pndata, latent_tokens_coord, W_lift, b_lift, W1, b1, W2, b2, W3, b3):
    # lifting (ChannelMLP, 1 layer == pointwise linear over channels)
    f = jnp.einsum('bni,oi->bno', pndata, W_lift) + b_lift
    num_nodes = x_coord.shape[0]
    num_latent = latent_tokens_coord.shape[0]
    batch = pndata.shape[0]
    out_ch = W_lift.shape[0]
    chunk = 128
    encoded_scales = []
    for scale in SCALES:
        radius = GNO_RADIUS * scale
        r2 = radius * radius
        q_blocks = latent_tokens_coord.reshape(num_latent // chunk, chunk, 3)

        def scan_body(carry, qc):
            d2 = ((qc[:, None, :] - x_coord[None, :, :]) ** 2).sum(-1)
            mask = d2 <= r2                                        # [C, N]
            rep = jnp.broadcast_to(x_coord[None, :, :], (chunk, num_nodes, 3))
            self_c = jnp.broadcast_to(qc[:, None, :], (chunk, num_nodes, 3))
            agg = jnp.concatenate([rep, self_c], axis=-1)          # [C, N, 6]
            h = jax.nn.gelu(agg @ W1 + b1)
            h = jax.nn.gelu(h @ W2 + b2)
            kmat = h @ W3 + b3                                     # [C, N, OUT_CH]
            kmat = kmat * mask[:, :, None].astype(kmat.dtype)
            summed = jnp.einsum('qno,bno->qbo', kmat, f)           # [C, B, OUT_CH]
            counts = jnp.sum(mask, axis=1)
            denom = jnp.maximum(counts.astype(jnp.float32), 1.0)
            out = summed / denom[:, None, None]
            return carry, out

        _, outs = jax.lax.scan(scan_body, 0, q_blocks)             # [L/C, C, B, OUT_CH]
        out = outs.reshape(num_latent, batch, out_ch)
        encoded_scales.append(jnp.transpose(out, (1, 0, 2)))
    if len(encoded_scales) == 1:
        return encoded_scales[0]
    return jnp.sum(jnp.stack(encoded_scales, axis=0), axis=0)

if __name__ == "__main__":
    import jax
    _d = setup_inputs()
    print(jax.jit(kernel)(*tuple(_d.values())))

</pallas_src>

<mosaic_0001>
module attributes {stable_mosaic.version = 14 : i64} {
  func.func @_lift_kernel(%arg0: i32, %arg1: memref<4x64x64xf32, #tpu.memory_space<vmem>>, %arg2: memref<64x128xf32, #tpu.memory_space<vmem>>, %arg3: memref<1x128xf32, #tpu.memory_space<vmem>>, %arg4: memref<4x64x128xf32, #tpu.memory_space<vmem>>) attributes {dimension_semantics = [#tpu.dimension_semantics<arbitrary>], iteration_bounds = array<i64: 64>, scalar_prefetch = 0 : i64, scratch_operands = 0 : i64, tpu.core_type = #tpu.core_type<tc>, window_params = [{transform_indices = @transform_0, window_bounds = array<i64: 4, 64, 64>}, {pipeline_mode = #tpu.pipeline_mode<synchronous>, transform_indices = @transform_1, window_bounds = array<i64: 64, 128>}, {pipeline_mode = #tpu.pipeline_mode<synchronous>, transform_indices = @transform_2, window_bounds = array<i64: 1, 128>}, {transform_indices = @transform_3, window_bounds = array<i64: 4, 64, 128>}]} {
    %get3A = arith.constant 0 : index
    %get3A_0 = arith.constant 0 : index
    %get3A_1 = arith.constant 0 : index
    %get3A_2 = vector.load %arg1[%get3A, %get3A_0, %get3A_1] : memref<4x64x64xf32, #tpu.memory_space<vmem>>, vector<4x64x64xf32>
    %reshape3A = vector.shape_cast %get3A_2 : vector<4x64x64xf32> to vector<256x64xf32>
    %get3A_3 = arith.constant 0 : index
    %get3A_4 = arith.constant 0 : index
    %get3A_5 = vector.load %arg2[%get3A_3, %get3A_4] : memref<64x128xf32, #tpu.memory_space<vmem>>, vector<64x128xf32>
    %dot_general3A = arith.constant dense<0.000000e+00> : vector<256x128xf32>
    %dot_general3A_6 = tpu.matmul %reshape3A, %get3A_5, %dot_general3A {dimension_numbers = #tpu.dot_dimension_numbers<[1], [0], [0], [1], [0, 0, 1, 1], [], []>, transpose_lhs_hint = false} : vector<256x64xf32>, vector<64x128xf32>, vector<256x128xf32> -> vector<256x128xf32>
    %get3A_7 = arith.constant 0 : index
    %get3A_8 = arith.constant 0 : index
    %get3A_9 = vector.load %arg3[%get3A_7, %get3A_8] : memref<1x128xf32, #tpu.memory_space<vmem>>, vector<1x128xf32>
    %add3A = vector.broadcast %get3A_9 : vector<1x128xf32> to vector<256x128xf32>
    %add3A_10 = arith.addf %dot_general3A_6, %add3A : vector<256x128xf32>
    %reshape3A_11 = vector.shape_cast %add3A_10 : vector<256x128xf32> to vector<4x64x128xf32>
    %swap3A = arith.constant 0 : index
    %swap3A_12 = arith.constant 0 : index
    %swap3A_13 = arith.constant 0 : index
    %swap3A_14 = vector.load %arg4[%swap3A, %swap3A_12, %swap3A_13] : memref<4x64x128xf32, #tpu.memory_space<vmem>>, vector<4x64x128xf32>
    tpu.vector_store %arg4[%swap3A, %swap3A_12, %swap3A_13], %reshape3A_11 {strides = array<i32>} : memref<4x64x128xf32, #tpu.memory_space<vmem>>, vector<4x64x128xf32>,
    return
  }
  func.func @transform_0(%arg0: i32) -> (i32, i32, i32) {
    %c0_i32 = arith.constant 0 : i32
    %c0_i32_0 = arith.constant 0 : i32
    %c0_i32_1 = arith.constant 0 : i32
    return %c0_i32, %arg0, %c0_i32_0 : i32, i32, i32
  }
  func.func @transform_1(%arg0: i32) -> (i32, i32) {
    %c0_i32 = arith.constant 0 : i32
    %c0_i32_0 = arith.constant 0 : i32
    %c0_i32_1 = arith.constant 0 : i32
    return %c0_i32, %c0_i32_0 : i32, i32
  }
  func.func @transform_2(%arg0: i32) -> (i32, i32) {
    %c0_i32 = arith.constant 0 : i32
    %c0_i32_0 = arith.constant 0 : i32
    %c0_i32_1 = arith.constant 0 : i32
    return %c0_i32, %c0_i32_0 : i32, i32
  }
  func.func @transform_3(%arg0: i32) -> (i32, i32, i32) {
    %c0_i32 = arith.constant 0 : i32
    %c0_i32_0 = arith.constant 0 : i32
    %c0_i32_1 = arith.constant 0 : i32
    return %c0_i32, %arg0, %c0_i32_0 : i32, i32, i32
  }
}

module attributes {stable_mosaic.version = 14 : i64} {
  func.func @_enc_kernel(%arg0: i32, %arg1: i32, %arg2: memref<64x3xf32, #tpu.memory_space<vmem>>, %arg3: memref<8x1024xf32, #tpu.memory_space<vmem>>, %arg4: memref<512x6xf32, #tpu.memory_space<vmem>>, %arg5: memref<3x512x128xf32, #tpu.memory_space<vmem>>, %arg6: memref<4x512x128xf32, #tpu.memory_space<vmem>>, %arg7: memref<3x128xf32, #tpu.memory_space<vmem>>, %arg8: memref<1x128xf32, #tpu.memory_space<vmem>>, %arg9: memref<6x128xf32, #tpu.memory_space<vmem>>, %arg10: memref<128x128xf32, #tpu.memory_space<vmem>>, %arg11: memref<1x128xf32, #tpu.memory_space<vmem>>, %arg12: memref<128x128xf32, #tpu.memory_space<vmem>>, %arg13: memref<1x128xf32, #tpu.memory_space<vmem>>, %arg14: memref<4x64x64xf32, #tpu.memory_space<vmem>>, %arg15: memref<4x64x128xf32, #tpu.memory_space<vmem>>, %arg16: memref<64x1xf32, #tpu.memory_space<vmem>>) attributes {dimension_semantics = [#tpu.dimension_semantics<arbitrary>, #tpu.dimension_semantics<arbitrary>], iteration_bounds = array<i64: 64, 8>, scalar_prefetch = 0 : i64, scratch_operands = 2 : i64, tpu.core_type = #tpu.core_type<tc>, window_params = [{transform_indices = @transform_0, window_bounds = array<i64: 64, 3>}, {transform_indices = @transform_1, window_bounds = array<i64: 8, 1024>}, {transform_indices = @transform_2, window_bounds = array<i64: 512, 6>}, {transform_indices = @transform_3, window_bounds = array<i64: 3, 512, 128>}, {transform_indices = @transform_4, window_bounds = array<i64: 4, 512, 128>}, {pipeline_mode = #tpu.pipeline_mode<synchronous>, transform_indices = @transform_5, window_bounds = array<i64: 3, 128>}, {pipeline_mode = #tpu.pipeline_mode<synchronous>, transform_indices = @transform_6, window_bounds = array<i64: 1, 128>}, {pipeline_mode = #tpu.pipeline_mode<synchronous>, transform_indices = @transform_7, window_bounds = array<i64: 6, 128>}, {pipeline_mode = #tpu.pipeline_mode<synchronous>, transform_indices = @transform_8, window_bounds = array<i64: 128, 128>}, {pipeline_mode = #tpu.pipeline_mode<synchronous>, transform_indices = @transform_9, window_bounds = array<i64: 1, 128>}, {pipeline_mode = #tpu.pipeline_mode<synchronous>, transform_indices = @transform_10, window_bounds = array<i64: 128, 128>}, {pipeline_mode = #tpu.pipeline_mode<synchronous>, transform_indices = @transform_11, window_bounds = array<i64: 1, 128>}, {transform_indices = @transform_12, window_bounds = array<i64: 4, 64, 64>}]} {
    %get3A = arith.constant 0 : index
    %get3A_0 = arith.constant 0 : index
    %get3A_1 = vector.load %arg2[%get3A, %get3A_0] : memref<64x3xf32, #tpu.memory_space<vmem>>, vector<64x3xf32>
    %eq3A = arith.constant 0 : i32
    %eq3A_2 = arith.cmpi eq, %arg1, %eq3A : i32
    %convert_element_type3A = arith.extui %eq3A_2 : i1 to i32
    %cond3A = arith.constant 0 : i32
    %cond3A_3 = arith.cmpi ne, %convert_element_type3A, %cond3A : i32
    scf.if %cond3A_3 {
      %broadcast_in_dim3A = arith.constant 0.000000e+00 : f32
      %broadcast_in_dim3A_340 = vector.broadcast %broadcast_in_dim3A : f32 to vector<4x64x128xf32>
      %swap3A = arith.constant 0 : index
      %swap3A_341 = arith.constant 0 : index
      %swap3A_342 = arith.constant 0 : index
      %swap3A_343 = vector.load %arg15[%swap3A, %swap3A_341, %swap3A_342] : memref<4x64x128xf32, #tpu.memory_space<vmem>>, vector<4x64x128xf32>
      tpu.vector_store %arg15[%swap3A, %swap3A_341, %swap3A_342], %broadcast_in_dim3A_340 {strides = array<i32>} : memref<4x64x128xf32, #tpu.memory_space<vmem>>, vector<4x64x128xf32>,
      %broadcast_in_dim3A_344 = arith.constant 0.000000e+00 : f32
      %broadcast_in_dim3A_345 = vector.broadcast %broadcast_in_dim3A_344 : f32 to vector<64x1xf32>
      %swap3A_346 = arith.constant 0 : index
      %swap3A_347 = arith.constant 0 : index
      %swap3A_348 = vector.load %arg16[%swap3A_346, %swap3A_347] : memref<64x1xf32, #tpu.memory_space<vmem>>, vector<64x1xf32>
      tpu.vector_store %arg16[%swap3A_346, %swap3A_347], %broadcast_in_dim3A_345 {strides = array<i32>} : memref<64x1xf32, #tpu.memory_space<vmem>>, vector<64x1xf32>,
    } else {
    }
    %get3A_4 = arith.constant 0 : index
    %get3A_5 = arith.constant 0 : index
    %get3A_6 = vector.load %arg7[%get3A_4, %get3A_5] : memref<3x128xf32, #tpu.memory_space<vmem>>, vector<3x128xf32>
    %dot_general3A = arith.constant dense<0.000000e+00> : vector<64x128xf32>
    %dot_general3A_7 = tpu.matmul %get3A_1, %get3A_6, %dot_general3A {dimension_numbers = #tpu.dot_dimension_numbers<[1], [0], [0], [1], [0, 0, 1, 1], [], []>, transpose_lhs_hint = false} : vector<64x3xf32>, vector<3x128xf32>, vector<64x128xf32> -> vector<64x128xf32>
    %get3A_8 = arith.constant 0 : index
    %get3A_9 = arith.constant 0 : index
    %get3A_10 = vector.load %arg8[%get3A_8, %get3A_9] : memref<1x128xf32, #tpu.memory_space<vmem>>, vector<1x128xf32>
    %add3A = vector.broadcast %get3A_10 : vector<1x128xf32> to vector<64x128xf32>
    %add3A_11 = arith.addf %dot_general3A_7, %add3A : vector<64x128xf32>
    %get3A_12 = arith.constant 0 : index
    %get3A_13 = arith.constant 0 : index
    %get3A_14 = vector.load %arg3[%get3A_12, %get3A_13] : memref<8x1024xf32, #tpu.memory_space<vmem>>, vector<8x128xf32>
    %slice3A = vector.extract_strided_slice %get3A_1 {offsets = [0, 0], sizes = [64, 1], strides = [1, 1]} : vector<64x3xf32> to vector<64x1xf32>
    %slice3A_15 = vector.extract_strided_slice %get3A_14 {offsets = [0, 0], sizes = [1, 128], strides = [1, 1]} : vector<8x128xf32> to vector<1x128xf32>
    %sub3A = vector.broadcast %slice3A : vector<64x1xf32> to vector<64x128xf32>
    %sub3A_16 = vector.broadcast %slice3A_15 : vector<1x128xf32> to vector<64x128xf32>
    %sub3A_17 = arith.subf %sub3A, %sub3A_16 : vector<64x128xf32>
    %mul3A = arith.mulf %sub3A_17, %sub3A_17 : vector<64x128xf32>
    %slice3A_18 = vector.extract_strided_slice %get3A_1 {offsets = [0, 1], sizes = [64, 1], strides = [1, 1]} : vector<64x3xf32> to vector<64x1xf32>
    %slice3A_19 = vector.extract_strided_slice %get3A_14 {offsets = [1, 0], sizes = [1, 128], strides = [1, 1]} : vector<8x128xf32> to vector<1x128xf32>
    %sub3A_20 = vector.broadcast %slice3A_18 : vector<64x1xf32> to vector<64x128xf32>
    %sub3A_21 = vector.broadcast %slice3A_19 : vector<1x128xf32> to vector<64x128xf32>
    %sub3A_22 = arith.subf %sub3A_20, %sub3A_21 : vector<64x128xf32>
    %mul3A_23 = arith.mulf %sub3A_22, %sub3A_22 : vector<64x128xf32>
    %add3A_24 = arith.addf %mul3A, %mul3A_23 : vector<64x128xf32>
    %slice3A_25 = vector.extract_strided_slice %get3A_1 {offsets = [0, 2], sizes = [64, 1], strides = [1, 1]} : vector<64x3xf32> to vector<64x1xf32>
    %slice3A_26 = vector.extract_strided_slice %get3A_14 {offsets = [2, 0], sizes = [1, 128], strides = [1, 1]} : vector<8x128xf32> to vector<1x128xf32>
    %sub3A_27 = vector.broadcast %slice3A_25 : vector<64x1xf32> to vector<64x128xf32>
    %sub3A_28 = vector.broadcast %slice3A_26 : vector<1x128xf32> to vector<64x128xf32>
    %sub3A_29 = arith.subf %sub3A_27, %sub3A_28 : vector<64x128xf32>
    %mul3A_30 = arith.mulf %sub3A_29, %sub3A_29 : vector<64x128xf32>
    %add3A_31 = arith.addf %add3A_24, %mul3A_30 : vector<64x128xf32>
    %le3A = arith.constant 0.00999999977 : f32
    %le3A_32 = vector.broadcast %le3A : f32 to vector<64x128xf32>
    %le3A_33 = arith.cmpf ole, %add3A_31, %le3A_32 : vector<64x128xf32>
    %reduce_or3A = arith.constant 1.000000e+00 : f32
    %reduce_or3A_34 = arith.constant 0.000000e+00 : f32
    %reduce_or3A_35 = vector.broadcast %reduce_or3A : f32 to vector<64x128xf32>
    %reduce_or3A_36 = vector.broadcast %reduce_or3A_34 : f32 to vector<64x128xf32>
    %reduce_or3A_37 = arith.select %le3A_33, %reduce_or3A_35, %reduce_or3A_36 : vector<64x128xi1>, vector<64x128xf32>
    %reduce_or3A_38 = vector.shape_cast %reduce_or3A_37 : vector<64x128xf32> to vector<1x64x128xf32>
    %reduce_or3A_39 = arith.constant dense<0xFF800000> : vector<1xf32>
    %reduce_or3A_40 = vector.multi_reduction <maximumf>, %reduce_or3A_38, %reduce_or3A_39 [1, 2] : vector<1x64x128xf32> to vector<1xf32>
    %reduce_or3A_41 = vector.shape_cast %reduce_or3A_40 : vector<1xf32> to vector<1x1x1xf32>
    %reduce_or3A_42 = vector.extract %reduce_or3A_41[0, 0, 0] : f32 from vector<1x1x1xf32>
    %reduce_or3A_43 = arith.constant 0.000000e+00 : f32
    %reduce_or3A_44 = arith.cmpf ogt, %reduce_or3A_42, %reduce_or3A_43 : f32
    %convert_element_type3A_45 = arith.extui %reduce_or3A_44 : i1 to i32
    %cond3A_46 = arith.constant 0 : i32
    %cond3A_47 = arith.cmpi ne, %convert_element_type3A_45, %cond3A_46 : i32
    scf.if %cond3A_47 {
      %get3A_340 = arith.constant 0 : index
      %get3A_341 = arith.constant 0 : index
      %get3A_342 = vector.load %arg16[%get3A_340, %get3A_341] : memref<64x1xf32, #tpu.memory_space<vmem>>, vector<64x1xf32>
      %convert_element_type3A_343 = arith.extui %le3A_33 : vector<64x128xi1> to vector<64x128xi32>
      %convert_element_type3A_344 = arith.sitofp %convert_element_type3A_343 : vector<64x128xi32> to vector<64x128xf32>
      %reduce_sum3A = arith.constant dense<0.000000e+00> : vector<64xf32>
      %reduce_sum3A_345 = vector.multi_reduction <add>, %convert_element_type3A_344, %reduce_sum3A [1] : vector<64x128xf32> to vector<64xf32>
      %broadcast_in_dim3A = vector.shape_cast %reduce_sum3A_345 : vector<64xf32> to vector<64x1xf32>
      %add3A_346 = arith.addf %get3A_342, %broadcast_in_dim3A : vector<64x1xf32>
      %swap3A = arith.constant 0 : index
      %swap3A_347 = arith.constant 0 : index
      %swap3A_348 = vector.load %arg16[%swap3A, %swap3A_347] : memref<64x1xf32, #tpu.memory_space<vmem>>, vector<64x1xf32>
      tpu.vector_store %arg16[%swap3A, %swap3A_347], %add3A_346 {strides = array<i32>} : memref<64x1xf32, #tpu.memory_space<vmem>>, vector<64x1xf32>,
      %get3A_349 = arith.constant 0 : index
      %get3A_350 = arith.constant 0 : index
      %get3A_351 = vector.load %arg4[%get3A_349, %get3A_350] : memref<512x6xf32, #tpu.memory_space<vmem>>, vector<64x6xf32>
      %get3A_352 = arith.constant 0 : index
      %get3A_353 = arith.constant 0 : index
      %get3A_354 = vector.load %arg9[%get3A_352, %get3A_353] : memref<6x128xf32, #tpu.memory_space<vmem>>, vector<6x128xf32>
      %dot_general3A_355 = arith.constant dense<0.000000e+00> : vector<64x128xf32>
      %dot_general3A_356 = tpu.matmul %get3A_351, %get3A_354, %dot_general3A_355 {dimension_numbers = #tpu.dot_dimension_numbers<[1], [0], [0], [1], [0, 0, 1, 1], [], []>, transpose_lhs_hint = false} : vector<64x6xf32>, vector<6x128xf32>, vector<64x128xf32> -> vector<64x128xf32>
      %broadcast_in_dim3A_357 = vector.shape_cast %add3A_11 : vector<64x128xf32> to vector<64x1x128xf32>
      %broadcast_in_dim3A_358 = vector.shape_cast %dot_general3A_356 : vector<64x128xf32> to vector<1x64x128xf32>
      %add3A_359 = vector.broadcast %broadcast_in_dim3A_357 : vector<64x1x128xf32> to vector<64x64x128xf32>
      %add3A_360 = vector.broadcast %broadcast_in_dim3A_358 : vector<1x64x128xf32> to vector<64x64x128xf32>
      %add3A_361 = arith.addf %add3A_359, %add3A_360 : vector<64x64x128xf32>
      %integer_pow3A = arith.mulf %add3A_361, %add3A_361 : vector<64x64x128xf32>
      %integer_pow3A_362 = arith.mulf %add3A_361, %integer_pow3A : vector<64x64x128xf32>
      %mul3A_363 = arith.constant 4.471500e-02 : f32
      %mul3A_364 = vector.broadcast %mul3A_363 : f32 to vector<64x64x128xf32>
      %mul3A_365 = arith.mulf %mul3A_364, %integer_pow3A_362 : vector<64x64x128xf32>
      %add3A_366 = arith.addf %add3A_361, %mul3A_365 : vector<64x64x128xf32>
      %mul3A_367 = arith.constant 0.797884583 : f32
      %mul3A_368 = vector.broadcast %mul3A_367 : f32 to vector<64x64x128xf32>
      %mul3A_369 = arith.mulf %mul3A_368, %add3A_366 : vector<64x64x128xf32>
      %tanh3A = math.tanh %mul3A_369 : vector<64x64x128xf32>
      %add3A_370 = arith.constant 1.000000e+00 : f32
      %add3A_371 = vector.broadcast %add3A_370 : f32 to vector<64x64x128xf32>
      %add3A_372 = arith.addf %add3A_371, %tanh3A : vector<64x64x128xf32>
      %mul3A_373 = arith.constant 5.000000e-01 : f32
      %mul3A_374 = vector.broadcast %mul3A_373 : f32 to vector<64x64x128xf32>
      %mul3A_375 = arith.mulf %mul3A_374, %add3A_372 : vector<64x64x128xf32>
      %mul3A_376 = arith.mulf %add3A_361, %mul3A_375 : vector<64x64x128xf32>
      %reshape3A = vector.shape_cast %mul3A_376 : vector<64x64x128xf32> to vector<4096x128xf32>
      %get3A_377 = arith.constant 0 : index
      %get3A_378 = arith.constant 0 : index
      %get3A_379 = vector.load %arg10[%get3A_377, %get3A_378] : memref<128x128xf32, #tpu.memory_space<vmem>>, vector<128x128xf32>
      %dot_general3A_380 = arith.constant dense<0.000000e+00> : vector<4096x128xf32>
      %dot_general3A_381 = tpu.matmul %reshape3A, %get3A_379, %dot_general3A_380 {dimension_numbers = #tpu.dot_dimension_numbers<[1], [0], [0], [1], [0, 0, 1, 1], [], []>, transpose_lhs_hint = false} : vector<4096x128xf32>, vector<128x128xf32>, vector<4096x128xf32> -> vector<4096x128xf32>
      %get3A_382 = arith.constant 0 : index
      %get3A_383 = arith.constant 0 : index
      %get3A_384 = vector.load %arg11[%get3A_382, %get3A_383] : memref<1x128xf32, #tpu.memory_space<vmem>>, vector<1x128xf32>
      %add3A_385 = vector.broadcast %get3A_384 : vector<1x128xf32> to vector<4096x128xf32>
      %add3A_386 = arith.addf %dot_general3A_381, %add3A_385 : vector<4096x128xf32>
      %integer_pow3A_387 = arith.mulf %add3A_386, %add3A_386 : vector<4096x128xf32>
      %integer_pow3A_388 = arith.mulf %add3A_386, %integer_pow3A_387 : vector<4096x128xf32>
      %mul3A_389 = arith.constant 4.471500e-02 : f32
      %mul3A_390 = vector.broadcast %mul3A_389 : f32 to vector<4096x128xf32>
      %mul3A_391 = arith.mulf %mul3A_390, %integer_pow3A_388 : vector<4096x128xf32>
      %add3A_392 = arith.addf %add3A_386, %mul3A_391 : vector<4096x128xf32>
      %mul3A_393 = arith.constant 0.797884583 : f32
      %mul3A_394 = vector.broadcast %mul3A_393 : f32 to vector<4096x128xf32>
      %mul3A_395 = arith.mulf %mul3A_394, %add3A_392 : vector<4096x128xf32>
      %tanh3A_396 = math.tanh %mul3A_395 : vector<4096x128xf32>
      %add3A_397 = arith.constant 1.000000e+00 : f32
      %add3A_398 = vector.broadcast %add3A_397 : f32 to vector<4096x128xf32>
      %add3A_399 = arith.addf %add3A_398, %tanh3A_396 : vector<4096x128xf32>
      %mul3A_400 = arith.constant 5.000000e-01 : f32
      %mul3A_401 = vector.broadcast %mul3A_400 : f32 to vector<4096x128xf32>
      %mul3A_402 = arith.mulf %mul3A_401, %add3A_399 : vector<4096x128xf32>
      %mul3A_403 = arith.mulf %add3A_386, %mul3A_402 : vector<4096x128xf32>
      %get3A_404 = arith.constant 0 : index
      %get3A_405 = arith.constant 0 : index
      %get3A_406 = vector.load %arg12[%get3A_404, %get3A_405] : memref<128x128xf32, #tpu.memory_space<vmem>>, vector<128x128xf32>
      %dot_general3A_407 = arith.constant dense<0.000000e+00> : vector<4096x128xf32>
      %dot_general3A_408 = tpu.matmul %mul3A_403, %get3A_406, %dot_general3A_407 {dimension_numbers = #tpu.dot_dimension_numbers<[1], [0], [0], [1], [0, 0, 1, 1], [], []>, transpose_lhs_hint = false} : vector<4096x128xf32>, vector<128x128xf32>, vector<4096x128xf32> -> vector<4096x128xf32>
      %get3A_409 = arith.constant 0 : index
      %get3A_410 = arith.constant 0 : index
      %get3A_411 = vector.load %arg13[%get3A_409, %get3A_410] : memref<1x128xf32, #tpu.memory_space<vmem>>, vector<1x128xf32>
      %add3A_412 = vector.broadcast %get3A_411 : vector<1x128xf32> to vector<4096x128xf32>
      %add3A_413 = arith.addf %dot_general3A_408, %add3A_412 : vector<4096x128xf32>
      %reshape3A_414 = vector.shape_cast %add3A_413 : vector<4096x128xf32> to vector<64x64x128xf32>
      %get3A_415 = arith.constant 0 : index
      %get3A_416 = arith.constant 0 : index
      %get3A_417 = arith.constant 0 : index
      %get3A_418 = vector.load %arg5[%get3A_415, %get3A_416, %get3A_417] : memref<3x512x128xf32, #tpu.memory_space<vmem>>, vector<3x64x128xf32>
      %slice3A_419 = vector.extract_strided_slice %get3A_1 {offsets = [0, 0], sizes = [64, 1], strides = [1, 1]} : vector<64x3xf32> to vector<64x1xf32>
      %broadcast_in_dim3A_420 = vector.shape_cast %slice3A_419 : vector<64x1xf32> to vector<64x1xf32>
      %broadcast_in_dim3A_421 = vector.broadcast %broadcast_in_dim3A_420 : vector<64x1xf32> to vector<64x128xf32>
      %broadcast_in_dim3A_422 = vector.shape_cast %broadcast_in_dim3A_421 : vector<64x128xf32> to vector<64x1x128xf32>
      %slice3A_423 = vector.extract_strided_slice %get3A_418 {offsets = [0, 0, 0], sizes = [1, 64, 128], strides = [1, 1, 1]} : vector<3x64x128xf32> to vector<1x64x128xf32>
      %squeeze3A = vector.shape_cast %slice3A_423 : vector<1x64x128xf32> to vector<64x128xf32>
      %broadcast_in_dim3A_424 = vector.shape_cast %squeeze3A : vector<64x128xf32> to vector<1x64x128xf32>
      %sub3A_425 = vector.broadcast %broadcast_in_dim3A_422 : vector<64x1x128xf32> to vector<64x64x128xf32>
      %sub3A_426 = vector.broadcast %broadcast_in_dim3A_424 : vector<1x64x128xf32> to vector<64x64x128xf32>
      %sub3A_427 = arith.subf %sub3A_425, %sub3A_426 : vector<64x64x128xf32>
      %mul3A_428 = arith.mulf %sub3A_427, %sub3A_427 : vector<64x64x128xf32>
      %slice3A_429 = vector.extract_strided_slice %get3A_1 {offsets = [0, 1], sizes = [64, 1], strides = [1, 1]} : vector<64x3xf32> to vector<64x1xf32>
      %broadcast_in_dim3A_430 = vector.shape_cast %slice3A_429 : vector<64x1xf32> to vector<64x1xf32>
      %broadcast_in_dim3A_431 = vector.broadcast %broadcast_in_dim3A_430 : vector<64x1xf32> to vector<64x128xf32>
      %broadcast_in_dim3A_432 = vector.shape_cast %broadcast_in_dim3A_431 : vector<64x128xf32> to vector<64x1x128xf32>
      %slice3A_433 = vector.extract_strided_slice %get3A_418 {offsets = [1, 0, 0], sizes = [1, 64, 128], strides = [1, 1, 1]} : vector<3x64x128xf32> to vector<1x64x128xf32>
      %squeeze3A_434 = vector.shape_cast %slice3A_433 : vector<1x64x128xf32> to vector<64x128xf32>
      %broadcast_in_dim3A_435 = vector.shape_cast %squeeze3A_434 : vector<64x128xf32> to vector<1x64x128xf32>
      %sub3A_436 = vector.broadcast %broadcast_in_dim3A_432 : vector<64x1x128xf32> to vector<64x64x128xf32>
      %sub3A_437 = vector.broadcast %broadcast_in_dim3A_435 : vector<1x64x128xf32> to vector<64x64x128xf32>
      %sub3A_438 = arith.subf %sub3A_436, %sub3A_437 : vector<64x64x128xf32>
      %mul3A_439 = arith.mulf %sub3A_438, %sub3A_438 : vector<64x64x128xf32>
      %add3A_440 = arith.addf %mul3A_428, %mul3A_439 : vector<64x64x128xf32>
      %slice3A_441 = vector.extract_strided_slice %get3A_1 {offsets = [0, 2], sizes = [64, 1], strides = [1, 1]} : vector<64x3xf32> to vector<64x1xf32>
      %broadcast_in_dim3A_442 = vector.shape_cast %slice3A_441 : vector<64x1xf32> to vector<64x1xf32>
      %broadcast_in_dim3A_443 = vector.broadcast %broadcast_in_dim3A_442 : vector<64x1xf32> to vector<64x128xf32>
      %broadcast_in_dim3A_444 = vector.shape_cast %broadcast_in_dim3A_443 : vector<64x128xf32> to vector<64x1x128xf32>
      %slice3A_445 = vector.extract_strided_slice %get3A_418 {offsets = [2, 0, 0], sizes = [1, 64, 128], strides = [1, 1, 1]} : vector<3x64x128xf32> to vector<1x64x128xf32>
      %squeeze3A_446 = vector.shape_cast %slice3A_445 : vector<1x64x128xf32> to vector<64x128xf32>
      %broadcast_in_dim3A_447 = vector.shape_cast %squeeze3A_446 : vector<64x128xf32> to vector<1x64x128xf32>
      %sub3A_448 = vector.broadcast %broadcast_in_dim3A_444 : vector<64x1x128xf32> to vector<64x64x128xf32>
      %sub3A_449 = vector.broadcast %broadcast_in_dim3A_447 : vector<1x64x128xf32> to vector<64x64x128xf32>
      %sub3A_450 = arith.subf %sub3A_448, %sub3A_449 : vector<64x64x128xf32>
      %mul3A_451 = arith.mulf %sub3A_450, %sub3A_450 : vector<64x64x128xf32>
      %add3A_452 = arith.addf %add3A_440, %mul3A_451 : vector<64x64x128xf32>
      %le3A_453 = arith.constant 0.00999999977 : f32
      %le3A_454 = vector.broadcast %le3A_453 : f32 to vector<64x64x128xf32>
      %le3A_455 = arith.cmpf ole, %add3A_452, %le3A_454 : vector<64x64x128xf32>
      %convert_element_type3A_456 = arith.extui %le3A_455 : vector<64x64x128xi1> to vector<64x64x128xi32>
      %convert_element_type3A_457 = arith.sitofp %convert_element_type3A_456 : vector<64x64x128xi32> to vector<64x64x128xf32>
      %mul3A_458 = arith.mulf %reshape3A_414, %convert_element_type3A_457 : vector<64x64x128xf32>
      %get3A_459 = arith.constant 0 : index
      %get3A_460 = arith.constant 0 : index
      %get3A_461 = arith.constant 0 : index
      %get3A_462 = vector.load %arg15[%get3A_459, %get3A_460, %get3A_461] : memref<4x64x128xf32, #tpu.memory_space<vmem>>, vector<1x64x128xf32>
      %get3A_463 = vector.shape_cast %get3A_462 : vector<1x64x128xf32> to vector<64x128xf32>
      %get3A_464 = arith.constant 0 : index
      %get3A_465 = arith.constant 0 : index
      %get3A_466 = arith.constant 0 : index
      %get3A_467 = vector.load %arg6[%get3A_464, %get3A_465, %get3A_466] : memref<4x512x128xf32, #tpu.memory_space<vmem>>, vector<1x64x128xf32>
      %get3A_468 = vector.shape_cast %get3A_467 : vector<1x64x128xf32> to vector<64x128xf32>
      %broadcast_in_dim3A_469 = vector.shape_cast %get3A_468 : vector<64x128xf32> to vector<1x64x128xf32>
      %mul3A_470 = vector.broadcast %broadcast_in_dim3A_469 : vector<1x64x128xf32> to vector<64x64x128xf32>
      %mul3A_471 = arith.mulf %mul3A_458, %mul3A_470 : vector<64x64x128xf32>
      %reduce_sum3A_472 = arith.constant dense<0.000000e+00> : vector<64x128xf32>
      %reduce_sum3A_473 = vector.multi_reduction <add>, %mul3A_471, %reduce_sum3A_472 [1] : vector<64x64x128xf32> to vector<64x128xf32>
      %add3A_474 = arith.addf %get3A_463, %reduce_sum3A_473 : vector<64x128xf32>
      %swap3A_475 = arith.constant 0 : index
      %swap3A_476 = arith.constant 0 : index
      %swap3A_477 = arith.constant 0 : index
      %swap3A_478 = vector.load %arg15[%swap3A_475, %swap3A_476, %swap3A_477] : memref<4x64x128xf32, #tpu.memory_space<vmem>>, vector<1x64x128xf32>
      %swap3A_479 = vector.shape_cast %swap3A_478 : vector<1x64x128xf32> to vector<64x128xf32>
      %swap3A_480 = vector.shape_cast %add3A_474 : vector<64x128xf32> to vector<1x64x128xf32>
      tpu.vector_store %arg15[%swap3A_475, %swap3A_476, %swap3A_477], %swap3A_480 {strides = array<i32>} : memref<4x64x128xf32, #tpu.memory_space<vmem>>, vector<1x64x128xf32>,
      %get3A_481 = arith.constant 1 : index
      %get3A_482 = arith.constant 0 : index
      %get3A_483 = arith.constant 0 : index
      %get3A_484 = vector.load %arg15[%get3A_481, %get3A_482, %get3A_483] : memref<4x64x128xf32, #tpu.memory_space<vmem>>, vector<1x64x128xf32>
      %get3A_485 = vector.shape_cast %get3A_484 : vector<1x64x128xf32> to vector<64x128xf32>
      %get3A_486 = arith.constant 1 : index
      %get3A_487 = arith.constant 0 : index
      %get3A_488 = arith.constant 0 : index
      %get3A_489 = vector.load %arg6[%get3A_486, %get3A_487, %get3A_488] : memref<4x512x128xf32, #tpu.memory_space<vmem>>, vector<1x64x128xf32>
      %get3A_490 = vector.shape_cast %get3A_489 : vector<1x64x128xf32> to vector<64x128xf32>
      %broadcast_in_dim3A_491 = vector.shape_cast %get3A_490 : vector<64x128xf32> to vector<1x64x128xf32>
      %mul3A_492 = vector.broadcast %broadcast_in_dim3A_491 : vector<1x64x128xf32> to vector<64x64x128xf32>
      %mul3A_493 = arith.mulf %mul3A_458, %mul3A_492 : vector<64x64x128xf32>
      %reduce_sum3A_494 = arith.constant dense<0.000000e+00> : vector<64x128xf32>
      %reduce_sum3A_495 = vector.multi_reduction <add>, %mul3A_493, %reduce_sum3A_494 [1] : vector<64x64x128xf32> to vector<64x128xf32>
      %add3A_496 = arith.addf %get3A_485, %reduce_sum3A_495 : vector<64x128xf32>
      %swap3A_497 = arith.constant 1 : index
      %swap3A_498 = arith.constant 0 : index
      %swap3A_499 = arith.constant 0 : index
      %swap3A_500 = vector.load %arg15[%swap3A_497, %swap3A_498, %swap3A_499] : memref<4x64x128xf32, #tpu.memory_space<vmem>>, vector<1x64x128xf32>
      %swap3A_501 = vector.shape_cast %swap3A_500 : vector<1x64x128xf32> to vector<64x128xf32>
      %swap3A_502 = vector.shape_cast %add3A_496 : vector<64x128xf32> to vector<1x64x128xf32>
      tpu.vector_store %arg15[%swap3A_497, %swap3A_498, %swap3A_499], %swap3A_502 {strides = array<i32>} : memref<4x64x128xf32, #tpu.memory_space<vmem>>, vector<1x64x128xf32>,
      %get3A_503 = arith.constant 2 : index
      %get3A_504 = arith.constant 0 : index
      %get3A_505 = arith.constant 0 : index
      %get3A_506 = vector.load %arg15[%get3A_503, %get3A_504, %get3A_505] : memref<4x64x128xf32, #tpu.memory_space<vmem>>, vector<1x64x128xf32>
      %get3A_507 = vector.shape_cast %get3A_506 : vector<1x64x128xf32> to vector<64x128xf32>
      %get3A_508 = arith.constant 2 : index
      %get3A_509 = arith.constant 0 : index
      %get3A_510 = arith.constant 0 : index
      %get3A_511 = vector.load %arg6[%get3A_508, %get3A_509, %get3A_510] : memref<4x512x128xf32, #tpu.memory_space<vmem>>, vector<1x64x128xf32>
      %get3A_512 = vector.shape_cast %get3A_511 : vector<1x64x128xf32> to vector<64x128xf32>
      %broadcast_in_dim3A_513 = vector.shape_cast %get3A_512 : vector<64x128xf32> to vector<1x64x128xf32>
      %mul3A_514 = vector.broadcast %broadcast_in_dim3A_513 : vector<1x64x128xf32> to vector<64x64x128xf32>
      %mul3A_515 = arith.mulf %mul3A_458, %mul3A_514 : vector<64x64x128xf32>
      %reduce_sum3A_516 = arith.constant dense<0.000000e+00> : vector<64x128xf32>
      %reduce_sum3A_517 = vector.multi_reduction <add>, %mul3A_515, %reduce_sum3A_516 [1] : vector<64x64x128xf32> to vector<64x128xf32>
      %add3A_518 = arith.addf %get3A_507, %reduce_sum3A_517 : vector<64x128xf32>
      %swap3A_519 = arith.constant 2 : index
      %swap3A_520 = arith.constant 0 : index
      %swap3A_521 = arith.constant 0 : index
      %swap3A_522 = vector.load %arg15[%swap3A_519, %swap3A_520, %swap3A_521] : memref<4x64x128xf32, #tpu.memory_space<vmem>>, vector<1x64x128xf32>
      %swap3A_523 = vector.shape_cast %swap3A_522 : vector<1x64x128xf32> to vector<64x128xf32>
      %swap3A_524 = vector.shape_cast %add3A_518 : vector<64x128xf32> to vector<1x64x128xf32>
      tpu.vector_store %arg15[%swap3A_519, %swap3A_520, %swap3A_521], %swap3A_524 {strides = array<i32>} : memref<4x64x128xf32, #tpu.memory_space<vmem>>, vector<1x64x128xf32>,
      %get3A_525 = arith.constant 3 : index
      %get3A_526 = arith.constant 0 : index
      %get3A_527 = arith.constant 0 : index
      %get3A_528 = vector.load %arg15[%get3A_525, %get3A_526, %get3A_527] : memref<4x64x128xf32, #tpu.memory_space<vmem>>, vector<1x64x128xf32>
      %get3A_529 = vector.shape_cast %get3A_528 : vector<1x64x128xf32> to vector<64x128xf32>
      %get3A_530 = arith.constant 3 : index
      %get3A_531 = arith.constant 0 : index
      %get3A_532 = arith.constant 0 : index
      %get3A_533 = vector.load %arg6[%get3A_530, %get3A_531, %get3A_532] : memref<4x512x128xf32, #tpu.memory_space<vmem>>, vector<1x64x128xf32>
      %get3A_534 = vector.shape_cast %get3A_533 : vector<1x64x128xf32> to vector<64x128xf32>
      %broadcast_in_dim3A_535 = vector.shape_cast %get3A_534 : vector<64x128xf32> to vector<1x64x128xf32>
      %mul3A_536 = vector.broadcast %broadcast_in_dim3A_535 : vector<1x64x128xf32> to vector<64x64x128xf32>
      %mul3A_537 = arith.mulf %mul3A_458, %mul3A_536 : vector<64x64x128xf32>
      %reduce_sum3A_538 = arith.constant dense<0.000000e+00> : vector<64x128xf32>
      %reduce_sum3A_539 = vector.multi_reduction <add>, %mul3A_537, %reduce_sum3A_538 [1] : vector<64x64x128xf32> to vector<64x128xf32>
      %add3A_540 = arith.addf %get3A_529, %reduce_sum3A_539 : vector<64x128xf32>
      %swap3A_541 = arith.constant 3 : index
      %swap3A_542 = arith.constant 0 : index
      %swap3A_543 = arith.constant 0 : index
      %swap3A_544 = vector.load %arg15[%swap3A_541, %swap3A_542, %swap3A_543] : memref<4x64x128xf32, #tpu.memory_space<vmem>>, vector<1x64x128xf32>
      %swap3A_545 = vector.shape_cast %swap3A_544 : vector<1x64x128xf32> to vector<64x128xf32>
      %swap3A_546 = vector.shape_cast %add3A_540 : vector<64x128xf32> to vector<1x64x128xf32>
      tpu.vector_store %arg15[%swap3A_541, %swap3A_542, %swap3A_543], %swap3A_546 {strides = array<i32>} : memref<4x64x128xf32, #tpu.memory_space<vmem>>, vector<1x64x128xf32>,
    } else {
    }
    %get3A_48 = arith.constant 0 : index
    %get3A_49 = arith.constant 128 : index
    %get3A_50 = vector.load %arg3[%get3A_48, %get3A_49] : memref<8x1024xf32, #tpu.memory_space<vmem>>, vector<8x128xf32>
    %slice3A_51 = vector.extract_strided_slice %get3A_1 {offsets = [0, 0], sizes = [64, 1], strides = [1, 1]} : vector<64x3xf32> to vector<64x1xf32>
    %slice3A_52 = vector.extract_strided_slice %get3A_50 {offsets = [0, 0], sizes = [1, 128], strides = [1, 1]} : vector<8x128xf32> to vector<1x128xf32>
    %sub3A_53 = vector.broadcast %slice3A_51 : vector<64x1xf32> to vector<64x128xf32>
    %sub3A_54 = vector.broadcast %slice3A_52 : vector<1x128xf32> to vector<64x128xf32>
    %sub3A_55 = arith.subf %sub3A_53, %sub3A_54 : vector<64x128xf32>
    %mul3A_56 = arith.mulf %sub3A_55, %sub3A_55 : vector<64x128xf32>
    %slice3A_57 = vector.extract_strided_slice %get3A_1 {offsets = [0, 1], sizes = [64, 1], strides = [1, 1]} : vector<64x3xf32> to vector<64x1xf32>
    %slice3A_58 = vector.extract_strided_slice %get3A_50 {offsets = [1, 0], sizes = [1, 128], strides = [1, 1]} : vector<8x128xf32> to vector<1x128xf32>
    %sub3A_59 = vector.broadcast %slice3A_57 : vector<64x1xf32> to vector<64x128xf32>
    %sub3A_60 = vector.broadcast %slice3A_58 : vector<1x128xf32> to vector<64x128xf32>
    %sub3A_61 = arith.subf %sub3A_59, %sub3A_60 : vector<64x128xf32>
    %mul3A_62 = arith.mulf %sub3A_61, %sub3A_61 : vector<64x128xf32>
    %add3A_63 = arith.addf %mul3A_56, %mul3A_62 : vector<64x128xf32>
    %slice3A_64 = vector.extract_strided_slice %get3A_1 {offsets = [0, 2], sizes = [64, 1], strides = [1, 1]} : vector<64x3xf32> to vector<64x1xf32>
    %slice3A_65 = vector.extract_strided_slice %get3A_50 {offsets = [2, 0], sizes = [1, 128], strides = [1, 1]} : vector<8x128xf32> to vector<1x128xf32>
    %sub3A_66 = vector.broadcast %slice3A_64 : vector<64x1xf32> to vector<64x128xf32>
    %sub3A_67 = vector.broadcast %slice3A_65 : vector<1x128xf32> to vector<64x128xf32>
    %sub3A_68 = arith.subf %sub3A_66, %sub3A_67 : vector<64x128xf32>
    %mul3A_69 = arith.mulf %sub3A_68, %sub3A_68 : vector<64x128xf32>
    %add3A_70 = arith.addf %add3A_63, %mul3A_69 : vector<64x128xf32>
    %le3A_71 = arith.constant 0.00999999977 : f32
    %le3A_72 = vector.broadcast %le3A_71 : f32 to vector<64x128xf32>
    %le3A_73 = arith.cmpf ole, %add3A_70, %le3A_72 : vector<64x128xf32>
    %reduce_or3A_74 = arith.constant 1.000000e+00 : f32
    %reduce_or3A_75 = arith.constant 0.000000e+00 : f32
    %reduce_or3A_76 = vector.broadcast %reduce_or3A_74 : f32 to vector<64x128xf32>
    %reduce_or3A_77 = vector.broadcast %reduce_or3A_75 : f32 to vector<64x128xf32>
    %reduce_or3A_78 = arith.select %le3A_73, %reduce_or3A_76, %reduce_or3A_77 : vector<64x128xi1>, vector<64x128xf32>
    %reduce_or3A_79 = vector.shape_cast %reduce_or3A_78 : vector<64x128xf32> to vector<1x64x128xf32>
    %reduce_or3A_80 = arith.constant dense<0xFF800000> : vector<1xf32>
    %reduce_or3A_81 = vector.multi_reduction <maximumf>, %reduce_or3A_79, %reduce_or3A_80 [1, 2] : vector<1x64x128xf32> to vector<1xf32>
    %reduce_or3A_82 = vector.shape_cast %reduce_or3A_81 : vector<1xf32> to vector<1x1x1xf32>
    %reduce_or3A_83 = vector.extract %reduce_or3A_82[0, 0, 0] : f32 from vector<1x1x1xf32>
    %reduce_or3A_84 = arith.constant 0.000000e+00 : f32
    %reduce_or3A_85 = arith.cmpf ogt, %reduce_or3A_83, %reduce_or3A_84 : f32
    %convert_element_type3A_86 = arith.extui %reduce_or3A_85 : i1 to i32
    %cond3A_87 = arith.constant 0 : i32
    %cond3A_88 = arith.cmpi ne, %convert_element_type3A_86, %cond3A_87 : i32
    scf.if %cond3A_88 {
      %get3A_340 = arith.constant 0 : index
      %get3A_341 = arith.constant 0 : index
      %get3A_342 = vector.load %arg16[%get3A_340, %get3A_341] : memref<64x1xf32, #tpu.memory_space<vmem>>, vector<64x1xf32>
      %convert_element_type3A_343 = arith.extui %le3A_73 : vector<64x128xi1> to vector<64x128xi32>
      %convert_element_type3A_344 = arith.sitofp %convert_element_type3A_343 : vector<64x128xi32> to vector<64x128xf32>
      %reduce_sum3A = arith.constant dense<0.000000e+00> : vector<64xf32>
      %reduce_sum3A_345 = vector.multi_reduction <add>, %convert_element_type3A_344, %reduce_sum3A [1] : vector<64x128xf32> to vector<64xf32>
      %broadcast_in_dim3A = vector.shape_cast %reduce_sum3A_345 : vector<64xf32> to vector<64x1xf32>
      %add3A_346 = arith.addf %get3A_342, %broadcast_in_dim3A : vector<64x1xf32>
      %swap3A = arith.constant 0 : index
      %swap3A_347 = arith.constant 0 : index
      %swap3A_348 = vector.load %arg16[%swap3A, %swap3A_347] : memref<64x1xf32, #tpu.memory_space<vmem>>, vector<64x1xf32>
      tpu.vector_store %arg16[%swap3A, %swap3A_347], %add3A_346 {strides = array<i32>} : memref<64x1xf32, #tpu.memory_space<vmem>>, vector<64x1xf32>,
      %get3A_349 = arith.constant 64 : index
      %get3A_350 = arith.constant 0 : index
      %get3A_351 = vector.load %arg4[%get3A_349, %get3A_350] : memref<512x6xf32, #tpu.memory_space<vmem>>, vector<64x6xf32>
      %get3A_352 = arith.constant 0 : index
      %get3A_353 = arith.constant 0 : index
      %get3A_354 = vector.load %arg9[%get3A_352, %get3A_353] : memref<6x128xf32, #tpu.memory_space<vmem>>, vector<6x128xf32>
      %dot_general3A_355 = arith.constant dense<0.000000e+00> : vector<64x128xf32>
      %dot_general3A_356 = tpu.matmul %get3A_351, %get3A_354, %dot_general3A_355 {dimension_numbers = #tpu.dot_dimension_numbers<[1], [0], [0], [1], [0, 0, 1, 1], [], []>, transpose_lhs_hint = false} : vector<64x6xf32>, vector<6x128xf32>, vector<64x128xf32> -> vector<64x128xf32>
      %broadcast_in_dim3A_357 = vector.shape_cast %add3A_11 : vector<64x128xf32> to vector<64x1x128xf32>
      %broadcast_in_dim3A_358 = vector.shape_cast %dot_general3A_356 : vector<64x128xf32> to vector<1x64x128xf32>
      %add3A_359 = vector.broadcast %broadcast_in_dim3A_357 : vector<64x1x128xf32> to vector<64x64x128xf32>
      %add3A_360 = vector.broadcast %broadcast_in_dim3A_358 : vector<1x64x128xf32> to vector<64x64x128xf32>
      %add3A_361 = arith.addf %add3A_359, %add3A_360 : vector<64x64x128xf32>
      %integer_pow3A = arith.mulf %add3A_361, %add3A_361 : vector<64x64x128xf32>
      %integer_pow3A_362 = arith.mulf %add3A_361, %integer_pow3A : vector<64x64x128xf32>
      %mul3A_363 = arith.constant 4.471500e-02 : f32
      %mul3A_364 = vector.broadcast %mul3A_363 : f32 to vector<64x64x128xf32>
      %mul3A_365 = arith.mulf %mul3A_364, %integer_pow3A_362 : vector<64x64x128xf32>
      %add3A_366 = arith.addf %add3A_361, %mul3A_365 : vector<64x64x128xf32>
      %mul3A_367 = arith.constant 0.797884583 : f32
      %mul3A_368 = vector.broadcast %mul3A_367 : f32 to vector<64x64x128xf32>
      %mul3A_369 = arith.mulf %mul3A_368, %add3A_366 : vector<64x64x128xf32>
      %tanh3A = math.tanh %mul3A_369 : vector<64x64x128xf32>
      %add3A_370 = arith.constant 1.000000e+00 : f32
      %add3A_371 = vector.broadcast %add3A_370 : f32 to vector<64x64x128xf32>
      %add3A_372 = arith.addf %add3A_371, %tanh3A : vector<64x64x128xf32>
      %mul3A_373 = arith.constant 5.000000e-01 : f32
      %mul3A_374 = vector.broadcast %mul3A_373 : f32 to vector<64x64x128xf32>
      %mul3A_375 = arith.mulf %mul3A_374, %add3A_372 : vector<64x64x128xf32>
      %mul3A_376 = arith.mulf %add3A_361, %mul3A_375 : vector<64x64x128xf32>
      %reshape3A = vector.shape_cast %mul3A_376 : vector<64x64x128xf32> to vector<4096x128xf32>
      %get3A_377 = arith.constant 0 : index
      %get3A_378 = arith.constant 0 : index
      %get3A_379 = vector.load %arg10[%get3A_377, %get3A_378] : memref<128x128xf32, #tpu.memory_space<vmem>>, vector<128x128xf32>
      %dot_general3A_380 = arith.constant dense<0.000000e+00> : vector<4096x128xf32>
      %dot_general3A_381 = tpu.matmul %reshape3A, %get3A_379, %dot_general3A_380 {dimension_numbers = #tpu.dot_dimension_numbers<[1], [0], [0], [1], [0, 0, 1, 1], [], []>, transpose_lhs_hint = false} : vector<4096x128xf32>, vector<128x128xf32>, vector<4096x128xf32> -> vector<4096x128xf32>
      %get3A_382 = arith.constant 0 : index
      %get3A_383 = arith.constant 0 : index
      %get3A_384 = vector.load %arg11[%get3A_382, %get3A_383] : memref<1x128xf32, #tpu.memory_space<vmem>>, vector<1x128xf32>
      %add3A_385 = vector.broadcast %get3A_384 : vector<1x128xf32> to vector<4096x128xf32>
      %add3A_386 = arith.addf %dot_general3A_381, %add3A_385 : vector<4096x128xf32>
      %integer_pow3A_387 = arith.mulf %add3A_386, %add3A_386 : vector<4096x128xf32>
      %integer_pow3A_388 = arith.mulf %add3A_386, %integer_pow3A_387 : vector<4096x128xf32>
      %mul3A_389 = arith.constant 4.471500e-02 : f32
      %mul3A_390 = vector.broadcast %mul3A_389 : f32 to vector<4096x128xf32>
      %mul3A_391 = arith.mulf %mul3A_390, %integer_pow3A_388 : vector<4096x128xf32>
      %add3A_392 = arith.addf %add3A_386, %mul3A_391 : vector<4096x128xf32>
      %mul3A_393 = arith.constant 0.797884583 : f32
      %mul3A_394 = vector.broadcast %mul3A_393 : f32 to vector<4096x128xf32>
      %mul3A_395 = arith.mulf %mul3A_394, %add3A_392 : vector<4096x128xf32>
      %tanh3A_396 = math.tanh %mul3A_395 : vector<4096x128xf32>
      %add3A_397 = arith.constant 1.000000e+00 : f32
      %add3A_398 = vector.broadcast %add3A_397 : f32 to vector<4096x128xf32>
      %add3A_399 = arith.addf %add3A_398, %tanh3A_396 : vector<4096x128xf32>
      %mul3A_400 = arith.constant 5.000000e-01 : f32
      %mul3A_401 = vector.broadcast %mul3A_400 : f32 to vector<4096x128xf32>
      %mul3A_402 = arith.mulf %mul3A_401, %add3A_399 : vector<4096x128xf32>
      %mul3A_403 = arith.mulf %add3A_386, %mul3A_402 : vector<4096x128xf32>
      %get3A_404 = arith.constant 0 : index
      %get3A_405 = arith.constant 0 : index
      %get3A_406 = vector.load %arg12[%get3A_404, %get3A_405] : memref<128x128xf32, #tpu.memory_space<vmem>>, vector<128x128xf32>
      %dot_general3A_407 = arith.constant dense<0.000000e+00> : vector<4096x128xf32>
      %dot_general3A_408 = tpu.matmul %mul3A_403, %get3A_406, %dot_general3A_407 {dimension_numbers = #tpu.dot_dimension_numbers<[1], [0], [0], [1], [0, 0, 1, 1], [], []>, transpose_lhs_hint = false} : vector<4096x128xf32>, vector<128x128xf32>, vector<4096x128xf32> -> vector<4096x128xf32>
      %get3A_409 = arith.constant 0 : index
      %get3A_410 = arith.constant 0 : index
      %get3A_411 = vector.load %arg13[%get3A_409, %get3A_410] : memref<1x128xf32, #tpu.memory_space<vmem>>, vector<1x128xf32>
      %add3A_412 = vector.broadcast %get3A_411 : vector<1x128xf32> to vector<4096x128xf32>
      %add3A_413 = arith.addf %dot_general3A_408, %add3A_412 : vector<4096x128xf32>
      %reshape3A_414 = vector.shape_cast %add3A_413 : vector<4096x128xf32> to vector<64x64x128xf32>
      %get3A_415 = arith.constant 0 : index
      %get3A_416 = arith.constant 64 : index
      %get3A_417 = arith.constant 0 : index
      %get3A_418 = vector.load %arg5[%get3A_415, %get3A_416, %get3A_417] : memref<3x512x128xf32, #tpu.memory_space<vmem>>, vector<3x64x128xf32>
      %slice3A_419 = vector.extract_strided_slice %get3A_1 {offsets = [0, 0], sizes = [64, 1], strides = [1, 1]} : vector<64x3xf32> to vector<64x1xf32>
      %broadcast_in_dim3A_420 = vector.shape_cast %slice3A_419 : vector<64x1xf32> to vector<64x1xf32>
      %broadcast_in_dim3A_421 = vector.broadcast %broadcast_in_dim3A_420 : vector<64x1xf32> to vector<64x128xf32>
      %broadcast_in_dim3A_422 = vector.shape_cast %broadcast_in_dim3A_421 : vector<64x128xf32> to vector<64x1x128xf32>
      %slice3A_423 = vector.extract_strided_slice %get3A_418 {offsets = [0, 0, 0], sizes = [1, 64, 128], strides = [1, 1, 1]} : vector<3x64x128xf32> to vector<1x64x128xf32>
      %squeeze3A = vector.shape_cast %slice3A_423 : vector<1x64x128xf32> to vector<64x128xf32>
      %broadcast_in_dim3A_424 = vector.shape_cast %squeeze3A : vector<64x128xf32> to vector<1x64x128xf32>
      %sub3A_425 = vector.broadcast %broadcast_in_dim3A_422 : vector<64x1x128xf32> to vector<64x64x128xf32>
      %sub3A_426 = vector.broadcast %broadcast_in_dim3A_424 : vector<1x64x128xf32> to vector<64x64x128xf32>
      %sub3A_427 = arith.subf %sub3A_425, %sub3A_426 : vector<64x64x128xf32>
      %mul3A_428 = arith.mulf %sub3A_427, %sub3A_427 : vector<64x64x128xf32>
      %slice3A_429 = vector.extract_strided_slice %get3A_1 {offsets = [0, 1], sizes = [64, 1], strides = [1, 1]} : vector<64x3xf32> to vector<64x1xf32>
      %broadcast_in_dim3A_430 = vector.shape_cast %slice3A_429 : vector<64x1xf32> to vector<64x1xf32>
      %broadcast_in_dim3A_431 = vector.broadcast %broadcast_in_dim3A_430 : vector<64x1xf32> to vector<64x128xf32>
      %broadcast_in_dim3A_432 = vector.shape_cast %broadcast_in_dim3A_431 : vector<64x128xf32> to vector<64x1x128xf32>
      %slice3A_433 = vector.extract_strided_slice %get3A_418 {offsets = [1, 0, 0], sizes = [1, 64, 128], strides = [1, 1, 1]} : vector<3x64x128xf32> to vector<1x64x128xf32>
      %squeeze3A_434 = vector.shape_cast %slice3A_433 : vector<1x64x128xf32> to vector<64x128xf32>
      %broadcast_in_dim3A_435 = vector.shape_cast %squeeze3A_434 : vector<64x128xf32> to vector<1x64x128xf32>
      %sub3A_436 = vector.broadcast %broadcast_in_dim3A_432 : vector<64x1x128xf32> to vector<64x64x128xf32>
      %sub3A_437 = vector.broadcast %broadcast_in_dim3A_435 : vector<1x64x128xf32> to vector<64x64x128xf32>
      %sub3A_438 = arith.subf %sub3A_436, %sub3A_437 : vector<64x64x128xf32>
      %mul3A_439 = arith.mulf %sub3A_438, %sub3A_438 : vector<64x64x128xf32>
      %add3A_440 = arith.addf %mul3A_428, %mul3A_439 : vector<64x64x128xf32>
      %slice3A_441 = vector.extract_strided_slice %get3A_1 {offsets = [0, 2], sizes = [64, 1], strides = [1, 1]} : vector<64x3xf32> to vector<64x1xf32>
      %broadcast_in_dim3A_442 = vector.shape_cast %slice3A_441 : vector<64x1xf32> to vector<64x1xf32>
      %broadcast_in_dim3A_443 = vector.broadcast %broadcast_in_dim3A_442 : vector<64x1xf32> to vector<64x128xf32>
      %broadcast_in_dim3A_444 = vector.shape_cast %broadcast_in_dim3A_443 : vector<64x128xf32> to vector<64x1x128xf32>
      %slice3A_445 = vector.extract_strided_slice %get3A_418 {offsets = [2, 0, 0], sizes = [1, 64, 128], strides = [1, 1, 1]} : vector<3x64x128xf32> to vector<1x64x128xf32>
      %squeeze3A_446 = vector.shape_cast %slice3A_445 : vector<1x64x128xf32> to vector<64x128xf32>
      %broadcast_in_dim3A_447 = vector.shape_cast %squeeze3A_446 : vector<64x128xf32> to vector<1x64x128xf32>
      %sub3A_448 = vector.broadcast %broadcast_in_dim3A_444 : vector<64x1x128xf32> to vector<64x64x128xf32>
      %sub3A_449 = vector.broadcast %broadcast_in_dim3A_447 : vector<1x64x128xf32> to vector<64x64x128xf32>
      %sub3A_450 = arith.subf %sub3A_448, %sub3A_449 : vector<64x64x128xf32>
      %mul3A_451 = arith.mulf %sub3A_450, %sub3A_450 : vector<64x64x128xf32>
      %add3A_452 = arith.addf %add3A_440, %mul3A_451 : vector<64x64x128xf32>
      %le3A_453 = arith.constant 0.00999999977 : f32
      %le3A_454 = vector.broadcast %le3A_453 : f32 to vector<64x64x128xf32>
      %le3A_455 = arith.cmpf ole, %add3A_452, %le3A_454 : vector<64x64x128xf32>
      %convert_element_type3A_456 = arith.extui %le3A_455 : vector<64x64x128xi1> to vector<64x64x128xi32>
      %convert_element_type3A_457 = arith.sitofp %convert_element_type3A_456 : vector<64x64x128xi32> to vector<64x64x128xf32>
      %mul3A_458 = arith.mulf %reshape3A_414, %convert_element_type3A_457 : vector<64x64x128xf32>
      %get3A_459 = arith.constant 0 : index
      %get3A_460 = arith.constant 0 : index
      %get3A_461 = arith.constant 0 : index
      %get3A_462 = vector.load %arg15[%get3A_459, %get3A_460, %get3A_461] : memref<4x64x128xf32, #tpu.memory_space<vmem>>, vector<1x64x128xf32>
      %get3A_463 = vector.shape_cast %get3A_462 : vector<1x64x128xf32> to vector<64x128xf32>
      %get3A_464 = arith.constant 0 : index
      %get3A_465 = arith.constant 64 : index
      %get3A_466 = arith.constant 0 : index
      %get3A_467 = vector.load %arg6[%get3A_464, %get3A_465, %get3A_466] : memref<4x512x128xf32, #tpu.memory_space<vmem>>, vector<1x64x128xf32>
      %get3A_468 = vector.shape_cast %get3A_467 : vector<1x64x128xf32> to vector<64x128xf32>
      %broadcast_in_dim3A_469 = vector.shape_cast %get3A_468 : vector<64x128xf32> to vector<1x64x128xf32>
      %mul3A_470 = vector.broadcast %broadcast_in_dim3A_469 : vector<1x64x128xf32> to vector<64x64x128xf32>
      %mul3A_471 = arith.mulf %mul3A_458, %mul3A_470 : vector<64x64x128xf32>
      %reduce_sum3A_472 = arith.constant dense<0.000000e+00> : vector<64x128xf32>
      %reduce_sum3A_473 = vector.multi_reduction <add>, %mul3A_471, %reduce_sum3A_472 [1] : vector<64x64x128xf32> to vector<64x128xf32>
      %add3A_474 = arith.addf %get3A_463, %reduce_sum3A_473 : vector<64x128xf32>
      %swap3A_475 = arith.constant 0 : index
      %swap3A_476 = arith.constant 0 : index
      %swap3A_477 = arith.constant 0 : index
      %swap3A_478 = vector.load %arg15[%swap3A_475, %swap3A_476, %swap3A_477] : memref<4x64x128xf32, #tpu.memory_space<vmem>>, vector<1x64x128xf32>
      %swap3A_479 = vector.shape_cast %swap3A_478 : vector<1x64x128xf32> to vector<64x128xf32>
      %swap3A_480 = vector.shape_cast %add3A_474 : vector<64x128xf32> to vector<1x64x128xf32>
      tpu.vector_store %arg15[%swap3A_475, %swap3A_476, %swap3A_477], %swap3A_480 {strides = array<i32>} : memref<4x64x128xf32, #tpu.memory_space<vmem>>, vector<1x64x128xf32>,
      %get3A_481 = arith.constant 1 : index
      %get3A_482 = arith.constant 0 : index
      %get3A_483 = arith.constant 0 : index
      %get3A_484 = vector.load %arg15[%get3A_481, %get3A_482, %get3A_483] : memref<4x64x128xf32, #tpu.memory_space<vmem>>, vector<1x64x128xf32>
      %get3A_485 = vector.shape_cast %get3A_484 : vector<1x64x128xf32> to vector<64x128xf32>
      %get3A_486 = arith.constant 1 : index
      %get3A_487 = arith.constant 64 : index
      %get3A_488 = arith.constant 0 : index
      %get3A_489 = vector.load %arg6[%get3A_486, %get3A_487, %get3A_488] : memref<4x512x128xf32, #tpu.memory_space<vmem>>, vector<1x64x128xf32>
      %get3A_490 = vector.shape_cast %get3A_489 : vector<1x64x128xf32> to vector<64x128xf32>
      %broadcast_in_dim3A_491 = vector.shape_cast %get3A_490 : vector<64x128xf32> to vector<1x64x128xf32>
      %mul3A_492 = vector.broadcast %broadcast_in_dim3A_491 : vector<1x64x128xf32> to vector<64x64x128xf32>
      %mul3A_493 = arith.mulf %mul3A_458, %mul3A_492 : vector<64x64x128xf32>
      %reduce_sum3A_494 = arith.constant dense<0.000000e+00> : vector<64x128xf32>
      %reduce_sum3A_495 = vector.multi_reduction <add>, %mul3A_493, %reduce_sum3A_494 [1] : vector<64x64x128xf32> to vector<64x128xf32>
      %add3A_496 = arith.addf %get3A_485, %reduce_sum3A_495 : vector<64x128xf32>
      %swap3A_497 = arith.constant 1 : index
      %swap3A_498 = arith.constant 0 : index
      %swap3A_499 = arith.constant 0 : index
      %swap3A_500 = vector.load %arg15[%swap3A_497, %swap3A_498, %swap3A_499] : memref<4x64x128xf32, #tpu.memory_space<vmem>>, vector<1x64x128xf32>
      %swap3A_501 = vector.shape_cast %swap3A_500 : vector<1x64x128xf32> to vector<64x128xf32>
      %swap3A_502 = vector.shape_cast %add3A_496 : vector<64x128xf32> to vector<1x64x128xf32>
      tpu.vector_store %arg15[%swap3A_497, %swap3A_498, %swap3A_499], %swap3A_502 {strides = array<i32>} : memref<4x64x128xf32, #tpu.memory_space<vmem>>, vector<1x64x128xf32>,
      %get3A_503 = arith.constant 2 : index
      %get3A_504 = arith.constant 0 : index
      %get3A_505 = arith.constant 0 : index
      %get3A_506 = vector.load %arg15[%get3A_503, %get3A_504, %get3A_505] : memref<4x64x128xf32, #tpu.memory_space<vmem>>, vector<1x64x128xf32>
      %get3A_507 = vector.shape_cast %get3A_506 : vector<1x64x128xf32> to vector<64x128xf32>
      %get3A_508 = arith.constant 2 : index
      %get3A_509 = arith.constant 64 : index
      %get3A_510 = arith.constant 0 : index
      %get3A_511 = vector.load %arg6[%get3A_508, %get3A_509, %get3A_510] : memref<4x512x128xf32, #tpu.memory_space<vmem>>, vector<1x64x128xf32>
      %get3A_512 = vector.shape_cast %get3A_511 : vector<1x64x128xf32> to vector<64x128xf32>
      %broadcast_in_dim3A_513 = vector.shape_cast %get3A_512 : vector<64x128xf32> to vector<1x64x128xf32>
      %mul3A_514 = vector.broadcast %broadcast_in_dim3A_513 : vector<1x64x128xf32> to vector<64x64x128xf32>
      %mul3A_515 = arith.mulf %mul3A_458, %mul3A_514 : vector<64x64x128xf32>
      %reduce_sum3A_516 = arith.constant dense<0.000000e+00> : vector<64x128xf32>
      %reduce_sum3A_517 = vector.multi_reduction <add>, %mul3A_515, %reduce_sum3A_516 [1] : vector<64x64x128xf32> to vector<64x128xf32>
      %add3A_518 = arith.addf %get3A_507, %reduce_sum3A_517 : vector<64x128xf32>
      %swap3A_519 = arith.constant 2 : index
      %swap3A_520 = arith.constant 0 : index
      %swap3A_521 = arith.constant 0 : index
      %swap3A_522 = vector.load %arg15[%swap3A_519, %swap3A_520, %swap3A_521] : memref<4x64x128xf32, #tpu.memory_space<vmem>>, vector<1x64x128xf32>
      %swap3A_523 = vector.shape_cast %swap3A_522 : vector<1x64x128xf32> to vector<64x128xf32>
      %swap3A_524 = vector.shape_cast %add3A_518 : vector<64x128xf32> to vector<1x64x128xf32>
      tpu.vector_store %arg15[%swap3A_519, %swap3A_520, %swap3A_521], %swap3A_524 {strides = array<i32>} : memref<4x64x128xf32, #tpu.memory_space<vmem>>, vector<1x64x128xf32>,
      %get3A_525 = arith.constant 3 : index
      %get3A_526 = arith.constant 0 : index
      %get3A_527 = arith.constant 0 : index
      %get3A_528 = vector.load %arg15[%get3A_525, %get3A_526, %get3A_527] : memref<4x64x128xf32, #tpu.memory_space<vmem>>, vector<1x64x128xf32>
      %get3A_529 = vector.shape_cast %get3A_528 : vector<1x64x128xf32> to vector<64x128xf32>
      %get3A_530 = arith.constant 3 : index
      %get3A_531 = arith.constant 64 : index
      %get3A_532 = arith.constant 0 : index
      %get3A_533 = vector.load %arg6[%get3A_530, %get3A_531, %get3A_532] : memref<4x512x128xf32, #tpu.memory_space<vmem>>, vector<1x64x128xf32>
      %get3A_534 = vector.shape_cast %get3A_533 : vector<1x64x128xf32> to vector<64x128xf32>
      %broadcast_in_dim3A_535 = vector.shape_cast %get3A_534 : vector<64x128xf32> to vector<1x64x128xf32>
      %mul3A_536 = vector.broadcast %broadcast_in_dim3A_535 : vector<1x64x128xf32> to vector<64x64x128xf32>
      %mul3A_537 = arith.mulf %mul3A_458, %mul3A_536 : vector<64x64x128xf32>
      %reduce_sum3A_538 = arith.constant dense<0.000000e+00> : vector<64x128xf32>
      %reduce_sum3A_539 = vector.multi_reduction <add>, %mul3A_537, %reduce_sum3A_538 [1] : vector<64x64x128xf32> to vector<64x128xf32>
      %add3A_540 = arith.addf %get3A_529, %reduce_sum3A_539 : vector<64x128xf32>
      %swap3A_541 = arith.constant 3 : index
      %swap3A_542 = arith.constant 0 : index
      %swap3A_543 = arith.constant 0 : index
      %swap3A_544 = vector.load %arg15[%swap3A_541, %swap3A_542, %swap3A_543] : memref<4x64x128xf32, #tpu.memory_space<vmem>>, vector<1x64x128xf32>
      %swap3A_545 = vector.shape_cast %swap3A_544 : vector<1x64x128xf32> to vector<64x128xf32>
      %swap3A_546 = vector.shape_cast %add3A_540 : vector<64x128xf32> to vector<1x64x128xf32>
      tpu.vector_store %arg15[%swap3A_541, %swap3A_542, %swap3A_543], %swap3A_546 {strides = array<i32>} : memref<4x64x128xf32, #tpu.memory_space<vmem>>, vector<1x64x128xf32>,
    } else {
    }
    %get3A_89 = arith.constant 0 : index
    %get3A_90 = arith.constant 256 : index
    %get3A_91 = vector.load %arg3[%get3A_89, %get3A_90] : memref<8x1024xf32, #tpu.memory_space<vmem>>, vector<8x128xf32>
    %slice3A_92 = vector.extract_strided_slice %get3A_1 {offsets = [0, 0], sizes = [64, 1], strides = [1, 1]} : vector<64x3xf32> to vector<64x1xf32>
    %slice3A_93 = vector.extract_strided_slice %get3A_91 {offsets = [0, 0], sizes = [1, 128], strides = [1, 1]} : vector<8x128xf32> to vector<1x128xf32>
    %sub3A_94 = vector.broadcast %slice3A_92 : vector<64x1xf32> to vector<64x128xf32>
    %sub3A_95 = vector.broadcast %slice3A_93 : vector<1x128xf32> to vector<64x128xf32>
    %sub3A_96 = arith.subf %sub3A_94, %sub3A_95 : vector<64x128xf32>
    %mul3A_97 = arith.mulf %sub3A_96, %sub3A_96 : vector<64x128xf32>
    %slice3A_98 = vector.extract_strided_slice %get3A_1 {offsets = [0, 1], sizes = [64, 1], strides = [1, 1]} : vector<64x3xf32> to vector<64x1xf32>
    %slice3A_99 = vector.extract_strided_slice %get3A_91 {offsets = [1, 0], sizes = [1, 128], strides = [1, 1]} : vector<8x128xf32> to vector<1x128xf32>
    %sub3A_100 = vector.broadcast %slice3A_98 : vector<64x1xf32> to vector<64x128xf32>
    %sub3A_101 = vector.broadcast %slice3A_99 : vector<1x128xf32> to vector<64x128xf32>
    %sub3A_102 = arith.subf %sub3A_100, %sub3A_101 : vector<64x128xf32>
    %mul3A_103 = arith.mulf %sub3A_102, %sub3A_102 : vector<64x128xf32>
    %add3A_104 = arith.addf %mul3A_97, %mul3A_103 : vector<64x128xf32>
    %slice3A_105 = vector.extract_strided_slice %get3A_1 {offsets = [0, 2], sizes = [64, 1], strides = [1, 1]} : vector<64x3xf32> to vector<64x1xf32>
    %slice3A_106 = vector.extract_strided_slice %get3A_91 {offsets = [2, 0], sizes = [1, 128], strides = [1, 1]} : vector<8x128xf32> to vector<1x128xf32>
    %sub3A_107 = vector.broadcast %slice3A_105 : vector<64x1xf32> to vector<64x128xf32>
    %sub3A_108 = vector.broadcast %slice3A_106 : vector<1x128xf32> to vector<64x128xf32>
    %sub3A_109 = arith.subf %sub3A_107, %sub3A_108 : vector<64x128xf32>
    %mul3A_110 = arith.mulf %sub3A_109, %sub3A_109 : vector<64x128xf32>
    %add3A_111 = arith.addf %add3A_104, %mul3A_110 : vector<64x128xf32>
    %le3A_112 = arith.constant 0.00999999977 : f32
    %le3A_113 = vector.broadcast %le3A_112 : f32 to vector<64x128xf32>
    %le3A_114 = arith.cmpf ole, %add3A_111, %le3A_113 : vector<64x128xf32>
    %reduce_or3A_115 = arith.constant 1.000000e+00 : f32
    %reduce_or3A_116 = arith.constant 0.000000e+00 : f32
    %reduce_or3A_117 = vector.broadcast %reduce_or3A_115 : f32 to vector<64x128xf32>
    %reduce_or3A_118 = vector.broadcast %reduce_or3A_116 : f32 to vector<64x128xf32>
    %reduce_or3A_119 = arith.select %le3A_114, %reduce_or3A_117, %reduce_or3A_118 : vector<64x128xi1>, vector<64x128xf32>
    %reduce_or3A_120 = vector.shape_cast %reduce_or3A_119 : vector<64x128xf32> to vector<1x64x128xf32>
    %reduce_or3A_121 = arith.constant dense<0xFF800000> : vector<1xf32>
    %reduce_or3A_122 = vector.multi_reduction <maximumf>, %reduce_or3A_120, %reduce_or3A_121 [1, 2] : vector<1x64x128xf32> to vector<1xf32>
    %reduce_or3A_123 = vector.shape_cast %reduce_or3A_122 : vector<1xf32> to vector<1x1x1xf32>
    %reduce_or3A_124 = vector.extract %reduce_or3A_123[0, 0, 0] : f32 from vector<1x1x1xf32>
    %reduce_or3A_125 = arith.constant 0.000000e+00 : f32
    %reduce_or3A_126 = arith.cmpf ogt, %reduce_or3A_124, %reduce_or3A_125 : f32
    %convert_element_type3A_127 = arith.extui %reduce_or3A_126 : i1 to i32
    %cond3A_128 = arith.constant 0 : i32
    %cond3A_129 = arith.cmpi ne, %convert_element_type3A_127, %cond3A_128 : i32
    scf.if %cond3A_129 {
      %get3A_340 = arith.constant 0 : index
      %get3A_341 = arith.constant 0 : index
      %get3A_342 = vector.load %arg16[%get3A_340, %get3A_341] : memref<64x1xf32, #tpu.memory_space<vmem>>, vector<64x1xf32>
      %convert_element_type3A_343 = arith.extui %le3A_114 : vector<64x128xi1> to vector<64x128xi32>
      %convert_element_type3A_344 = arith.sitofp %convert_element_type3A_343 : vector<64x128xi32> to vector<64x128xf32>
      %reduce_sum3A = arith.constant dense<0.000000e+00> : vector<64xf32>
      %reduce_sum3A_345 = vector.multi_reduction <add>, %convert_element_type3A_344, %reduce_sum3A [1] : vector<64x128xf32> to vector<64xf32>
      %broadcast_in_dim3A = vector.shape_cast %reduce_sum3A_345 : vector<64xf32> to vector<64x1xf32>
      %add3A_346 = arith.addf %get3A_342, %broadcast_in_dim3A : vector<64x1xf32>
      %swap3A = arith.constant 0 : index
      %swap3A_347 = arith.constant 0 : index
      %swap3A_348 = vector.load %arg16[%swap3A, %swap3A_347] : memref<64x1xf32, #tpu.memory_space<vmem>>, vector<64x1xf32>
      tpu.vector_store %arg16[%swap3A, %swap3A_347], %add3A_346 {strides = array<i32>} : memref<64x1xf32, #tpu.memory_space<vmem>>, vector<64x1xf32>,
      %get3A_349 = arith.constant 128 : index
      %get3A_350 = arith.constant 0 : index
      %get3A_351 = vector.load %arg4[%get3A_349, %get3A_350] : memref<512x6xf32, #tpu.memory_space<vmem>>, vector<64x6xf32>
      %get3A_352 = arith.constant 0 : index
      %get3A_353 = arith.constant 0 : index
      %get3A_354 = vector.load %arg9[%get3A_352, %get3A_353] : memref<6x128xf32, #tpu.memory_space<vmem>>, vector<6x128xf32>
      %dot_general3A_355 = arith.constant dense<0.000000e+00> : vector<64x128xf32>
      %dot_general3A_356 = tpu.matmul %get3A_351, %get3A_354, %dot_general3A_355 {dimension_numbers = #tpu.dot_dimension_numbers<[1], [0], [0], [1], [0, 0, 1, 1], [], []>, transpose_lhs_hint = false} : vector<64x6xf32>, vector<6x128xf32>, vector<64x128xf32> -> vector<64x128xf32>
      %broadcast_in_dim3A_357 = vector.shape_cast %add3A_11 : vector<64x128xf32> to vector<64x1x128xf32>
      %broadcast_in_dim3A_358 = vector.shape_cast %dot_general3A_356 : vector<64x128xf32> to vector<1x64x128xf32>
      %add3A_359 = vector.broadcast %broadcast_in_dim3A_357 : vector<64x1x128xf32> to vector<64x64x128xf32>
      %add3A_360 = vector.broadcast %broadcast_in_dim3A_358 : vector<1x64x128xf32> to vector<64x64x128xf32>
      %add3A_361 = arith.addf %add3A_359, %add3A_360 : vector<64x64x128xf32>
      %integer_pow3A = arith.mulf %add3A_361, %add3A_361 : vector<64x64x128xf32>
      %integer_pow3A_362 = arith.mulf %add3A_361, %integer_pow3A : vector<64x64x128xf32>
      %mul3A_363 = arith.constant 4.471500e-02 : f32
      %mul3A_364 = vector.broadcast %mul3A_363 : f32 to vector<64x64x128xf32>
      %mul3A_365 = arith.mulf %mul3A_364, %integer_pow3A_362 : vector<64x64x128xf32>
      %add3A_366 = arith.addf %add3A_361, %mul3A_365 : vector<64x64x128xf32>
      %mul3A_367 = arith.constant 0.797884583 : f32
      %mul3A_368 = vector.broadcast %mul3A_367 : f32 to vector<64x64x128xf32>
      %mul3A_369 = arith.mulf %mul3A_368, %add3A_366 : vector<64x64x128xf32>
      %tanh3A = math.tanh %mul3A_369 : vector<64x64x128xf32>
      %add3A_370 = arith.constant 1.000000e+00 : f32
      %add3A_371 = vector.broadcast %add3A_370 : f32 to vector<64x64x128xf32>
      %add3A_372 = arith.addf %add3A_371, %tanh3A : vector<64x64x128xf32>
      %mul3A_373 = arith.constant 5.000000e-01 : f32
      %mul3A_374 = vector.broadcast %mul3A_373 : f32 to vector<64x64x128xf32>
      %mul3A_375 = arith.mulf %mul3A_374, %add3A_372 : vector<64x64x128xf32>
      %mul3A_376 = arith.mulf %add3A_361, %mul3A_375 : vector<64x64x128xf32>
      %reshape3A = vector.shape_cast %mul3A_376 : vector<64x64x128xf32> to vector<4096x128xf32>
      %get3A_377 = arith.constant 0 : index
      %get3A_378 = arith.constant 0 : index
      %get3A_379 = vector.load %arg10[%get3A_377, %get3A_378] : memref<128x128xf32, #tpu.memory_space<vmem>>, vector<128x128xf32>
      %dot_general3A_380 = arith.constant dense<0.000000e+00> : vector<4096x128xf32>
      %dot_general3A_381 = tpu.matmul %reshape3A, %get3A_379, %dot_general3A_380 {dimension_numbers = #tpu.dot_dimension_numbers<[1], [0], [0], [1], [0, 0, 1, 1], [], []>, transpose_lhs_hint = false} : vector<4096x128xf32>, vector<128x128xf32>, vector<4096x128xf32> -> vector<4096x128xf32>
      %get3A_382 = arith.constant 0 : index
      %get3A_383 = arith.constant 0 : index
      %get3A_384 = vector.load %arg11[%get3A_382, %get3A_383] : memref<1x128xf32, #tpu.memory_space<vmem>>, vector<1x128xf32>
      %add3A_385 = vector.broadcast %get3A_384 : vector<1x128xf32> to vector<4096x128xf32>
      %add3A_386 = arith.addf %dot_general3A_381, %add3A_385 : vector<4096x128xf32>
      %integer_pow3A_387 = arith.mulf %add3A_386, %add3A_386 : vector<4096x128xf32>
      %integer_pow3A_388 = arith.mulf %add3A_386, %integer_pow3A_387 : vector<4096x128xf32>
      %mul3A_389 = arith.constant 4.471500e-02 : f32
      %mul3A_390 = vector.broadcast %mul3A_389 : f32 to vector<4096x128xf32>
      %mul3A_391 = arith.mulf %mul3A_390, %integer_pow3A_388 : vector<4096x128xf32>
      %add3A_392 = arith.addf %add3A_386, %mul3A_391 : vector<4096x128xf32>
      %mul3A_393 = arith.constant 0.797884583 : f32
      %mul3A_394 = vector.broadcast %mul3A_393 : f32 to vector<4096x128xf32>
      %mul3A_395 = arith.mulf %mul3A_394, %add3A_392 : vector<4096x128xf32>
      %tanh3A_396 = math.tanh %mul3A_395 : vector<4096x128xf32>
      %add3A_397 = arith.constant 1.000000e+00 : f32
      %add3A_398 = vector.broadcast %add3A_397 : f32 to vector<4096x128xf32>
      %add3A_399 = arith.addf %add3A_398, %tanh3A_396 : vector<4096x128xf32>
      %mul3A_400 = arith.constant 5.000000e-01 : f32
      %mul3A_401 = vector.broadcast %mul3A_400 : f32 to vector<4096x128xf32>
      %mul3A_402 = arith.mulf %mul3A_401, %add3A_399 : vector<4096x128xf32>
      %mul3A_403 = arith.mulf %add3A_386, %mul3A_402 : vector<4096x128xf32>
      %get3A_404 = arith.constant 0 : index
      %get3A_405 = arith.constant 0 : index
      %get3A_406 = vector.load %arg12[%get3A_404, %get3A_405] : memref<128x128xf32, #tpu.memory_space<vmem>>, vector<128x128xf32>
      %dot_general3A_407 = arith.constant dense<0.000000e+00> : vector<4096x128xf32>
      %dot_general3A_408 = tpu.matmul %mul3A_403, %get3A_406, %dot_general3A_407 {dimension_numbers = #tpu.dot_dimension_numbers<[1], [0], [0], [1], [0, 0, 1, 1], [], []>, transpose_lhs_hint = false} : vector<4096x128xf32>, vector<128x128xf32>, vector<4096x128xf32> -> vector<4096x128xf32>
      %get3A_409 = arith.constant 0 : index
      %get3A_410 = arith.constant 0 : index
      %get3A_411 = vector.load %arg13[%get3A_409, %get3A_410] : memref<1x128xf32, #tpu.memory_space<vmem>>, vector<1x128xf32>
      %add3A_412 = vector.broadcast %get3A_411 : vector<1x128xf32> to vector<4096x128xf32>
      %add3A_413 = arith.addf %dot_general3A_408, %add3A_412 : vector<4096x128xf32>
      %reshape3A_414 = vector.shape_cast %add3A_413 : vector<4096x128xf32> to vector<64x64x128xf32>
      %get3A_415 = arith.constant 0 : index
      %get3A_416 = arith.constant 128 : index
      %get3A_417 = arith.constant 0 : index
      %get3A_418 = vector.load %arg5[%get3A_415, %get3A_416, %get3A_417] : memref<3x512x128xf32, #tpu.memory_space<vmem>>, vector<3x64x128xf32>
      %slice3A_419 = vector.extract_strided_slice %get3A_1 {offsets = [0, 0], sizes = [64, 1], strides = [1, 1]} : vector<64x3xf32> to vector<64x1xf32>
      %broadcast_in_dim3A_420 = vector.shape_cast %slice3A_419 : vector<64x1xf32> to vector<64x1xf32>
      %broadcast_in_dim3A_421 = vector.broadcast %broadcast_in_dim3A_420 : vector<64x1xf32> to vector<64x128xf32>
      %broadcast_in_dim3A_422 = vector.shape_cast %broadcast_in_dim3A_421 : vector<64x128xf32> to vector<64x1x128xf32>
      %slice3A_423 = vector.extract_strided_slice %get3A_418 {offsets = [0, 0, 0], sizes = [1, 64, 128], strides = [1, 1, 1]} : vector<3x64x128xf32> to vector<1x64x128xf32>
      %squeeze3A = vector.shape_cast %slice3A_423 : vector<1x64x128xf32> to vector<64x128xf32>
      %broadcast_in_dim3A_424 = vector.shape_cast %squeeze3A : vector<64x128xf32> to vector<1x64x128xf32>
      %sub3A_425 = vector.broadcast %broadcast_in_dim3A_422 : vector<64x1x128xf32> to vector<64x64x128xf32>
      %sub3A_426 = vector.broadcast %broadcast_in_dim3A_424 : vector<1x64x128xf32> to vector<64x64x128xf32>
      %sub3A_427 = arith.subf %sub3A_425, %sub3A_426 : vector<64x64x128xf32>
      %mul3A_428 = arith.mulf %sub3A_427, %sub3A_427 : vector<64x64x128xf32>
      %slice3A_429 = vector.extract_strided_slice %get3A_1 {offsets = [0, 1], sizes = [64, 1], strides = [1, 1]} : vector<64x3xf32> to vector<64x1xf32>
      %broadcast_in_dim3A_430 = vector.shape_cast %slice3A_429 : vector<64x1xf32> to vector<64x1xf32>
      %broadcast_in_dim3A_431 = vector.broadcast %broadcast_in_dim3A_430 : vector<64x1xf32> to vector<64x128xf32>
      %broadcast_in_dim3A_432 = vector.shape_cast %broadcast_in_dim3A_431 : vector<64x128xf32> to vector<64x1x128xf32>
      %slice3A_433 = vector.extract_strided_slice %get3A_418 {offsets = [1, 0, 0], sizes = [1, 64, 128], strides = [1, 1, 1]} : vector<3x64x128xf32> to vector<1x64x128xf32>
      %squeeze3A_434 = vector.shape_cast %slice3A_433 : vector<1x64x128xf32> to vector<64x128xf32>
      %broadcast_in_dim3A_435 = vector.shape_cast %squeeze3A_434 : vector<64x128xf32> to vector<1x64x128xf32>
      %sub3A_436 = vector.broadcast %broadcast_in_dim3A_432 : vector<64x1x128xf32> to vector<64x64x128xf32>
      %sub3A_437 = vector.broadcast %broadcast_in_dim3A_435 : vector<1x64x128xf32> to vector<64x64x128xf32>
      %sub3A_438 = arith.subf %sub3A_436, %sub3A_437 : vector<64x64x128xf32>
      %mul3A_439 = arith.mulf %sub3A_438, %sub3A_438 : vector<64x64x128xf32>
      %add3A_440 = arith.addf %mul3A_428, %mul3A_439 : vector<64x64x128xf32>
      %slice3A_441 = vector.extract_strided_slice %get3A_1 {offsets = [0, 2], sizes = [64, 1], strides = [1, 1]} : vector<64x3xf32> to vector<64x1xf32>
      %broadcast_in_dim3A_442 = vector.shape_cast %slice3A_441 : vector<64x1xf32> to vector<64x1xf32>
      %broadcast_in_dim3A_443 = vector.broadcast %broadcast_in_dim3A_442 : vector<64x1xf32> to vector<64x128xf32>
      %broadcast_in_dim3A_444 = vector.shape_cast %broadcast_in_dim3A_443 : vector<64x128xf32> to vector<64x1x128xf32>
      %slice3A_445 = vector.extract_strided_slice %get3A_418 {offsets = [2, 0, 0], sizes = [1, 64, 128], strides = [1, 1, 1]} : vector<3x64x128xf32> to vector<1x64x128xf32>
      %squeeze3A_446 = vector.shape_cast %slice3A_445 : vector<1x64x128xf32> to vector<64x128xf32>
      %broadcast_in_dim3A_447 = vector.shape_cast %squeeze3A_446 : vector<64x128xf32> to vector<1x64x128xf32>
      %sub3A_448 = vector.broadcast %broadcast_in_dim3A_444 : vector<64x1x128xf32> to vector<64x64x128xf32>
      %sub3A_449 = vector.broadcast %broadcast_in_dim3A_447 : vector<1x64x128xf32> to vector<64x64x128xf32>
      %sub3A_450 = arith.subf %sub3A_448, %sub3A_449 : vector<64x64x128xf32>
      %mul3A_451 = arith.mulf %sub3A_450, %sub3A_450 : vector<64x64x128xf32>
      %add3A_452 = arith.addf %add3A_440, %mul3A_451 : vector<64x64x128xf32>
      %le3A_453 = arith.constant 0.00999999977 : f32
      %le3A_454 = vector.broadcast %le3A_453 : f32 to vector<64x64x128xf32>
      %le3A_455 = arith.cmpf ole, %add3A_452, %le3A_454 : vector<64x64x128xf32>
      %convert_element_type3A_456 = arith.extui %le3A_455 : vector<64x64x128xi1> to vector<64x64x128xi32>
      %convert_element_type3A_457 = arith.sitofp %convert_element_type3A_456 : vector<64x64x128xi32> to vector<64x64x128xf32>
      %mul3A_458 = arith.mulf %reshape3A_414, %convert_element_type3A_457 : vector<64x64x128xf32>
      %get3A_459 = arith.constant 0 : index
      %get3A_460 = arith.constant 0 : index
      %get3A_461 = arith.constant 0 : index
      %get3A_462 = vector.load %arg15[%get3A_459, %get3A_460, %get3A_461] : memref<4x64x128xf32, #tpu.memory_space<vmem>>, vector<1x64x128xf32>
      %get3A_463 = vector.shape_cast %get3A_462 : vector<1x64x128xf32> to vector<64x128xf32>
      %get3A_464 = arith.constant 0 : index
      %get3A_465 = arith.constant 128 : index
      %get3A_466 = arith.constant 0 : index
      %get3A_467 = vector.load %arg6[%get3A_464, %get3A_465, %get3A_466] : memref<4x512x128xf32, #tpu.memory_space<vmem>>, vector<1x64x128xf32>
      %get3A_468 = vector.shape_cast %get3A_467 : vector<1x64x128xf32> to vector<64x128xf32>
      %broadcast_in_dim3A_469 = vector.shape_cast %get3A_468 : vector<64x128xf32> to vector<1x64x128xf32>
      %mul3A_470 = vector.broadcast %broadcast_in_dim3A_469 : vector<1x64x128xf32> to vector<64x64x128xf32>
      %mul3A_471 = arith.mulf %mul3A_458, %mul3A_470 : vector<64x64x128xf32>
      %reduce_sum3A_472 = arith.constant dense<0.000000e+00> : vector<64x128xf32>
      %reduce_sum3A_473 = vector.multi_reduction <add>, %mul3A_471, %reduce_sum3A_472 [1] : vector<64x64x128xf32> to vector<64x128xf32>
      %add3A_474 = arith.addf %get3A_463, %reduce_sum3A_473 : vector<64x128xf32>
      %swap3A_475 = arith.constant 0 : index
      %swap3A_476 = arith.constant 0 : index
      %swap3A_477 = arith.constant 0 : index
      %swap3A_478 = vector.load %arg15[%swap3A_475, %swap3A_476, %swap3A_477] : memref<4x64x128xf32, #tpu.memory_space<vmem>>, vector<1x64x128xf32>
      %swap3A_479 = vector.shape_cast %swap3A_478 : vector<1x64x128xf32> to vector<64x128xf32>
      %swap3A_480 = vector.shape_cast %add3A_474 : vector<64x128xf32> to vector<1x64x128xf32>
      tpu.vector_store %arg15[%swap3A_475, %swap3A_476, %swap3A_477], %swap3A_480 {strides = array<i32>} : memref<4x64x128xf32, #tpu.memory_space<vmem>>, vector<1x64x128xf32>,
      %get3A_481 = arith.constant 1 : index
      %get3A_482 = arith.constant 0 : index
      %get3A_483 = arith.constant 0 : index
      %get3A_484 = vector.load %arg15[%get3A_481, %get3A_482, %get3A_483] : memref<4x64x128xf32, #tpu.memory_space<vmem>>, vector<1x64x128xf32>
      %get3A_485 = vector.shape_cast %get3A_484 : vector<1x64x128xf32> to vector<64x128xf32>
      %get3A_486 = arith.constant 1 : index
      %get3A_487 = arith.constant 128 : index
      %get3A_488 = arith.constant 0 : index
      %get3A_489 = vector.load %arg6[%get3A_486, %get3A_487, %get3A_488] : memref<4x512x128xf32, #tpu.memory_space<vmem>>, vector<1x64x128xf32>
      %get3A_490 = vector.shape_cast %get3A_489 : vector<1x64x128xf32> to vector<64x128xf32>
      %broadcast_in_dim3A_491 = vector.shape_cast %get3A_490 : vector<64x128xf32> to vector<1x64x128xf32>
      %mul3A_492 = vector.broadcast %broadcast_in_dim3A_491 : vector<1x64x128xf32> to vector<64x64x128xf32>
      %mul3A_493 = arith.mulf %mul3A_458, %mul3A_492 : vector<64x64x128xf32>
      %reduce_sum3A_494 = arith.constant dense<0.000000e+00> : vector<64x128xf32>
      %reduce_sum3A_495 = vector.multi_reduction <add>, %mul3A_493, %reduce_sum3A_494 [1] : vector<64x64x128xf32> to vector<64x128xf32>
      %add3A_496 = arith.addf %get3A_485, %reduce_sum3A_495 : vector<64x128xf32>
      %swap3A_497 = arith.constant 1 : index
      %swap3A_498 = arith.constant 0 : index
      %swap3A_499 = arith.constant 0 : index
      %swap3A_500 = vector.load %arg15[%swap3A_497, %swap3A_498, %swap3A_499] : memref<4x64x128xf32, #tpu.memory_space<vmem>>, vector<1x64x128xf32>
      %swap3A_501 = vector.shape_cast %swap3A_500 : vector<1x64x128xf32> to vector<64x128xf32>
      %swap3A_502 = vector.shape_cast %add3A_496 : vector<64x128xf32> to vector<1x64x128xf32>
      tpu.vector_store %arg15[%swap3A_497, %swap3A_498, %swap3A_499], %swap3A_502 {strides = array<i32>} : memref<4x64x128xf32, #tpu.memory_space<vmem>>, vector<1x64x128xf32>,
      %get3A_503 = arith.constant 2 : index
      %get3A_504 = arith.constant 0 : index
      %get3A_505 = arith.constant 0 : index
      %get3A_506 = vector.load %arg15[%get3A_503, %get3A_504, %get3A_505] : memref<4x64x128xf32, #tpu.memory_space<vmem>>, vector<1x64x128xf32>
      %get3A_507 = vector.shape_cast %get3A_506 : vector<1x64x128xf32> to vector<64x128xf32>
      %get3A_508 = arith.constant 2 : index
      %get3A_509 = arith.constant 128 : index
      %get3A_510 = arith.constant 0 : index
      %get3A_511 = vector.load %arg6[%get3A_508, %get3A_509, %get3A_510] : memref<4x512x128xf32, #tpu.memory_space<vmem>>, vector<1x64x128xf32>
      %get3A_512 = vector.shape_cast %get3A_511 : vector<1x64x128xf32> to vector<64x128xf32>
      %broadcast_in_dim3A_513 = vector.shape_cast %get3A_512 : vector<64x128xf32> to vector<1x64x128xf32>
      %mul3A_514 = vector.broadcast %broadcast_in_dim3A_513 : vector<1x64x128xf32> to vector<64x64x128xf32>
      %mul3A_515 = arith.mulf %mul3A_458, %mul3A_514 : vector<64x64x128xf32>
      %reduce_sum3A_516 = arith.constant dense<0.000000e+00> : vector<64x128xf32>
      %reduce_sum3A_517 = vector.multi_reduction <add>, %mul3A_515, %reduce_sum3A_516 [1] : vector<64x64x128xf32> to vector<64x128xf32>
      %add3A_518 = arith.addf %get3A_507, %reduce_sum3A_517 : vector<64x128xf32>
      %swap3A_519 = arith.constant 2 : index
      %swap3A_520 = arith.constant 0 : index
      %swap3A_521 = arith.constant 0 : index
      %swap3A_522 = vector.load %arg15[%swap3A_519, %swap3A_520, %swap3A_521] : memref<4x64x128xf32, #tpu.memory_space<vmem>>, vector<1x64x128xf32>
      %swap3A_523 = vector.shape_cast %swap3A_522 : vector<1x64x128xf32> to vector<64x128xf32>
      %swap3A_524 = vector.shape_cast %add3A_518 : vector<64x128xf32> to vector<1x64x128xf32>
      tpu.vector_store %arg15[%swap3A_519, %swap3A_520, %swap3A_521], %swap3A_524 {strides = array<i32>} : memref<4x64x128xf32, #tpu.memory_space<vmem>>, vector<1x64x128xf32>,
      %get3A_525 = arith.constant 3 : index
      %get3A_526 = arith.constant 0 : index
      %get3A_527 = arith.constant 0 : index
      %get3A_528 = vector.load %arg15[%get3A_525, %get3A_526, %get3A_527] : memref<4x64x128xf32, #tpu.memory_space<vmem>>, vector<1x64x128xf32>
      %get3A_529 = vector.shape_cast %get3A_528 : vector<1x64x128xf32> to vector<64x128xf32>
      %get3A_530 = arith.constant 3 : index
      %get3A_531 = arith.constant 128 : index
      %get3A_532 = arith.constant 0 : index
      %get3A_533 = vector.load %arg6[%get3A_530, %get3A_531, %get3A_532] : memref<4x512x128xf32, #tpu.memory_space<vmem>>, vector<1x64x128xf32>
      %get3A_534 = vector.shape_cast %get3A_533 : vector<1x64x128xf32> to vector<64x128xf32>
      %broadcast_in_dim3A_535 = vector.shape_cast %get3A_534 : vector<64x128xf32> to vector<1x64x128xf32>
      %mul3A_536 = vector.broadcast %broadcast_in_dim3A_535 : vector<1x64x128xf32> to vector<64x64x128xf32>
      %mul3A_537 = arith.mulf %mul3A_458, %mul3A_536 : vector<64x64x128xf32>
      %reduce_sum3A_538 = arith.constant dense<0.000000e+00> : vector<64x128xf32>
      %reduce_sum3A_539 = vector.multi_reduction <add>, %mul3A_537, %reduce_sum3A_538 [1] : vector<64x64x128xf32> to vector<64x128xf32>
      %add3A_540 = arith.addf %get3A_529, %reduce_sum3A_539 : vector<64x128xf32>
      %swap3A_541 = arith.constant 3 : index
      %swap3A_542 = arith.constant 0 : index
      %swap3A_543 = arith.constant 0 : index
      %swap3A_544 = vector.load %arg15[%swap3A_541, %swap3A_542, %swap3A_543] : memref<4x64x128xf32, #tpu.memory_space<vmem>>, vector<1x64x128xf32>
      %swap3A_545 = vector.shape_cast %swap3A_544 : vector<1x64x128xf32> to vector<64x128xf32>
      %swap3A_546 = vector.shape_cast %add3A_540 : vector<64x128xf32> to vector<1x64x128xf32>
      tpu.vector_store %arg15[%swap3A_541, %swap3A_542, %swap3A_543], %swap3A_546 {strides = array<i32>} : memref<4x64x128xf32, #tpu.memory_space<vmem>>, vector<1x64x128xf32>,
    } else {
    }
    %get3A_130 = arith.constant 0 : index
    %get3A_131 = arith.constant 384 : index
    %get3A_132 = vector.load %arg3[%get3A_130, %get3A_131] : memref<8x1024xf32, #tpu.memory_space<vmem>>, vector<8x128xf32>
    %slice3A_133 = vector.extract_strided_slice %get3A_1 {offsets = [0, 0], sizes = [64, 1], strides = [1, 1]} : vector<64x3xf32> to vector<64x1xf32>
    %slice3A_134 = vector.extract_strided_slice %get3A_132 {offsets = [0, 0], sizes = [1, 128], strides = [1, 1]} : vector<8x128xf32> to vector<1x128xf32>
    %sub3A_135 = vector.broadcast %slice3A_133 : vector<64x1xf32> to vector<64x128xf32>
    %sub3A_136 = vector.broadcast %slice3A_134 : vector<1x128xf32> to vector<64x128xf32>
    %sub3A_137 = arith.subf %sub3A_135, %sub3A_136 : vector<64x128xf32>
    %mul3A_138 = arith.mulf %sub3A_137, %sub3A_137 : vector<64x128xf32>
    %slice3A_139 = vector.extract_strided_slice %get3A_1 {offsets = [0, 1], sizes = [64, 1], strides = [1, 1]} : vector<64x3xf32> to vector<64x1xf32>
    %slice3A_140 = vector.extract_strided_slice %get3A_132 {offsets = [1, 0], sizes = [1, 128], strides = [1, 1]} : vector<8x128xf32> to vector<1x128xf32>
    %sub3A_141 = vector.broadcast %slice3A_139 : vector<64x1xf32> to vector<64x128xf32>
    %sub3A_142 = vector.broadcast %slice3A_140 : vector<1x128xf32> to vector<64x128xf32>
    %sub3A_143 = arith.subf %sub3A_141, %sub3A_142 : vector<64x128xf32>
    %mul3A_144 = arith.mulf %sub3A_143, %sub3A_143 : vector<64x128xf32>
    %add3A_145 = arith.addf %mul3A_138, %mul3A_144 : vector<64x128xf32>
    %slice3A_146 = vector.extract_strided_slice %get3A_1 {offsets = [0, 2], sizes = [64, 1], strides = [1, 1]} : vector<64x3xf32> to vector<64x1xf32>
    %slice3A_147 = vector.extract_strided_slice %get3A_132 {offsets = [2, 0], sizes = [1, 128], strides = [1, 1]} : vector<8x128xf32> to vector<1x128xf32>
    %sub3A_148 = vector.broadcast %slice3A_146 : vector<64x1xf32> to vector<64x128xf32>
    %sub3A_149 = vector.broadcast %slice3A_147 : vector<1x128xf32> to vector<64x128xf32>
    %sub3A_150 = arith.subf %sub3A_148, %sub3A_149 : vector<64x128xf32>
    %mul3A_151 = arith.mulf %sub3A_150, %sub3A_150 : vector<64x128xf32>
    %add3A_152 = arith.addf %add3A_145, %mul3A_151 : vector<64x128xf32>
    %le3A_153 = arith.constant 0.00999999977 : f32
    %le3A_154 = vector.broadcast %le3A_153 : f32 to vector<64x128xf32>
    %le3A_155 = arith.cmpf ole, %add3A_152, %le3A_154 : vector<64x128xf32>
    %reduce_or3A_156 = arith.constant 1.000000e+00 : f32
    %reduce_or3A_157 = arith.constant 0.000000e+00 : f32
    %reduce_or3A_158 = vector.broadcast %reduce_or3A_156 : f32 to vector<64x128xf32>
    %reduce_or3A_159 = vector.broadcast %reduce_or3A_157 : f32 to vector<64x128xf32>
    %reduce_or3A_160 = arith.select %le3A_155, %reduce_or3A_158, %reduce_or3A_159 : vector<64x128xi1>, vector<64x128xf32>
    %reduce_or3A_161 = vector.shape_cast %reduce_or3A_160 : vector<64x128xf32> to vector<1x64x128xf32>
    %reduce_or3A_162 = arith.constant dense<0xFF800000> : vector<1xf32>
    %reduce_or3A_163 = vector.multi_reduction <maximumf>, %reduce_or3A_161, %reduce_or3A_162 [1, 2] : vector<1x64x128xf32> to vector<1xf32>
    %reduce_or3A_164 = vector.shape_cast %reduce_or3A_163 : vector<1xf32> to vector<1x1x1xf32>
    %reduce_or3A_165 = vector.extract %reduce_or3A_164[0, 0, 0] : f32 from vector<1x1x1xf32>
    %reduce_or3A_166 = arith.constant 0.000000e+00 : f32
    %reduce_or3A_167 = arith.cmpf ogt, %reduce_or3A_165, %reduce_or3A_166 : f32
    %convert_element_type3A_168 = arith.extui %reduce_or3A_167 : i1 to i32
    %cond3A_169 = arith.constant 0 : i32
    %cond3A_170 = arith.cmpi ne, %convert_element_type3A_168, %cond3A_169 : i32
    scf.if %cond3A_170 {
      %get3A_340 = arith.constant 0 : index
      %get3A_341 = arith.constant 0 : index
      %get3A_342 = vector.load %arg16[%get3A_340, %get3A_341] : memref<64x1xf32, #tpu.memory_space<vmem>>, vector<64x1xf32>
      %convert_element_type3A_343 = arith.extui %le3A_155 : vector<64x128xi1> to vector<64x128xi32>
      %convert_element_type3A_344 = arith.sitofp %convert_element_type3A_343 : vector<64x128xi32> to vector<64x128xf32>
      %reduce_sum3A = arith.constant dense<0.000000e+00> : vector<64xf32>
      %reduce_sum3A_345 = vector.multi_reduction <add>, %convert_element_type3A_344, %reduce_sum3A [1] : vector<64x128xf32> to vector<64xf32>
      %broadcast_in_dim3A = vector.shape_cast %reduce_sum3A_345 : vector<64xf32> to vector<64x1xf32>
      %add3A_346 = arith.addf %get3A_342, %broadcast_in_dim3A : vector<64x1xf32>
      %swap3A = arith.constant 0 : index
      %swap3A_347 = arith.constant 0 : index
      %swap3A_348 = vector.load %arg16[%swap3A, %swap3A_347] : memref<64x1xf32, #tpu.memory_space<vmem>>, vector<64x1xf32>
      tpu.vector_store %arg16[%swap3A, %swap3A_347], %add3A_346 {strides = array<i32>} : memref<64x1xf32, #tpu.memory_space<vmem>>, vector<64x1xf32>,
      %get3A_349 = arith.constant 192 : index
      %get3A_350 = arith.constant 0 : index
      %get3A_351 = vector.load %arg4[%get3A_349, %get3A_350] : memref<512x6xf32, #tpu.memory_space<vmem>>, vector<64x6xf32>
      %get3A_352 = arith.constant 0 : index
      %get3A_353 = arith.constant 0 : index
      %get3A_354 = vector.load %arg9[%get3A_352, %get3A_353] : memref<6x128xf32, #tpu.memory_space<vmem>>, vector<6x128xf32>
      %dot_general3A_355 = arith.constant dense<0.000000e+00> : vector<64x128xf32>
      %dot_general3A_356 = tpu.matmul %get3A_351, %get3A_354, %dot_general3A_355 {dimension_numbers = #tpu.dot_dimension_numbers<[1], [0], [0], [1], [0, 0, 1, 1], [], []>, transpose_lhs_hint = false} : vector<64x6xf32>, vector<6x128xf32>, vector<64x128xf32> -> vector<64x128xf32>
      %broadcast_in_dim3A_357 = vector.shape_cast %add3A_11 : vector<64x128xf32> to vector<64x1x128xf32>
      %broadcast_in_dim3A_358 = vector.shape_cast %dot_general3A_356 : vector<64x128xf32> to vector<1x64x128xf32>
      %add3A_359 = vector.broadcast %broadcast_in_dim3A_357 : vector<64x1x128xf32> to vector<64x64x128xf32>
      %add3A_360 = vector.broadcast %broadcast_in_dim3A_358 : vector<1x64x128xf32> to vector<64x64x128xf32>
      %add3A_361 = arith.addf %add3A_359, %add3A_360 : vector<64x64x128xf32>
      %integer_pow3A = arith.mulf %add3A_361, %add3A_361 : vector<64x64x128xf32>
      %integer_pow3A_362 = arith.mulf %add3A_361, %integer_pow3A : vector<64x64x128xf32>
      %mul3A_363 = arith.constant 4.471500e-02 : f32
      %mul3A_364 = vector.broadcast %mul3A_363 : f32 to vector<64x64x128xf32>
      %mul3A_365 = arith.mulf %mul3A_364, %integer_pow3A_362 : vector<64x64x128xf32>
      %add3A_366 = arith.addf %add3A_361, %mul3A_365 : vector<64x64x128xf32>
      %mul3A_367 = arith.constant 0.797884583 : f32
      %mul3A_368 = vector.broadcast %mul3A_367 : f32 to vector<64x64x128xf32>
      %mul3A_369 = arith.mulf %mul3A_368, %add3A_366 : vector<64x64x128xf32>
      %tanh3A = math.tanh %mul3A_369 : vector<64x64x128xf32>
      %add3A_370 = arith.constant 1.000000e+00 : f32
      %add3A_371 = vector.broadcast %add3A_370 : f32 to vector<64x64x128xf32>
      %add3A_372 = arith.addf %add3A_371, %tanh3A : vector<64x64x128xf32>
      %mul3A_373 = arith.constant 5.000000e-01 : f32
      %mul3A_374 = vector.broadcast %mul3A_373 : f32 to vector<64x64x128xf32>
      %mul3A_375 = arith.mulf %mul3A_374, %add3A_372 : vector<64x64x128xf32>
      %mul3A_376 = arith.mulf %add3A_361, %mul3A_375 : vector<64x64x128xf32>
      %reshape3A = vector.shape_cast %mul3A_376 : vector<64x64x128xf32> to vector<4096x128xf32>
      %get3A_377 = arith.constant 0 : index
      %get3A_378 = arith.constant 0 : index
      %get3A_379 = vector.load %arg10[%get3A_377, %get3A_378] : memref<128x128xf32, #tpu.memory_space<vmem>>, vector<128x128xf32>
      %dot_general3A_380 = arith.constant dense<0.000000e+00> : vector<4096x128xf32>
      %dot_general3A_381 = tpu.matmul %reshape3A, %get3A_379, %dot_general3A_380 {dimension_numbers = #tpu.dot_dimension_numbers<[1], [0], [0], [1], [0, 0, 1, 1], [], []>, transpose_lhs_hint = false} : vector<4096x128xf32>, vector<128x128xf32>, vector<4096x128xf32> -> vector<4096x128xf32>
      %get3A_382 = arith.constant 0 : index
      %get3A_383 = arith.constant 0 : index
      %get3A_384 = vector.load %arg11[%get3A_382, %get3A_383] : memref<1x128xf32, #tpu.memory_space<vmem>>, vector<1x128xf32>
      %add3A_385 = vector.broadcast %get3A_384 : vector<1x128xf32> to vector<4096x128xf32>
      %add3A_386 = arith.addf %dot_general3A_381, %add3A_385 : vector<4096x128xf32>
      %integer_pow3A_387 = arith.mulf %add3A_386, %add3A_386 : vector<4096x128xf32>
      %integer_pow3A_388 = arith.mulf %add3A_386, %integer_pow3A_387 : vector<4096x128xf32>
      %mul3A_389 = arith.constant 4.471500e-02 : f32
      %mul3A_390 = vector.broadcast %mul3A_389 : f32 to vector<4096x128xf32>
      %mul3A_391 = arith.mulf %mul3A_390, %integer_pow3A_388 : vector<4096x128xf32>
      %add3A_392 = arith.addf %add3A_386, %mul3A_391 : vector<4096x128xf32>
      %mul3A_393 = arith.constant 0.797884583 : f32
      %mul3A_394 = vector.broadcast %mul3A_393 : f32 to vector<4096x128xf32>
      %mul3A_395 = arith.mulf %mul3A_394, %add3A_392 : vector<4096x128xf32>
      %tanh3A_396 = math.tanh %mul3A_395 : vector<4096x128xf32>
      %add3A_397 = arith.constant 1.000000e+00 : f32
      %add3A_398 = vector.broadcast %add3A_397 : f32 to vector<4096x128xf32>
      %add3A_399 = arith.addf %add3A_398, %tanh3A_396 : vector<4096x128xf32>
      %mul3A_400 = arith.constant 5.000000e-01 : f32
      %mul3A_401 = vector.broadcast %mul3A_400 : f32 to vector<4096x128xf32>
      %mul3A_402 = arith.mulf %mul3A_401, %add3A_399 : vector<4096x128xf32>
      %mul3A_403 = arith.mulf %add3A_386, %mul3A_402 : vector<4096x128xf32>
      %get3A_404 = arith.constant 0 : index
      %get3A_405 = arith.constant 0 : index
      %get3A_406 = vector.load %arg12[%get3A_404, %get3A_405] : memref<128x128xf32, #tpu.memory_space<vmem>>, vector<128x128xf32>
      %dot_general3A_407 = arith.constant dense<0.000000e+00> : vector<4096x128xf32>
      %dot_general3A_408 = tpu.matmul %mul3A_403, %get3A_406, %dot_general3A_407 {dimension_numbers = #tpu.dot_dimension_numbers<[1], [0], [0], [1], [0, 0, 1, 1], [], []>, transpose_lhs_hint = false} : vector<4096x128xf32>, vector<128x128xf32>, vector<4096x128xf32> -> vector<4096x128xf32>
      %get3A_409 = arith.constant 0 : index
      %get3A_410 = arith.constant 0 : index
      %get3A_411 = vector.load %arg13[%get3A_409, %get3A_410] : memref<1x128xf32, #tpu.memory_space<vmem>>, vector<1x128xf32>
      %add3A_412 = vector.broadcast %get3A_411 : vector<1x128xf32> to vector<4096x128xf32>
      %add3A_413 = arith.addf %dot_general3A_408, %add3A_412 : vector<4096x128xf32>
      %reshape3A_414 = vector.shape_cast %add3A_413 : vector<4096x128xf32> to vector<64x64x128xf32>
      %get3A_415 = arith.constant 0 : index
      %get3A_416 = arith.constant 192 : index
      %get3A_417 = arith.constant 0 : index
      %get3A_418 = vector.load %arg5[%get3A_415, %get3A_416, %get3A_417] : memref<3x512x128xf32, #tpu.memory_space<vmem>>, vector<3x64x128xf32>
      %slice3A_419 = vector.extract_strided_slice %get3A_1 {offsets = [0, 0], sizes = [64, 1], strides = [1, 1]} : vector<64x3xf32> to vector<64x1xf32>
      %broadcast_in_dim3A_420 = vector.shape_cast %slice3A_419 : vector<64x1xf32> to vector<64x1xf32>
      %broadcast_in_dim3A_421 = vector.broadcast %broadcast_in_dim3A_420 : vector<64x1xf32> to vector<64x128xf32>
      %broadcast_in_dim3A_422 = vector.shape_cast %broadcast_in_dim3A_421 : vector<64x128xf32> to vector<64x1x128xf32>
      %slice3A_423 = vector.extract_strided_slice %get3A_418 {offsets = [0, 0, 0], sizes = [1, 64, 128], strides = [1, 1, 1]} : vector<3x64x128xf32> to vector<1x64x128xf32>
      %squeeze3A = vector.shape_cast %slice3A_423 : vector<1x64x128xf32> to vector<64x128xf32>
      %broadcast_in_dim3A_424 = vector.shape_cast %squeeze3A : vector<64x128xf32> to vector<1x64x128xf32>
      %sub3A_425 = vector.broadcast %broadcast_in_dim3A_422 : vector<64x1x128xf32> to vector<64x64x128xf32>
      %sub3A_426 = vector.broadcast %broadcast_in_dim3A_424 : vector<1x64x128xf32> to vector<64x64x128xf32>
      %sub3A_427 = arith.subf %sub3A_425, %sub3A_426 : vector<64x64x128xf32>
      %mul3A_428 = arith.mulf %sub3A_427, %sub3A_427 : vector<64x64x128xf32>
      %slice3A_429 = vector.extract_strided_slice %get3A_1 {offsets = [0, 1], sizes = [64, 1], strides = [1, 1]} : vector<64x3xf32> to vector<64x1xf32>
      %broadcast_in_dim3A_430 = vector.shape_cast %slice3A_429 : vector<64x1xf32> to vector<64x1xf32>
      %broadcast_in_dim3A_431 = vector.broadcast %broadcast_in_dim3A_430 : vector<64x1xf32> to vector<64x128xf32>
      %broadcast_in_dim3A_432 = vector.shape_cast %broadcast_in_dim3A_431 : vector<64x128xf32> to vector<64x1x128xf32>
      %slice3A_433 = vector.extract_strided_slice %get3A_418 {offsets = [1, 0, 0], sizes = [1, 64, 128], strides = [1, 1, 1]} : vector<3x64x128xf32> to vector<1x64x128xf32>
      %squeeze3A_434 = vector.shape_cast %slice3A_433 : vector<1x64x128xf32> to vector<64x128xf32>
      %broadcast_in_dim3A_435 = vector.shape_cast %squeeze3A_434 : vector<64x128xf32> to vector<1x64x128xf32>
      %sub3A_436 = vector.broadcast %broadcast_in_dim3A_432 : vector<64x1x128xf32> to vector<64x64x128xf32>
      %sub3A_437 = vector.broadcast %broadcast_in_dim3A_435 : vector<1x64x128xf32> to vector<64x64x128xf32>
      %sub3A_438 = arith.subf %sub3A_436, %sub3A_437 : vector<64x64x128xf32>
      %mul3A_439 = arith.mulf %sub3A_438, %sub3A_438 : vector<64x64x128xf32>
      %add3A_440 = arith.addf %mul3A_428, %mul3A_439 : vector<64x64x128xf32>
      %slice3A_441 = vector.extract_strided_slice %get3A_1 {offsets = [0, 2], sizes = [64, 1], strides = [1, 1]} : vector<64x3xf32> to vector<64x1xf32>
      %broadcast_in_dim3A_442 = vector.shape_cast %slice3A_441 : vector<64x1xf32> to vector<64x1xf32>
      %broadcast_in_dim3A_443 = vector.broadcast %broadcast_in_dim3A_442 : vector<64x1xf32> to vector<64x128xf32>
      %broadcast_in_dim3A_444 = vector.shape_cast %broadcast_in_dim3A_443 : vector<64x128xf32> to vector<64x1x128xf32>
      %slice3A_445 = vector.extract_strided_slice %get3A_418 {offsets = [2, 0, 0], sizes = [1, 64, 128], strides = [1, 1, 1]} : vector<3x64x128xf32> to vector<1x64x128xf32>
      %squeeze3A_446 = vector.shape_cast %slice3A_445 : vector<1x64x128xf32> to vector<64x128xf32>
      %broadcast_in_dim3A_447 = vector.shape_cast %squeeze3A_446 : vector<64x128xf32> to vector<1x64x128xf32>
      %sub3A_448 = vector.broadcast %broadcast_in_dim3A_444 : vector<64x1x128xf32> to vector<64x64x128xf32>
      %sub3A_449 = vector.broadcast %broadcast_in_dim3A_447 : vector<1x64x128xf32> to vector<64x64x128xf32>
      %sub3A_450 = arith.subf %sub3A_448, %sub3A_449 : vector<64x64x128xf32>
      %mul3A_451 = arith.mulf %sub3A_450, %sub3A_450 : vector<64x64x128xf32>
      %add3A_452 = arith.addf %add3A_440, %mul3A_451 : vector<64x64x128xf32>
      %le3A_453 = arith.constant 0.00999999977 : f32
      %le3A_454 = vector.broadcast %le3A_453 : f32 to vector<64x64x128xf32>
      %le3A_455 = arith.cmpf ole, %add3A_452, %le3A_454 : vector<64x64x128xf32>
      %convert_element_type3A_456 = arith.extui %le3A_455 : vector<64x64x128xi1> to vector<64x64x128xi32>
      %convert_element_type3A_457 = arith.sitofp %convert_element_type3A_456 : vector<64x64x128xi32> to vector<64x64x128xf32>
      %mul3A_458 = arith.mulf %reshape3A_414, %convert_element_type3A_457 : vector<64x64x128xf32>
      %get3A_459 = arith.constant 0 : index
      %get3A_460 = arith.constant 0 : index
      %get3A_461 = arith.constant 0 : index
      %get3A_462 = vector.load %arg15[%get3A_459, %get3A_460, %get3A_461] : memref<4x64x128xf32, #tpu.memory_space<vmem>>, vector<1x64x128xf32>
      %get3A_463 = vector.shape_cast %get3A_462 : vector<1x64x128xf32> to vector<64x128xf32>
      %get3A_464 = arith.constant 0 : index
      %get3A_465 = arith.constant 192 : index
      %get3A_466 = arith.constant 0 : index
      %get3A_467 = vector.load %arg6[%get3A_464, %get3A_465, %get3A_466] : memref<4x512x128xf32, #tpu.memory_space<vmem>>, vector<1x64x128xf32>
      %get3A_468 = vector.shape_cast %get3A_467 : vector<1x64x128xf32> to vector<64x128xf32>
      %broadcast_in_dim3A_469 = vector.shape_cast %get3A_468 : vector<64x128xf32> to vector<1x64x128xf32>
      %mul3A_470 = vector.broadcast %broadcast_in_dim3A_469 : vector<1x64x128xf32> to vector<64x64x128xf32>
      %mul3A_471 = arith.mulf %mul3A_458, %mul3A_470 : vector<64x64x128xf32>
      %reduce_sum3A_472 = arith.constant dense<0.000000e+00> : vector<64x128xf32>
      %reduce_sum3A_473 = vector.multi_reduction <add>, %mul3A_471, %reduce_sum3A_472 [1] : vector<64x64x128xf32> to vector<64x128xf32>
      %add3A_474 = arith.addf %get3A_463, %reduce_sum3A_473 : vector<64x128xf32>
      %swap3A_475 = arith.constant 0 : index
      %swap3A_476 = arith.constant 0 : index
      %swap3A_477 = arith.constant 0 : index
      %swap3A_478 = vector.load %arg15[%swap3A_475, %swap3A_476, %swap3A_477] : memref<4x64x128xf32, #tpu.memory_space<vmem>>, vector<1x64x128xf32>
      %swap3A_479 = vector.shape_cast %swap3A_478 : vector<1x64x128xf32> to vector<64x128xf32>
      %swap3A_480 = vector.shape_cast %add3A_474 : vector<64x128xf32> to vector<1x64x128xf32>
      tpu.vector_store %arg15[%swap3A_475, %swap3A_476, %swap3A_477], %swap3A_480 {strides = array<i32>} : memref<4x64x128xf32, #tpu.memory_space<vmem>>, vector<1x64x128xf32>,
      %get3A_481 = arith.constant 1 : index
      %get3A_482 = arith.constant 0 : index
      %get3A_483 = arith.constant 0 : index
      %get3A_484 = vector.load %arg15[%get3A_481, %get3A_482, %get3A_483] : memref<4x64x128xf32, #tpu.memory_space<vmem>>, vector<1x64x128xf32>
      %get3A_485 = vector.shape_cast %get3A_484 : vector<1x64x128xf32> to vector<64x128xf32>
      %get3A_486 = arith.constant 1 : index
      %get3A_487 = arith.constant 192 : index
      %get3A_488 = arith.constant 0 : index
      %get3A_489 = vector.load %arg6[%get3A_486, %get3A_487, %get3A_488] : memref<4x512x128xf32, #tpu.memory_space<vmem>>, vector<1x64x128xf32>
      %get3A_490 = vector.shape_cast %get3A_489 : vector<1x64x128xf32> to vector<64x128xf32>
      %broadcast_in_dim3A_491 = vector.shape_cast %get3A_490 : vector<64x128xf32> to vector<1x64x128xf32>
      %mul3A_492 = vector.broadcast %broadcast_in_dim3A_491 : vector<1x64x128xf32> to vector<64x64x128xf32>
      %mul3A_493 = arith.mulf %mul3A_458, %mul3A_492 : vector<64x64x128xf32>
      %reduce_sum3A_494 = arith.constant dense<0.000000e+00> : vector<64x128xf32>
      %reduce_sum3A_495 = vector.multi_reduction <add>, %mul3A_493, %reduce_sum3A_494 [1] : vector<64x64x128xf32> to vector<64x128xf32>
      %add3A_496 = arith.addf %get3A_485, %reduce_sum3A_495 : vector<64x128xf32>
      %swap3A_497 = arith.constant 1 : index
      %swap3A_498 = arith.constant 0 : index
      %swap3A_499 = arith.constant 0 : index
      %swap3A_500 = vector.load %arg15[%swap3A_497, %swap3A_498, %swap3A_499] : memref<4x64x128xf32, #tpu.memory_space<vmem>>, vector<1x64x128xf32>
      %swap3A_501 = vector.shape_cast %swap3A_500 : vector<1x64x128xf32> to vector<64x128xf32>
      %swap3A_502 = vector.shape_cast %add3A_496 : vector<64x128xf32> to vector<1x64x128xf32>
      tpu.vector_store %arg15[%swap3A_497, %swap3A_498, %swap3A_499], %swap3A_502 {strides = array<i32>} : memref<4x64x128xf32, #tpu.memory_space<vmem>>, vector<1x64x128xf32>,
      %get3A_503 = arith.constant 2 : index
      %get3A_504 = arith.constant 0 : index
      %get3A_505 = arith.constant 0 : index
      %get3A_506 = vector.load %arg15[%get3A_503, %get3A_504, %get3A_505] : memref<4x64x128xf32, #tpu.memory_space<vmem>>, vector<1x64x128xf32>
      %get3A_507 = vector.shape_cast %get3A_506 : vector<1x64x128xf32> to vector<64x128xf32>
      %get3A_508 = arith.constant 2 : index
      %get3A_509 = arith.constant 192 : index
      %get3A_510 = arith.constant 0 : index
      %get3A_511 = vector.load %arg6[%get3A_508, %get3A_509, %get3A_510] : memref<4x512x128xf32, #tpu.memory_space<vmem>>, vector<1x64x128xf32>
      %get3A_512 = vector.shape_cast %get3A_511 : vector<1x64x128xf32> to vector<64x128xf32>
      %broadcast_in_dim3A_513 = vector.shape_cast %get3A_512 : vector<64x128xf32> to vector<1x64x128xf32>
      %mul3A_514 = vector.broadcast %broadcast_in_dim3A_513 : vector<1x64x128xf32> to vector<64x64x128xf32>
      %mul3A_515 = arith.mulf %mul3A_458, %mul3A_514 : vector<64x64x128xf32>
      %reduce_sum3A_516 = arith.constant dense<0.000000e+00> : vector<64x128xf32>
      %reduce_sum3A_517 = vector.multi_reduction <add>, %mul3A_515, %reduce_sum3A_516 [1] : vector<64x64x128xf32> to vector<64x128xf32>
      %add3A_518 = arith.addf %get3A_507, %reduce_sum3A_517 : vector<64x128xf32>
      %swap3A_519 = arith.constant 2 : index
      %swap3A_520 = arith.constant 0 : index
      %swap3A_521 = arith.constant 0 : index
      %swap3A_522 = vector.load %arg15[%swap3A_519, %swap3A_520, %swap3A_521] : memref<4x64x128xf32, #tpu.memory_space<vmem>>, vector<1x64x128xf32>
      %swap3A_523 = vector.shape_cast %swap3A_522 : vector<1x64x128xf32> to vector<64x128xf32>
      %swap3A_524 = vector.shape_cast %add3A_518 : vector<64x128xf32> to vector<1x64x128xf32>
      tpu.vector_store %arg15[%swap3A_519, %swap3A_520, %swap3A_521], %swap3A_524 {strides = array<i32>} : memref<4x64x128xf32, #tpu.memory_space<vmem>>, vector<1x64x128xf32>,
      %get3A_525 = arith.constant 3 : index
      %get3A_526 = arith.constant 0 : index
      %get3A_527 = arith.constant 0 : index
      %get3A_528 = vector.load %arg15[%get3A_525, %get3A_526, %get3A_527] : memref<4x64x128xf32, #tpu.memory_space<vmem>>, vector<1x64x128xf32>
      %get3A_529 = vector.shape_cast %get3A_528 : vector<1x64x128xf32> to vector<64x128xf32>
      %get3A_530 = arith.constant 3 : index
      %get3A_531 = arith.constant 192 : index
      %get3A_532 = arith.constant 0 : index
      %get3A_533 = vector.load %arg6[%get3A_530, %get3A_531, %get3A_532] : memref<4x512x128xf32, #tpu.memory_space<vmem>>, vector<1x64x128xf32>
      %get3A_534 = vector.shape_cast %get3A_533 : vector<1x64x128xf32> to vector<64x128xf32>
      %broadcast_in_dim3A_535 = vector.shape_cast %get3A_534 : vector<64x128xf32> to vector<1x64x128xf32>
      %mul3A_536 = vector.broadcast %broadcast_in_dim3A_535 : vector<1x64x128xf32> to vector<64x64x128xf32>
      %mul3A_537 = arith.mulf %mul3A_458, %mul3A_536 : vector<64x64x128xf32>
      %reduce_sum3A_538 = arith.constant dense<0.000000e+00> : vector<64x128xf32>
      %reduce_sum3A_539 = vector.multi_reduction <add>, %mul3A_537, %reduce_sum3A_538 [1] : vector<64x64x128xf32> to vector<64x128xf32>
      %add3A_540 = arith.addf %get3A_529, %reduce_sum3A_539 : vector<64x128xf32>
      %swap3A_541 = arith.constant 3 : index
      %swap3A_542 = arith.constant 0 : index
      %swap3A_543 = arith.constant 0 : index
      %swap3A_544 = vector.load %arg15[%swap3A_541, %swap3A_542, %swap3A_543] : memref<4x64x128xf32, #tpu.memory_space<vmem>>, vector<1x64x128xf32>
      %swap3A_545 = vector.shape_cast %swap3A_544 : vector<1x64x128xf32> to vector<64x128xf32>
      %swap3A_546 = vector.shape_cast %add3A_540 : vector<64x128xf32> to vector<1x64x128xf32>
      tpu.vector_store %arg15[%swap3A_541, %swap3A_542, %swap3A_543], %swap3A_546 {strides = array<i32>} : memref<4x64x128xf32, #tpu.memory_space<vmem>>, vector<1x64x128xf32>,
    } else {
    }
    %get3A_171 = arith.constant 0 : index
    %get3A_172 = arith.constant 512 : index
    %get3A_173 = vector.load %arg3[%get3A_171, %get3A_172] : memref<8x1024xf32, #tpu.memory_space<vmem>>, vector<8x128xf32>
    %slice3A_174 = vector.extract_strided_slice %get3A_1 {offsets = [0, 0], sizes = [64, 1], strides = [1, 1]} : vector<64x3xf32> to vector<64x1xf32>
    %slice3A_175 = vector.extract_strided_slice %get3A_173 {offsets = [0, 0], sizes = [1, 128], strides = [1, 1]} : vector<8x128xf32> to vector<1x128xf32>
    %sub3A_176 = vector.broadcast %slice3A_174 : vector<64x1xf32> to vector<64x128xf32>
    %sub3A_177 = vector.broadcast %slice3A_175 : vector<1x128xf32> to vector<64x128xf32>
    %sub3A_178 = arith.subf %sub3A_176, %sub3A_177 : vector<64x128xf32>
    %mul3A_179 = arith.mulf %sub3A_178, %sub3A_178 : vector<64x128xf32>
    %slice3A_180 = vector.extract_strided_slice %get3A_1 {offsets = [0, 1], sizes = [64, 1], strides = [1, 1]} : vector<64x3xf32> to vector<64x1xf32>
    %slice3A_181 = vector.extract_strided_slice %get3A_173 {offsets = [1, 0], sizes = [1, 128], strides = [1, 1]} : vector<8x128xf32> to vector<1x128xf32>
    %sub3A_182 = vector.broadcast %slice3A_180 : vector<64x1xf32> to vector<64x128xf32>
    %sub3A_183 = vector.broadcast %slice3A_181 : vector<1x128xf32> to vector<64x128xf32>
    %sub3A_184 = arith.subf %sub3A_182, %sub3A_183 : vector<64x128xf32>
    %mul3A_185 = arith.mulf %sub3A_184, %sub3A_184 : vector<64x128xf32>
    %add3A_186 = arith.addf %mul3A_179, %mul3A_185 : vector<64x128xf32>
    %slice3A_187 = vector.extract_strided_slice %get3A_1 {offsets = [0, 2], sizes = [64, 1], strides = [1, 1]} : vector<64x3xf32> to vector<64x1xf32>
    %slice3A_188 = vector.extract_strided_slice %get3A_173 {offsets = [2, 0], sizes = [1, 128], strides = [1, 1]} : vector<8x128xf32> to vector<1x128xf32>
    %sub3A_189 = vector.broadcast %slice3A_187 : vector<64x1xf32> to vector<64x128xf32>
    %sub3A_190 = vector.broadcast %slice3A_188 : vector<1x128xf32> to vector<64x128xf32>
    %sub3A_191 = arith.subf %sub3A_189, %sub3A_190 : vector<64x128xf32>
    %mul3A_192 = arith.mulf %sub3A_191, %sub3A_191 : vector<64x128xf32>
    %add3A_193 = arith.addf %add3A_186, %mul3A_192 : vector<64x128xf32>
    %le3A_194 = arith.constant 0.00999999977 : f32
    %le3A_195 = vector.broadcast %le3A_194 : f32 to vector<64x128xf32>
    %le3A_196 = arith.cmpf ole, %add3A_193, %le3A_195 : vector<64x128xf32>
    %reduce_or3A_197 = arith.constant 1.000000e+00 : f32
    %reduce_or3A_198 = arith.constant 0.000000e+00 : f32
    %reduce_or3A_199 = vector.broadcast %reduce_or3A_197 : f32 to vector<64x128xf32>
    %reduce_or3A_200 = vector.broadcast %reduce_or3A_198 : f32 to vector<64x128xf32>
    %reduce_or3A_201 = arith.select %le3A_196, %reduce_or3A_199, %reduce_or3A_200 : vector<64x128xi1>, vector<64x128xf32>
    %reduce_or3A_202 = vector.shape_cast %reduce_or3A_201 : vector<64x128xf32> to vector<1x64x128xf32>
    %reduce_or3A_203 = arith.constant dense<0xFF800000> : vector<1xf32>
    %reduce_or3A_204 = vector.multi_reduction <maximumf>, %reduce_or3A_202, %reduce_or3A_203 [1, 2] : vector<1x64x128xf32> to vector<1xf32>
    %reduce_or3A_205 = vector.shape_cast %reduce_or3A_204 : vector<1xf32> to vector<1x1x1xf32>
    %reduce_or3A_206 = vector.extract %reduce_or3A_205[0, 0, 0] : f32 from vector<1x1x1xf32>
    %reduce_or3A_207 = arith.constant 0.000000e+00 : f32
    %reduce_or3A_208 = arith.cmpf ogt, %reduce_or3A_206, %reduce_or3A_207 : f32
    %convert_element_type3A_209 = arith.extui %reduce_or3A_208 : i1 to i32
    %cond3A_210 = arith.constant 0 : i32
    %cond3A_211 = arith.cmpi ne, %convert_element_type3A_209, %cond3A_210 : i32
    scf.if %cond3A_211 {
      %get3A_340 = arith.constant 0 : index
      %get3A_341 = arith.constant 0 : index
      %get3A_342 = vector.load %arg16[%get3A_340, %get3A_341] : memref<64x1xf32, #tpu.memory_space<vmem>>, vector<64x1xf32>
      %convert_element_type3A_343 = arith.extui %le3A_196 : vector<64x128xi1> to vector<64x128xi32>
      %convert_element_type3A_344 = arith.sitofp %convert_element_type3A_343 : vector<64x128xi32> to vector<64x128xf32>
      %reduce_sum3A = arith.constant dense<0.000000e+00> : vector<64xf32>
      %reduce_sum3A_345 = vector.multi_reduction <add>, %convert_element_type3A_344, %reduce_sum3A [1] : vector<64x128xf32> to vector<64xf32>
      %broadcast_in_dim3A = vector.shape_cast %reduce_sum3A_345 : vector<64xf32> to vector<64x1xf32>
      %add3A_346 = arith.addf %get3A_342, %broadcast_in_dim3A : vector<64x1xf32>
      %swap3A = arith.constant 0 : index
      %swap3A_347 = arith.constant 0 : index
      %swap3A_348 = vector.load %arg16[%swap3A, %swap3A_347] : memref<64x1xf32, #tpu.memory_space<vmem>>, vector<64x1xf32>
      tpu.vector_store %arg16[%swap3A, %swap3A_347], %add3A_346 {strides = array<i32>} : memref<64x1xf32, #tpu.memory_space<vmem>>, vector<64x1xf32>,
      %get3A_349 = arith.constant 256 : index
      %get3A_350 = arith.constant 0 : index
      %get3A_351 = vector.load %arg4[%get3A_349, %get3A_350] : memref<512x6xf32, #tpu.memory_space<vmem>>, vector<64x6xf32>
      %get3A_352 = arith.constant 0 : index
      %get3A_353 = arith.constant 0 : index
      %get3A_354 = vector.load %arg9[%get3A_352, %get3A_353] : memref<6x128xf32, #tpu.memory_space<vmem>>, vector<6x128xf32>
      %dot_general3A_355 = arith.constant dense<0.000000e+00> : vector<64x128xf32>
      %dot_general3A_356 = tpu.matmul %get3A_351, %get3A_354, %dot_general3A_355 {dimension_numbers = #tpu.dot_dimension_numbers<[1], [0], [0], [1], [0, 0, 1, 1], [], []>, transpose_lhs_hint = false} : vector<64x6xf32>, vector<6x128xf32>, vector<64x128xf32> -> vector<64x128xf32>
      %broadcast_in_dim3A_357 = vector.shape_cast %add3A_11 : vector<64x128xf32> to vector<64x1x128xf32>
      %broadcast_in_dim3A_358 = vector.shape_cast %dot_general3A_356 : vector<64x128xf32> to vector<1x64x128xf32>
      %add3A_359 = vector.broadcast %broadcast_in_dim3A_357 : vector<64x1x128xf32> to vector<64x64x128xf32>
      %add3A_360 = vector.broadcast %broadcast_in_dim3A_358 : vector<1x64x128xf32> to vector<64x64x128xf32>
      %add3A_361 = arith.addf %add3A_359, %add3A_360 : vector<64x64x128xf32>
      %integer_pow3A = arith.mulf %add3A_361, %add3A_361 : vector<64x64x128xf32>
      %integer_pow3A_362 = arith.mulf %add3A_361, %integer_pow3A : vector<64x64x128xf32>
      %mul3A_363 = arith.constant 4.471500e-02 : f32
      %mul3A_364 = vector.broadcast %mul3A_363 : f32 to vector<64x64x128xf32>
      %mul3A_365 = arith.mulf %mul3A_364, %integer_pow3A_362 : vector<64x64x128xf32>
      %add3A_366 = arith.addf %add3A_361, %mul3A_365 : vector<64x64x128xf32>
      %mul3A_367 = arith.constant 0.797884583 : f32
      %mul3A_368 = vector.broadcast %mul3A_367 : f32 to vector<64x64x128xf32>
      %mul3A_369 = arith.mulf %mul3A_368, %add3A_366 : vector<64x64x128xf32>
      %tanh3A = math.tanh %mul3A_369 : vector<64x64x128xf32>
      %add3A_370 = arith.constant 1.000000e+00 : f32
      %add3A_371 = vector.broadcast %add3A_370 : f32 to vector<64x64x128xf32>
      %add3A_372 = arith.addf %add3A_371, %tanh3A : vector<64x64x128xf32>
      %mul3A_373 = arith.constant 5.000000e-01 : f32
      %mul3A_374 = vector.broadcast %mul3A_373 : f32 to vector<64x64x128xf32>
      %mul3A_375 = arith.mulf %mul3A_374, %add3A_372 : vector<64x64x128xf32>
      %mul3A_376 = arith.mulf %add3A_361, %mul3A_375 : vector<64x64x128xf32>
      %reshape3A = vector.shape_cast %mul3A_376 : vector<64x64x128xf32> to vector<4096x128xf32>
      %get3A_377 = arith.constant 0 : index
      %get3A_378 = arith.constant 0 : index
      %get3A_379 = vector.load %arg10[%get3A_377, %get3A_378] : memref<128x128xf32, #tpu.memory_space<vmem>>, vector<128x128xf32>
      %dot_general3A_380 = arith.constant dense<0.000000e+00> : vector<4096x128xf32>
      %dot_general3A_381 = tpu.matmul %reshape3A, %get3A_379, %dot_general3A_380 {dimension_numbers = #tpu.dot_dimension_numbers<[1], [0], [0], [1], [0, 0, 1, 1], [], []>, transpose_lhs_hint = false} : vector<4096x128xf32>, vector<128x128xf32>, vector<4096x128xf32> -> vector<4096x128xf32>
      %get3A_382 = arith.constant 0 : index
      %get3A_383 = arith.constant 0 : index
      %get3A_384 = vector.load %arg11[%get3A_382, %get3A_383] : memref<1x128xf32, #tpu.memory_space<vmem>>, vector<1x128xf32>
      %add3A_385 = vector.broadcast %get3A_384 : vector<1x128xf32> to vector<4096x128xf32>
      %add3A_386 = arith.addf %dot_general3A_381, %add3A_385 : vector<4096x128xf32>
      %integer_pow3A_387 = arith.mulf %add3A_386, %add3A_386 : vector<4096x128xf32>
      %integer_pow3A_388 = arith.mulf %add3A_386, %integer_pow3A_387 : vector<4096x128xf32>
      %mul3A_389 = arith.constant 4.471500e-02 : f32
      %mul3A_390 = vector.broadcast %mul3A_389 : f32 to vector<4096x128xf32>
      %mul3A_391 = arith.mulf %mul3A_390, %integer_pow3A_388 : vector<4096x128xf32>
      %add3A_392 = arith.addf %add3A_386, %mul3A_391 : vector<4096x128xf32>
      %mul3A_393 = arith.constant 0.797884583 : f32
      %mul3A_394 = vector.broadcast %mul3A_393 : f32 to vector<4096x128xf32>
      %mul3A_395 = arith.mulf %mul3A_394, %add3A_392 : vector<4096x128xf32>
      %tanh3A_396 = math.tanh %mul3A_395 : vector<4096x128xf32>
      %add3A_397 = arith.constant 1.000000e+00 : f32
      %add3A_398 = vector.broadcast %add3A_397 : f32 to vector<4096x128xf32>
      %add3A_399 = arith.addf %add3A_398, %tanh3A_396 : vector<4096x128xf32>
      %mul3A_400 = arith.constant 5.000000e-01 : f32
      %mul3A_401 = vector.broadcast %mul3A_400 : f32 to vector<4096x128xf32>
      %mul3A_402 = arith.mulf %mul3A_401, %add3A_399 : vector<4096x128xf32>
      %mul3A_403 = arith.mulf %add3A_386, %mul3A_402 : vector<4096x128xf32>
      %get3A_404 = arith.constant 0 : index
      %get3A_405 = arith.constant 0 : index
      %get3A_406 = vector.load %arg12[%get3A_404, %get3A_405] : memref<128x128xf32, #tpu.memory_space<vmem>>, vector<128x128xf32>
      %dot_general3A_407 = arith.constant dense<0.000000e+00> : vector<4096x128xf32>
      %dot_general3A_408 = tpu.matmul %mul3A_403, %get3A_406, %dot_general3A_407 {dimension_numbers = #tpu.dot_dimension_numbers<[1], [0], [0], [1], [0, 0, 1, 1], [], []>, transpose_lhs_hint = false} : vector<4096x128xf32>, vector<128x128xf32>, vector<4096x128xf32> -> vector<4096x128xf32>
      %get3A_409 = arith.constant 0 : index
      %get3A_410 = arith.constant 0 : index
      %get3A_411 = vector.load %arg13[%get3A_409, %get3A_410] : memref<1x128xf32, #tpu.memory_space<vmem>>, vector<1x128xf32>
      %add3A_412 = vector.broadcast %get3A_411 : vector<1x128xf32> to vector<4096x128xf32>
      %add3A_413 = arith.addf %dot_general3A_408, %add3A_412 : vector<4096x128xf32>
      %reshape3A_414 = vector.shape_cast %add3A_413 : vector<4096x128xf32> to vector<64x64x128xf32>
      %get3A_415 = arith.constant 0 : index
      %get3A_416 = arith.constant 256 : index
      %get3A_417 = arith.constant 0 : index
      %get3A_418 = vector.load %arg5[%get3A_415, %get3A_416, %get3A_417] : memref<3x512x128xf32, #tpu.memory_space<vmem>>, vector<3x64x128xf32>
      %slice3A_419 = vector.extract_strided_slice %get3A_1 {offsets = [0, 0], sizes = [64, 1], strides = [1, 1]} : vector<64x3xf32> to vector<64x1xf32>
      %broadcast_in_dim3A_420 = vector.shape_cast %slice3A_419 : vector<64x1xf32> to vector<64x1xf32>
      %broadcast_in_dim3A_421 = vector.broadcast %broadcast_in_dim3A_420 : vector<64x1xf32> to vector<64x128xf32>
      %broadcast_in_dim3A_422 = vector.shape_cast %broadcast_in_dim3A_421 : vector<64x128xf32> to vector<64x1x128xf32>
      %slice3A_423 = vector.extract_strided_slice %get3A_418 {offsets = [0, 0, 0], sizes = [1, 64, 128], strides = [1, 1, 1]} : vector<3x64x128xf32> to vector<1x64x128xf32>
      %squeeze3A = vector.shape_cast %slice3A_423 : vector<1x64x128xf32> to vector<64x128xf32>
      %broadcast_in_dim3A_424 = vector.shape_cast %squeeze3A : vector<64x128xf32> to vector<1x64x128xf32>
      %sub3A_425 = vector.broadcast %broadcast_in_dim3A_422 : vector<64x1x128xf32> to vector<64x64x128xf32>
      %sub3A_426 = vector.broadcast %broadcast_in_dim3A_424 : vector<1x64x128xf32> to vector<64x64x128xf32>
      %sub3A_427 = arith.subf %sub3A_425, %sub3A_426 : vector<64x64x128xf32>
      %mul3A_428 = arith.mulf %sub3A_427, %sub3A_427 : vector<64x64x128xf32>
      %slice3A_429 = vector.extract_strided_slice %get3A_1 {offsets = [0, 1], sizes = [64, 1], strides = [1, 1]} : vector<64x3xf32> to vector<64x1xf32>
      %broadcast_in_dim3A_430 = vector.shape_cast %slice3A_429 : vector<64x1xf32> to vector<64x1xf32>
      %broadcast_in_dim3A_431 = vector.broadcast %broadcast_in_dim3A_430 : vector<64x1xf32> to vector<64x128xf32>
      %broadcast_in_dim3A_432 = vector.shape_cast %broadcast_in_dim3A_431 : vector<64x128xf32> to vector<64x1x128xf32>
      %slice3A_433 = vector.extract_strided_slice %get3A_418 {offsets = [1, 0, 0], sizes = [1, 64, 128], strides = [1, 1, 1]} : vector<3x64x128xf32> to vector<1x64x128xf32>
      %squeeze3A_434 = vector.shape_cast %slice3A_433 : vector<1x64x128xf32> to vector<64x128xf32>
      %broadcast_in_dim3A_435 = vector.shape_cast %squeeze3A_434 : vector<64x128xf32> to vector<1x64x128xf32>
      %sub3A_436 = vector.broadcast %broadcast_in_dim3A_432 : vector<64x1x128xf32> to vector<64x64x128xf32>
      %sub3A_437 = vector.broadcast %broadcast_in_dim3A_435 : vector<1x64x128xf32> to vector<64x64x128xf32>
      %sub3A_438 = arith.subf %sub3A_436, %sub3A_437 : vector<64x64x128xf32>
      %mul3A_439 = arith.mulf %sub3A_438, %sub3A_438 : vector<64x64x128xf32>
      %add3A_440 = arith.addf %mul3A_428, %mul3A_439 : vector<64x64x128xf32>
      %slice3A_441 = vector.extract_strided_slice %get3A_1 {offsets = [0, 2], sizes = [64, 1], strides = [1, 1]} : vector<64x3xf32> to vector<64x1xf32>
      %broadcast_in_dim3A_442 = vector.shape_cast %slice3A_441 : vector<64x1xf32> to vector<64x1xf32>
      %broadcast_in_dim3A_443 = vector.broadcast %broadcast_in_dim3A_442 : vector<64x1xf32> to vector<64x128xf32>
      %broadcast_in_dim3A_444 = vector.shape_cast %broadcast_in_dim3A_443 : vector<64x128xf32> to vector<64x1x128xf32>
      %slice3A_445 = vector.extract_strided_slice %get3A_418 {offsets = [2, 0, 0], sizes = [1, 64, 128], strides = [1, 1, 1]} : vector<3x64x128xf32> to vector<1x64x128xf32>
      %squeeze3A_446 = vector.shape_cast %slice3A_445 : vector<1x64x128xf32> to vector<64x128xf32>
      %broadcast_in_dim3A_447 = vector.shape_cast %squeeze3A_446 : vector<64x128xf32> to vector<1x64x128xf32>
      %sub3A_448 = vector.broadcast %broadcast_in_dim3A_444 : vector<64x1x128xf32> to vector<64x64x128xf32>
      %sub3A_449 = vector.broadcast %broadcast_in_dim3A_447 : vector<1x64x128xf32> to vector<64x64x128xf32>
      %sub3A_450 = arith.subf %sub3A_448, %sub3A_449 : vector<64x64x128xf32>
      %mul3A_451 = arith.mulf %sub3A_450, %sub3A_450 : vector<64x64x128xf32>
      %add3A_452 = arith.addf %add3A_440, %mul3A_451 : vector<64x64x128xf32>
      %le3A_453 = arith.constant 0.00999999977 : f32
      %le3A_454 = vector.broadcast %le3A_453 : f32 to vector<64x64x128xf32>
      %le3A_455 = arith.cmpf ole, %add3A_452, %le3A_454 : vector<64x64x128xf32>
      %convert_element_type3A_456 = arith.extui %le3A_455 : vector<64x64x128xi1> to vector<64x64x128xi32>
      %convert_element_type3A_457 = arith.sitofp %convert_element_type3A_456 : vector<64x64x128xi32> to vector<64x64x128xf32>
      %mul3A_458 = arith.mulf %reshape3A_414, %convert_element_type3A_457 : vector<64x64x128xf32>
      %get3A_459 = arith.constant 0 : index
      %get3A_460 = arith.constant 0 : index
      %get3A_461 = arith.constant 0 : index
      %get3A_462 = vector.load %arg15[%get3A_459, %get3A_460, %get3A_461] : memref<4x64x128xf32, #tpu.memory_space<vmem>>, vector<1x64x128xf32>
      %get3A_463 = vector.shape_cast %get3A_462 : vector<1x64x128xf32> to vector<64x128xf32>
      %get3A_464 = arith.constant 0 : index
      %get3A_465 = arith.constant 256 : index
      %get3A_466 = arith.constant 0 : index
      %get3A_467 = vector.load %arg6[%get3A_464, %get3A_465, %get3A_466] : memref<4x512x128xf32, #tpu.memory_space<vmem>>, vector<1x64x128xf32>
      %get3A_468 = vector.shape_cast %get3A_467 : vector<1x64x128xf32> to vector<64x128xf32>
      %broadcast_in_dim3A_469 = vector.shape_cast %get3A_468 : vector<64x128xf32> to vector<1x64x128xf32>
      %mul3A_470 = vector.broadcast %broadcast_in_dim3A_469 : vector<1x64x128xf32> to vector<64x64x128xf32>
      %mul3A_471 = arith.mulf %mul3A_458, %mul3A_470 : vector<64x64x128xf32>
      %reduce_sum3A_472 = arith.constant dense<0.000000e+00> : vector<64x128xf32>
      %reduce_sum3A_473 = vector.multi_reduction <add>, %mul3A_471, %reduce_sum3A_472 [1] : vector<64x64x128xf32> to vector<64x128xf32>
      %add3A_474 = arith.addf %get3A_463, %reduce_sum3A_473 : vector<64x128xf32>
      %swap3A_475 = arith.constant 0 : index
      %swap3A_476 = arith.constant 0 : index
      %swap3A_477 = arith.constant 0 : index
      %swap3A_478 = vector.load %arg15[%swap3A_475, %swap3A_476, %swap3A_477] : memref<4x64x128xf32, #tpu.memory_space<vmem>>, vector<1x64x128xf32>
      %swap3A_479 = vector.shape_cast %swap3A_478 : vector<1x64x128xf32> to vector<64x128xf32>
      %swap3A_480 = vector.shape_cast %add3A_474 : vector<64x128xf32> to vector<1x64x128xf32>
      tpu.vector_store %arg15[%swap3A_475, %swap3A_476, %swap3A_477], %swap3A_480 {strides = array<i32>} : memref<4x64x128xf32, #tpu.memory_space<vmem>>, vector<1x64x128xf32>,
      %get3A_481 = arith.constant 1 : index
      %get3A_482 = arith.constant 0 : index
      %get3A_483 = arith.constant 0 : index
      %get3A_484 = vector.load %arg15[%get3A_481, %get3A_482, %get3A_483] : memref<4x64x128xf32, #tpu.memory_space<vmem>>, vector<1x64x128xf32>
      %get3A_485 = vector.shape_cast %get3A_484 : vector<1x64x128xf32> to vector<64x128xf32>
      %get3A_486 = arith.constant 1 : index
      %get3A_487 = arith.constant 256 : index
      %get3A_488 = arith.constant 0 : index
      %get3A_489 = vector.load %arg6[%get3A_486, %get3A_487, %get3A_488] : memref<4x512x128xf32, #tpu.memory_space<vmem>>, vector<1x64x128xf32>
      %get3A_490 = vector.shape_cast %get3A_489 : vector<1x64x128xf32> to vector<64x128xf32>
      %broadcast_in_dim3A_491 = vector.shape_cast %get3A_490 : vector<64x128xf32> to vector<1x64x128xf32>
      %mul3A_492 = vector.broadcast %broadcast_in_dim3A_491 : vector<1x64x128xf32> to vector<64x64x128xf32>
      %mul3A_493 = arith.mulf %mul3A_458, %mul3A_492 : vector<64x64x128xf32>
      %reduce_sum3A_494 = arith.constant dense<0.000000e+00> : vector<64x128xf32>
      %reduce_sum3A_495 = vector.multi_reduction <add>, %mul3A_493, %reduce_sum3A_494 [1] : vector<64x64x128xf32> to vector<64x128xf32>
      %add3A_496 = arith.addf %get3A_485, %reduce_sum3A_495 : vector<64x128xf32>
      %swap3A_497 = arith.constant 1 : index
      %swap3A_498 = arith.constant 0 : index
      %swap3A_499 = arith.constant 0 : index
      %swap3A_500 = vector.load %arg15[%swap3A_497, %swap3A_498, %swap3A_499] : memref<4x64x128xf32, #tpu.memory_space<vmem>>, vector<1x64x128xf32>
      %swap3A_501 = vector.shape_cast %swap3A_500 : vector<1x64x128xf32> to vector<64x128xf32>
      %swap3A_502 = vector.shape_cast %add3A_496 : vector<64x128xf32> to vector<1x64x128xf32>
      tpu.vector_store %arg15[%swap3A_497, %swap3A_498, %swap3A_499], %swap3A_502 {strides = array<i32>} : memref<4x64x128xf32, #tpu.memory_space<vmem>>, vector<1x64x128xf32>,
      %get3A_503 = arith.constant 2 : index
      %get3A_504 = arith.constant 0 : index
      %get3A_505 = arith.constant 0 : index
      %get3A_506 = vector.load %arg15[%get3A_503, %get3A_504, %get3A_505] : memref<4x64x128xf32, #tpu.memory_space<vmem>>, vector<1x64x128xf32>
      %get3A_507 = vector.shape_cast %get3A_506 : vector<1x64x128xf32> to vector<64x128xf32>
      %get3A_508 = arith.constant 2 : index
      %get3A_509 = arith.constant 256 : index
      %get3A_510 = arith.constant 0 : index
      %get3A_511 = vector.load %arg6[%get3A_508, %get3A_509, %get3A_510] : memref<4x512x128xf32, #tpu.memory_space<vmem>>, vector<1x64x128xf32>
      %get3A_512 = vector.shape_cast %get3A_511 : vector<1x64x128xf32> to vector<64x128xf32>
      %broadcast_in_dim3A_513 = vector.shape_cast %get3A_512 : vector<64x128xf32> to vector<1x64x128xf32>
      %mul3A_514 = vector.broadcast %broadcast_in_dim3A_513 : vector<1x64x128xf32> to vector<64x64x128xf32>
      %mul3A_515 = arith.mulf %mul3A_458, %mul3A_514 : vector<64x64x128xf32>
      %reduce_sum3A_516 = arith.constant dense<0.000000e+00> : vector<64x128xf32>
      %reduce_sum3A_517 = vector.multi_reduction <add>, %mul3A_515, %reduce_sum3A_516 [1] : vector<64x64x128xf32> to vector<64x128xf32>
      %add3A_518 = arith.addf %get3A_507, %reduce_sum3A_517 : vector<64x128xf32>
      %swap3A_519 = arith.constant 2 : index
      %swap3A_520 = arith.constant 0 : index
      %swap3A_521 = arith.constant 0 : index
      %swap3A_522 = vector.load %arg15[%swap3A_519, %swap3A_520, %swap3A_521] : memref<4x64x128xf32, #tpu.memory_space<vmem>>, vector<1x64x128xf32>
      %swap3A_523 = vector.shape_cast %swap3A_522 : vector<1x64x128xf32> to vector<64x128xf32>
      %swap3A_524 = vector.shape_cast %add3A_518 : vector<64x128xf32> to vector<1x64x128xf32>
      tpu.vector_store %arg15[%swap3A_519, %swap3A_520, %swap3A_521], %swap3A_524 {strides = array<i32>} : memref<4x64x128xf32, #tpu.memory_space<vmem>>, vector<1x64x128xf32>,
      %get3A_525 = arith.constant 3 : index
      %get3A_526 = arith.constant 0 : index
      %get3A_527 = arith.constant 0 : index
      %get3A_528 = vector.load %arg15[%get3A_525, %get3A_526, %get3A_527] : memref<4x64x128xf32, #tpu.memory_space<vmem>>, vector<1x64x128xf32>
      %get3A_529 = vector.shape_cast %get3A_528 : vector<1x64x128xf32> to vector<64x128xf32>
      %get3A_530 = arith.constant 3 : index
      %get3A_531 = arith.constant 256 : index
      %get3A_532 = arith.constant 0 : index
      %get3A_533 = vector.load %arg6[%get3A_530, %get3A_531, %get3A_532] : memref<4x512x128xf32, #tpu.memory_space<vmem>>, vector<1x64x128xf32>
      %get3A_534 = vector.shape_cast %get3A_533 : vector<1x64x128xf32> to vector<64x128xf32>
      %broadcast_in_dim3A_535 = vector.shape_cast %get3A_534 : vector<64x128xf32> to vector<1x64x128xf32>
      %mul3A_536 = vector.broadcast %broadcast_in_dim3A_535 : vector<1x64x128xf32> to vector<64x64x128xf32>
      %mul3A_537 = arith.mulf %mul3A_458, %mul3A_536 : vector<64x64x128xf32>
      %reduce_sum3A_538 = arith.constant dense<0.000000e+00> : vector<64x128xf32>
      %reduce_sum3A_539 = vector.multi_reduction <add>, %mul3A_537, %reduce_sum3A_538 [1] : vector<64x64x128xf32> to vector<64x128xf32>
      %add3A_540 = arith.addf %get3A_529, %reduce_sum3A_539 : vector<64x128xf32>
      %swap3A_541 = arith.constant 3 : index
      %swap3A_542 = arith.constant 0 : index
      %swap3A_543 = arith.constant 0 : index
      %swap3A_544 = vector.load %arg15[%swap3A_541, %swap3A_542, %swap3A_543] : memref<4x64x128xf32, #tpu.memory_space<vmem>>, vector<1x64x128xf32>
      %swap3A_545 = vector.shape_cast %swap3A_544 : vector<1x64x128xf32> to vector<64x128xf32>
      %swap3A_546 = vector.shape_cast %add3A_540 : vector<64x128xf32> to vector<1x64x128xf32>
      tpu.vector_store %arg15[%swap3A_541, %swap3A_542, %swap3A_543], %swap3A_546 {strides = array<i32>} : memref<4x64x128xf32, #tpu.memory_space<vmem>>, vector<1x64x128xf32>,
    } else {
    }
    %get3A_212 = arith.constant 0 : index
    %get3A_213 = arith.constant 640 : index
    %get3A_214 = vector.load %arg3[%get3A_212, %get3A_213] : memref<8x1024xf32, #tpu.memory_space<vmem>>, vector<8x128xf32>
    %slice3A_215 = vector.extract_strided_slice %get3A_1 {offsets = [0, 0], sizes = [64, 1], strides = [1, 1]} : vector<64x3xf32> to vector<64x1xf32>
    %slice3A_216 = vector.extract_strided_slice %get3A_214 {offsets = [0, 0], sizes = [1, 128], strides = [1, 1]} : vector<8x128xf32> to vector<1x128xf32>
    %sub3A_217 = vector.broadcast %slice3A_215 : vector<64x1xf32> to vector<64x128xf32>
    %sub3A_218 = vector.broadcast %slice3A_216 : vector<1x128xf32> to vector<64x128xf32>
    %sub3A_219 = arith.subf %sub3A_217, %sub3A_218 : vector<64x128xf32>
    %mul3A_220 = arith.mulf %sub3A_219, %sub3A_219 : vector<64x128xf32>
    %slice3A_221 = vector.extract_strided_slice %get3A_1 {offsets = [0, 1], sizes = [64, 1], strides = [1, 1]} : vector<64x3xf32> to vector<64x1xf32>
    %slice3A_222 = vector.extract_strided_slice %get3A_214 {offsets = [1, 0], sizes = [1, 128], strides = [1, 1]} : vector<8x128xf32> to vector<1x128xf32>
    %sub3A_223 = vector.broadcast %slice3A_221 : vector<64x1xf32> to vector<64x128xf32>
    %sub3A_224 = vector.broadcast %slice3A_222 : vector<1x128xf32> to vector<64x128xf32>
    %sub3A_225 = arith.subf %sub3A_223, %sub3A_224 : vector<64x128xf32>
    %mul3A_226 = arith.mulf %sub3A_225, %sub3A_225 : vector<64x128xf32>
    %add3A_227 = arith.addf %mul3A_220, %mul3A_226 : vector<64x128xf32>
    %slice3A_228 = vector.extract_strided_slice %get3A_1 {offsets = [0, 2], sizes = [64, 1], strides = [1, 1]} : vector<64x3xf32> to vector<64x1xf32>
    %slice3A_229 = vector.extract_strided_slice %get3A_214 {offsets = [2, 0], sizes = [1, 128], strides = [1, 1]} : vector<8x128xf32> to vector<1x128xf32>
    %sub3A_230 = vector.broadcast %slice3A_228 : vector<64x1xf32> to vector<64x128xf32>
    %sub3A_231 = vector.broadcast %slice3A_229 : vector<1x128xf32> to vector<64x128xf32>
    %sub3A_232 = arith.subf %sub3A_230, %sub3A_231 : vector<64x128xf32>
    %mul3A_233 = arith.mulf %sub3A_232, %sub3A_232 : vector<64x128xf32>
    %add3A_234 = arith.addf %add3A_227, %mul3A_233 : vector<64x128xf32>
    %le3A_235 = arith.constant 0.00999999977 : f32
    %le3A_236 = vector.broadcast %le3A_235 : f32 to vector<64x128xf32>
    %le3A_237 = arith.cmpf ole, %add3A_234, %le3A_236 : vector<64x128xf32>
    %reduce_or3A_238 = arith.constant 1.000000e+00 : f32
    %reduce_or3A_239 = arith.constant 0.000000e+00 : f32
    %reduce_or3A_240 = vector.broadcast %reduce_or3A_238 : f32 to vector<64x128xf32>
    %reduce_or3A_241 = vector.broadcast %reduce_or3A_239 : f32 to vector<64x128xf32>
    %reduce_or3A_242 = arith.select %le3A_237, %reduce_or3A_240, %reduce_or3A_241 : vector<64x128xi1>, vector<64x128xf32>
    %reduce_or3A_243 = vector.shape_cast %reduce_or3A_242 : vector<64x128xf32> to vector<1x64x128xf32>
    %reduce_or3A_244 = arith.constant dense<0xFF800000> : vector<1xf32>
    %reduce_or3A_245 = vector.multi_reduction <maximumf>, %reduce_or3A_243, %reduce_or3A_244 [1, 2] : vector<1x64x128xf32> to vector<1xf32>
    %reduce_or3A_246 = vector.shape_cast %reduce_or3A_245 : vector<1xf32> to vector<1x1x1xf32>
    %reduce_or3A_247 = vector.extract %reduce_or3A_246[0, 0, 0] : f32 from vector<1x1x1xf32>
    %reduce_or3A_248 = arith.constant 0.000000e+00 : f32
    %reduce_or3A_249 = arith.cmpf ogt, %reduce_or3A_247, %reduce_or3A_248 : f32
    %convert_element_type3A_250 = arith.extui %reduce_or3A_249 : i1 to i32
    %cond3A_251 = arith.constant 0 : i32
    %cond3A_252 = arith.cmpi ne, %convert_element_type3A_250, %cond3A_251 : i32
    scf.if %cond3A_252 {
      %get3A_340 = arith.constant 0 : index
      %get3A_341 = arith.constant 0 : index
      %get3A_342 = vector.load %arg16[%get3A_340, %get3A_341] : memref<64x1xf32, #tpu.memory_space<vmem>>, vector<64x1xf32>
      %convert_element_type3A_343 = arith.extui %le3A_237 : vector<64x128xi1> to vector<64x128xi32>
      %convert_element_type3A_344 = arith.sitofp %convert_element_type3A_343 : vector<64x128xi32> to vector<64x128xf32>
      %reduce_sum3A = arith.constant dense<0.000000e+00> : vector<64xf32>
      %reduce_sum3A_345 = vector.multi_reduction <add>, %convert_element_type3A_344, %reduce_sum3A [1] : vector<64x128xf32> to vector<64xf32>
      %broadcast_in_dim3A = vector.shape_cast %reduce_sum3A_345 : vector<64xf32> to vector<64x1xf32>
      %add3A_346 = arith.addf %get3A_342, %broadcast_in_dim3A : vector<64x1xf32>
      %swap3A = arith.constant 0 : index
      %swap3A_347 = arith.constant 0 : index
      %swap3A_348 = vector.load %arg16[%swap3A, %swap3A_347] : memref<64x1xf32, #tpu.memory_space<vmem>>, vector<64x1xf32>
      tpu.vector_store %arg16[%swap3A, %swap3A_347], %add3A_346 {strides = array<i32>} : memref<64x1xf32, #tpu.memory_space<vmem>>, vector<64x1xf32>,
      %get3A_349 = arith.constant 320 : index
      %get3A_350 = arith.constant 0 : index
      %get3A_351 = vector.load %arg4[%get3A_349, %get3A_350] : memref<512x6xf32, #tpu.memory_space<vmem>>, vector<64x6xf32>
      %get3A_352 = arith.constant 0 : index
      %get3A_353 = arith.constant 0 : index
      %get3A_354 = vector.load %arg9[%get3A_352, %get3A_353] : memref<6x128xf32, #tpu.memory_space<vmem>>, vector<6x128xf32>
      %dot_general3A_355 = arith.constant dense<0.000000e+00> : vector<64x128xf32>
      %dot_general3A_356 = tpu.matmul %get3A_351, %get3A_354, %dot_general3A_355 {dimension_numbers = #tpu.dot_dimension_numbers<[1], [0], [0], [1], [0, 0, 1, 1], [], []>, transpose_lhs_hint = false} : vector<64x6xf32>, vector<6x128xf32>, vector<64x128xf32> -> vector<64x128xf32>
      %broadcast_in_dim3A_357 = vector.shape_cast %add3A_11 : vector<64x128xf32> to vector<64x1x128xf32>
      %broadcast_in_dim3A_358 = vector.shape_cast %dot_general3A_356 : vector<64x128xf32> to vector<1x64x128xf32>
      %add3A_359 = vector.broadcast %broadcast_in_dim3A_357 : vector<64x1x128xf32> to vector<64x64x128xf32>
      %add3A_360 = vector.broadcast %broadcast_in_dim3A_358 : vector<1x64x128xf32> to vector<64x64x128xf32>
      %add3A_361 = arith.addf %add3A_359, %add3A_360 : vector<64x64x128xf32>
      %integer_pow3A = arith.mulf %add3A_361, %add3A_361 : vector<64x64x128xf32>
      %integer_pow3A_362 = arith.mulf %add3A_361, %integer_pow3A : vector<64x64x128xf32>
      %mul3A_363 = arith.constant 4.471500e-02 : f32
      %mul3A_364 = vector.broadcast %mul3A_363 : f32 to vector<64x64x128xf32>
      %mul3A_365 = arith.mulf %mul3A_364, %integer_pow3A_362 : vector<64x64x128xf32>
      %add3A_366 = arith.addf %add3A_361, %mul3A_365 : vector<64x64x128xf32>
      %mul3A_367 = arith.constant 0.797884583 : f32
      %mul3A_368 = vector.broadcast %mul3A_367 : f32 to vector<64x64x128xf32>
      %mul3A_369 = arith.mulf %mul3A_368, %add3A_366 : vector<64x64x128xf32>
      %tanh3A = math.tanh %mul3A_369 : vector<64x64x128xf32>
      %add3A_370 = arith.constant 1.000000e+00 : f32
      %add3A_371 = vector.broadcast %add3A_370 : f32 to vector<64x64x128xf32>
      %add3A_372 = arith.addf %add3A_371, %tanh3A : vector<64x64x128xf32>
      %mul3A_373 = arith.constant 5.000000e-01 : f32
      %mul3A_374 = vector.broadcast %mul3A_373 : f32 to vector<64x64x128xf32>
      %mul3A_375 = arith.mulf %mul3A_374, %add3A_372 : vector<64x64x128xf32>
      %mul3A_376 = arith.mulf %add3A_361, %mul3A_375 : vector<64x64x128xf32>
      %reshape3A = vector.shape_cast %mul3A_376 : vector<64x64x128xf32> to vector<4096x128xf32>
      %get3A_377 = arith.constant 0 : index
      %get3A_378 = arith.constant 0 : index
      %get3A_379 = vector.load %arg10[%get3A_377, %get3A_378] : memref<128x128xf32, #tpu.memory_space<vmem>>, vector<128x128xf32>
      %dot_general3A_380 = arith.constant dense<0.000000e+00> : vector<4096x128xf32>
      %dot_general3A_381 = tpu.matmul %reshape3A, %get3A_379, %dot_general3A_380 {dimension_numbers = #tpu.dot_dimension_numbers<[1], [0], [0], [1], [0, 0, 1, 1], [], []>, transpose_lhs_hint = false} : vector<4096x128xf32>, vector<128x128xf32>, vector<4096x128xf32> -> vector<4096x128xf32>
      %get3A_382 = arith.constant 0 : index
      %get3A_383 = arith.constant 0 : index
      %get3A_384 = vector.load %arg11[%get3A_382, %get3A_383] : memref<1x128xf32, #tpu.memory_space<vmem>>, vector<1x128xf32>
      %add3A_385 = vector.broadcast %get3A_384 : vector<1x128xf32> to vector<4096x128xf32>
      %add3A_386 = arith.addf %dot_general3A_381, %add3A_385 : vector<4096x128xf32>
      %integer_pow3A_387 = arith.mulf %add3A_386, %add3A_386 : vector<4096x128xf32>
      %integer_pow3A_388 = arith.mulf %add3A_386, %integer_pow3A_387 : vector<4096x128xf32>
      %mul3A_389 = arith.constant 4.471500e-02 : f32
      %mul3A_390 = vector.broadcast %mul3A_389 : f32 to vector<4096x128xf32>
      %mul3A_391 = arith.mulf %mul3A_390, %integer_pow3A_388 : vector<4096x128xf32>
      %add3A_392 = arith.addf %add3A_386, %mul3A_391 : vector<4096x128xf32>
      %mul3A_393 = arith.constant 0.797884583 : f32
      %mul3A_394 = vector.broadcast %mul3A_393 : f32 to vector<4096x128xf32>
      %mul3A_395 = arith.mulf %mul3A_394, %add3A_392 : vector<4096x128xf32>
      %tanh3A_396 = math.tanh %mul3A_395 : vector<4096x128xf32>
      %add3A_397 = arith.constant 1.000000e+00 : f32
      %add3A_398 = vector.broadcast %add3A_397 : f32 to vector<4096x128xf32>
      %add3A_399 = arith.addf %add3A_398, %tanh3A_396 : vector<4096x128xf32>
      %mul3A_400 = arith.constant 5.000000e-01 : f32
      %mul3A_401 = vector.broadcast %mul3A_400 : f32 to vector<4096x128xf32>
      %mul3A_402 = arith.mulf %mul3A_401, %add3A_399 : vector<4096x128xf32>
      %mul3A_403 = arith.mulf %add3A_386, %mul3A_402 : vector<4096x128xf32>
      %get3A_404 = arith.constant 0 : index
      %get3A_405 = arith.constant 0 : index
      %get3A_406 = vector.load %arg12[%get3A_404, %get3A_405] : memref<128x128xf32, #tpu.memory_space<vmem>>, vector<128x128xf32>
      %dot_general3A_407 = arith.constant dense<0.000000e+00> : vector<4096x128xf32>
      %dot_general3A_408 = tpu.matmul %mul3A_403, %get3A_406, %dot_general3A_407 {dimension_numbers = #tpu.dot_dimension_numbers<[1], [0], [0], [1], [0, 0, 1, 1], [], []>, transpose_lhs_hint = false} : vector<4096x128xf32>, vector<128x128xf32>, vector<4096x128xf32> -> vector<4096x128xf32>
      %get3A_409 = arith.constant 0 : index
      %get3A_410 = arith.constant 0 : index
      %get3A_411 = vector.load %arg13[%get3A_409, %get3A_410] : memref<1x128xf32, #tpu.memory_space<vmem>>, vector<1x128xf32>
      %add3A_412 = vector.broadcast %get3A_411 : vector<1x128xf32> to vector<4096x128xf32>
      %add3A_413 = arith.addf %dot_general3A_408, %add3A_412 : vector<4096x128xf32>
      %reshape3A_414 = vector.shape_cast %add3A_413 : vector<4096x128xf32> to vector<64x64x128xf32>
      %get3A_415 = arith.constant 0 : index
      %get3A_416 = arith.constant 320 : index
      %get3A_417 = arith.constant 0 : index
      %get3A_418 = vector.load %arg5[%get3A_415, %get3A_416, %get3A_417] : memref<3x512x128xf32, #tpu.memory_space<vmem>>, vector<3x64x128xf32>
      %slice3A_419 = vector.extract_strided_slice %get3A_1 {offsets = [0, 0], sizes = [64, 1], strides = [1, 1]} : vector<64x3xf32> to vector<64x1xf32>
      %broadcast_in_dim3A_420 = vector.shape_cast %slice3A_419 : vector<64x1xf32> to vector<64x1xf32>
      %broadcast_in_dim3A_421 = vector.broadcast %broadcast_in_dim3A_420 : vector<64x1xf32> to vector<64x128xf32>
      %broadcast_in_dim3A_422 = vector.shape_cast %broadcast_in_dim3A_421 : vector<64x128xf32> to vector<64x1x128xf32>
      %slice3A_423 = vector.extract_strided_slice %get3A_418 {offsets = [0, 0, 0], sizes = [1, 64, 128], strides = [1, 1, 1]} : vector<3x64x128xf32> to vector<1x64x128xf32>
      %squeeze3A = vector.shape_cast %slice3A_423 : vector<1x64x128xf32> to vector<64x128xf32>
      %broadcast_in_dim3A_424 = vector.shape_cast %squeeze3A : vector<64x128xf32> to vector<1x64x128xf32>
      %sub3A_425 = vector.broadcast %broadcast_in_dim3A_422 : vector<64x1x128xf32> to vector<64x64x128xf32>
      %sub3A_426 = vector.broadcast %broadcast_in_dim3A_424 : vector<1x64x128xf32> to vector<64x64x128xf32>
      %sub3A_427 = arith.subf %sub3A_425, %sub3A_426 : vector<64x64x128xf32>
      %mul3A_428 = arith.mulf %sub3A_427, %sub3A_427 : vector<64x64x128xf32>
      %slice3A_429 = vector.extract_strided_slice %get3A_1 {offsets = [0, 1], sizes = [64, 1], strides = [1, 1]} : vector<64x3xf32> to vector<64x1xf32>
      %broadcast_in_dim3A_430 = vector.shape_cast %slice3A_429 : vector<64x1xf32> to vector<64x1xf32>
      %broadcast_in_dim3A_431 = vector.broadcast %broadcast_in_dim3A_430 : vector<64x1xf32> to vector<64x128xf32>
      %broadcast_in_dim3A_432 = vector.shape_cast %broadcast_in_dim3A_431 : vector<64x128xf32> to vector<64x1x128xf32>
      %slice3A_433 = vector.extract_strided_slice %get3A_418 {offsets = [1, 0, 0], sizes = [1, 64, 128], strides = [1, 1, 1]} : vector<3x64x128xf32> to vector<1x64x128xf32>
      %squeeze3A_434 = vector.shape_cast %slice3A_433 : vector<1x64x128xf32> to vector<64x128xf32>
      %broadcast_in_dim3A_435 = vector.shape_cast %squeeze3A_434 : vector<64x128xf32> to vector<1x64x128xf32>
      %sub3A_436 = vector.broadcast %broadcast_in_dim3A_432 : vector<64x1x128xf32> to vector<64x64x128xf32>
      %sub3A_437 = vector.broadcast %broadcast_in_dim3A_435 : vector<1x64x128xf32> to vector<64x64x128xf32>
      %sub3A_438 = arith.subf %sub3A_436, %sub3A_437 : vector<64x64x128xf32>
      %mul3A_439 = arith.mulf %sub3A_438, %sub3A_438 : vector<64x64x128xf32>
      %add3A_440 = arith.addf %mul3A_428, %mul3A_439 : vector<64x64x128xf32>
      %slice3A_441 = vector.extract_strided_slice %get3A_1 {offsets = [0, 2], sizes = [64, 1], strides = [1, 1]} : vector<64x3xf32> to vector<64x1xf32>
      %broadcast_in_dim3A_442 = vector.shape_cast %slice3A_441 : vector<64x1xf32> to vector<64x1xf32>
      %broadcast_in_dim3A_443 = vector.broadcast %broadcast_in_dim3A_442 : vector<64x1xf32> to vector<64x128xf32>
      %broadcast_in_dim3A_444 = vector.shape_cast %broadcast_in_dim3A_443 : vector<64x128xf32> to vector<64x1x128xf32>
      %slice3A_445 = vector.extract_strided_slice %get3A_418 {offsets = [2, 0, 0], sizes = [1, 64, 128], strides = [1, 1, 1]} : vector<3x64x128xf32> to vector<1x64x128xf32>
      %squeeze3A_446 = vector.shape_cast %slice3A_445 : vector<1x64x128xf32> to vector<64x128xf32>
      %broadcast_in_dim3A_447 = vector.shape_cast %squeeze3A_446 : vector<64x128xf32> to vector<1x64x128xf32>
      %sub3A_448 = vector.broadcast %broadcast_in_dim3A_444 : vector<64x1x128xf32> to vector<64x64x128xf32>
      %sub3A_449 = vector.broadcast %broadcast_in_dim3A_447 : vector<1x64x128xf32> to vector<64x64x128xf32>
      %sub3A_450 = arith.subf %sub3A_448, %sub3A_449 : vector<64x64x128xf32>
      %mul3A_451 = arith.mulf %sub3A_450, %sub3A_450 : vector<64x64x128xf32>
      %add3A_452 = arith.addf %add3A_440, %mul3A_451 : vector<64x64x128xf32>
      %le3A_453 = arith.constant 0.00999999977 : f32
      %le3A_454 = vector.broadcast %le3A_453 : f32 to vector<64x64x128xf32>
      %le3A_455 = arith.cmpf ole, %add3A_452, %le3A_454 : vector<64x64x128xf32>
      %convert_element_type3A_456 = arith.extui %le3A_455 : vector<64x64x128xi1> to vector<64x64x128xi32>
      %convert_element_type3A_457 = arith.sitofp %convert_element_type3A_456 : vector<64x64x128xi32> to vector<64x64x128xf32>
      %mul3A_458 = arith.mulf %reshape3A_414, %convert_element_type3A_457 : vector<64x64x128xf32>
      %get3A_459 = arith.constant 0 : index
      %get3A_460 = arith.constant 0 : index
      %get3A_461 = arith.constant 0 : index
      %get3A_462 = vector.load %arg15[%get3A_459, %get3A_460, %get3A_461] : memref<4x64x128xf32, #tpu.memory_space<vmem>>, vector<1x64x128xf32>
      %get3A_463 = vector.shape_cast %get3A_462 : vector<1x64x128xf32> to vector<64x128xf32>
      %get3A_464 = arith.constant 0 : index
      %get3A_465 = arith.constant 320 : index
      %get3A_466 = arith.constant 0 : index
      %get3A_467 = vector.load %arg6[%get3A_464, %get3A_465, %get3A_466] : memref<4x512x128xf32, #tpu.memory_space<vmem>>, vector<1x64x128xf32>
      %get3A_468 = vector.shape_cast %get3A_467 : vector<1x64x128xf32> to vector<64x128xf32>
      %broadcast_in_dim3A_469 = vector.shape_cast %get3A_468 : vector<64x128xf32> to vector<1x64x128xf32>
      %mul3A_470 = vector.broadcast %broadcast_in_dim3A_469 : vector<1x64x128xf32> to vector<64x64x128xf32>
      %mul3A_471 = arith.mulf %mul3A_458, %mul3A_470 : vector<64x64x128xf32>
      %reduce_sum3A_472 = arith.constant dense<0.000000e+00> : vector<64x128xf32>
      %reduce_sum3A_473 = vector.multi_reduction <add>, %mul3A_471, %reduce_sum3A_472 [1] : vector<64x64x128xf32> to vector<64x128xf32>
      %add3A_474 = arith.addf %get3A_463, %reduce_sum3A_473 : vector<64x128xf32>
      %swap3A_475 = arith.constant 0 : index
      %swap3A_476 = arith.constant 0 : index
      %swap3A_477 = arith.constant 0 : index
      %swap3A_478 = vector.load %arg15[%swap3A_475, %swap3A_476, %swap3A_477] : memref<4x64x128xf32, #tpu.memory_space<vmem>>, vector<1x64x128xf32>
      %swap3A_479 = vector.shape_cast %swap3A_478 : vector<1x64x128xf32> to vector<64x128xf32>
      %swap3A_480 = vector.shape_cast %add3A_474 : vector<64x128xf32> to vector<1x64x128xf32>
      tpu.vector_store %arg15[%swap3A_475, %swap3A_476, %swap3A_477], %swap3A_480 {strides = array<i32>} : memref<4x64x128xf32, #tpu.memory_space<vmem>>, vector<1x64x128xf32>,
      %get3A_481 = arith.constant 1 : index
      %get3A_482 = arith.constant 0 : index
      %get3A_483 = arith.constant 0 : index
      %get3A_484 = vector.load %arg15[%get3A_481, %get3A_482, %get3A_483] : memref<4x64x128xf32, #tpu.memory_space<vmem>>, vector<1x64x128xf32>
      %get3A_485 = vector.shape_cast %get3A_484 : vector<1x64x128xf32> to vector<64x128xf32>
      %get3A_486 = arith.constant 1 : index
      %get3A_487 = arith.constant 320 : index
      %get3A_488 = arith.constant 0 : index
      %get3A_489 = vector.load %arg6[%get3A_486, %get3A_487, %get3A_488] : memref<4x512x128xf32, #tpu.memory_space<vmem>>, vector<1x64x128xf32>
      %get3A_490 = vector.shape_cast %get3A_489 : vector<1x64x128xf32> to vector<64x128xf32>
      %broadcast_in_dim3A_491 = vector.shape_cast %get3A_490 : vector<64x128xf32> to vector<1x64x128xf32>
      %mul3A_492 = vector.broadcast %broadcast_in_dim3A_491 : vector<1x64x128xf32> to vector<64x64x128xf32>
      %mul3A_493 = arith.mulf %mul3A_458, %mul3A_492 : vector<64x64x128xf32>
      %reduce_sum3A_494 = arith.constant dense<0.000000e+00> : vector<64x128xf32>
      %reduce_sum3A_495 = vector.multi_reduction <add>, %mul3A_493, %reduce_sum3A_494 [1] : vector<64x64x128xf32> to vector<64x128xf32>
      %add3A_496 = arith.addf %get3A_485, %reduce_sum3A_495 : vector<64x128xf32>
      %swap3A_497 = arith.constant 1 : index
      %swap3A_498 = arith.constant 0 : index
      %swap3A_499 = arith.constant 0 : index
      %swap3A_500 = vector.load %arg15[%swap3A_497, %swap3A_498, %swap3A_499] : memref<4x64x128xf32, #tpu.memory_space<vmem>>, vector<1x64x128xf32>
      %swap3A_501 = vector.shape_cast %swap3A_500 : vector<1x64x128xf32> to vector<64x128xf32>
      %swap3A_502 = vector.shape_cast %add3A_496 : vector<64x128xf32> to vector<1x64x128xf32>
      tpu.vector_store %arg15[%swap3A_497, %swap3A_498, %swap3A_499], %swap3A_502 {strides = array<i32>} : memref<4x64x128xf32, #tpu.memory_space<vmem>>, vector<1x64x128xf32>,
      %get3A_503 = arith.constant 2 : index
      %get3A_504 = arith.constant 0 : index
      %get3A_505 = arith.constant 0 : index
      %get3A_506 = vector.load %arg15[%get3A_503, %get3A_504, %get3A_505] : memref<4x64x128xf32, #tpu.memory_space<vmem>>, vector<1x64x128xf32>
      %get3A_507 = vector.shape_cast %get3A_506 : vector<1x64x128xf32> to vector<64x128xf32>
      %get3A_508 = arith.constant 2 : index
      %get3A_509 = arith.constant 320 : index
      %get3A_510 = arith.constant 0 : index
      %get3A_511 = vector.load %arg6[%get3A_508, %get3A_509, %get3A_510] : memref<4x512x128xf32, #tpu.memory_space<vmem>>, vector<1x64x128xf32>
      %get3A_512 = vector.shape_cast %get3A_511 : vector<1x64x128xf32> to vector<64x128xf32>
      %broadcast_in_dim3A_513 = vector.shape_cast %get3A_512 : vector<64x128xf32> to vector<1x64x128xf32>
      %mul3A_514 = vector.broadcast %broadcast_in_dim3A_513 : vector<1x64x128xf32> to vector<64x64x128xf32>
      %mul3A_515 = arith.mulf %mul3A_458, %mul3A_514 : vector<64x64x128xf32>
      %reduce_sum3A_516 = arith.constant dense<0.000000e+00> : vector<64x128xf32>
      %reduce_sum3A_517 = vector.multi_reduction <add>, %mul3A_515, %reduce_sum3A_516 [1] : vector<64x64x128xf32> to vector<64x128xf32>
      %add3A_518 = arith.addf %get3A_507, %reduce_sum3A_517 : vector<64x128xf32>
      %swap3A_519 = arith.constant 2 : index
      %swap3A_520 = arith.constant 0 : index
      %swap3A_521 = arith.constant 0 : index
      %swap3A_522 = vector.load %arg15[%swap3A_519, %swap3A_520, %swap3A_521] : memref<4x64x128xf32, #tpu.memory_space<vmem>>, vector<1x64x128xf32>
      %swap3A_523 = vector.shape_cast %swap3A_522 : vector<1x64x128xf32> to vector<64x128xf32>
      %swap3A_524 = vector.shape_cast %add3A_518 : vector<64x128xf32> to vector<1x64x128xf32>
      tpu.vector_store %arg15[%swap3A_519, %swap3A_520, %swap3A_521], %swap3A_524 {strides = array<i32>} : memref<4x64x128xf32, #tpu.memory_space<vmem>>, vector<1x64x128xf32>,
      %get3A_525 = arith.constant 3 : index
      %get3A_526 = arith.constant 0 : index
      %get3A_527 = arith.constant 0 : index
      %get3A_528 = vector.load %arg15[%get3A_525, %get3A_526, %get3A_527] : memref<4x64x128xf32, #tpu.memory_space<vmem>>, vector<1x64x128xf32>
      %get3A_529 = vector.shape_cast %get3A_528 : vector<1x64x128xf32> to vector<64x128xf32>
      %get3A_530 = arith.constant 3 : index
      %get3A_531 = arith.constant 320 : index
      %get3A_532 = arith.constant 0 : index
      %get3A_533 = vector.load %arg6[%get3A_530, %get3A_531, %get3A_532] : memref<4x512x128xf32, #tpu.memory_space<vmem>>, vector<1x64x128xf32>
      %get3A_534 = vector.shape_cast %get3A_533 : vector<1x64x128xf32> to vector<64x128xf32>
      %broadcast_in_dim3A_535 = vector.shape_cast %get3A_534 : vector<64x128xf32> to vector<1x64x128xf32>
      %mul3A_536 = vector.broadcast %broadcast_in_dim3A_535 : vector<1x64x128xf32> to vector<64x64x128xf32>
      %mul3A_537 = arith.mulf %mul3A_458, %mul3A_536 : vector<64x64x128xf32>
      %reduce_sum3A_538 = arith.constant dense<0.000000e+00> : vector<64x128xf32>
      %reduce_sum3A_539 = vector.multi_reduction <add>, %mul3A_537, %reduce_sum3A_538 [1] : vector<64x64x128xf32> to vector<64x128xf32>
      %add3A_540 = arith.addf %get3A_529, %reduce_sum3A_539 : vector<64x128xf32>
      %swap3A_541 = arith.constant 3 : index
      %swap3A_542 = arith.constant 0 : index
      %swap3A_543 = arith.constant 0 : index
      %swap3A_544 = vector.load %arg15[%swap3A_541, %swap3A_542, %swap3A_543] : memref<4x64x128xf32, #tpu.memory_space<vmem>>, vector<1x64x128xf32>
      %swap3A_545 = vector.shape_cast %swap3A_544 : vector<1x64x128xf32> to vector<64x128xf32>
      %swap3A_546 = vector.shape_cast %add3A_540 : vector<64x128xf32> to vector<1x64x128xf32>
      tpu.vector_store %arg15[%swap3A_541, %swap3A_542, %swap3A_543], %swap3A_546 {strides = array<i32>} : memref<4x64x128xf32, #tpu.memory_space<vmem>>, vector<1x64x128xf32>,
    } else {
    }
    %get3A_253 = arith.constant 0 : index
    %get3A_254 = arith.constant 768 : index
    %get3A_255 = vector.load %arg3[%get3A_253, %get3A_254] : memref<8x1024xf32, #tpu.memory_space<vmem>>, vector<8x128xf32>
    %slice3A_256 = vector.extract_strided_slice %get3A_1 {offsets = [0, 0], sizes = [64, 1], strides = [1, 1]} : vector<64x3xf32> to vector<64x1xf32>
    %slice3A_257 = vector.extract_strided_slice %get3A_255 {offsets = [0, 0], sizes = [1, 128], strides = [1, 1]} : vector<8x128xf32> to vector<1x128xf32>
    %sub3A_258 = vector.broadcast %slice3A_256 : vector<64x1xf32> to vector<64x128xf32>
    %sub3A_259 = vector.broadcast %slice3A_257 : vector<1x128xf32> to vector<64x128xf32>
    %sub3A_260 = arith.subf %sub3A_258, %sub3A_259 : vector<64x128xf32>
    %mul3A_261 = arith.mulf %sub3A_260, %sub3A_260 : vector<64x128xf32>
    %slice3A_262 = vector.extract_strided_slice %get3A_1 {offsets = [0, 1], sizes = [64, 1], strides = [1, 1]} : vector<64x3xf32> to vector<64x1xf32>
    %slice3A_263 = vector.extract_strided_slice %get3A_255 {offsets = [1, 0], sizes = [1, 128], strides = [1, 1]} : vector<8x128xf32> to vector<1x128xf32>
    %sub3A_264 = vector.broadcast %slice3A_262 : vector<64x1xf32> to vector<64x128xf32>
    %sub3A_265 = vector.broadcast %slice3A_263 : vector<1x128xf32> to vector<64x128xf32>
    %sub3A_266 = arith.subf %sub3A_264, %sub3A_265 : vector<64x128xf32>
    %mul3A_267 = arith.mulf %sub3A_266, %sub3A_266 : vector<64x128xf32>
    %add3A_268 = arith.addf %mul3A_261, %mul3A_267 : vector<64x128xf32>
    %slice3A_269 = vector.extract_strided_slice %get3A_1 {offsets = [0, 2], sizes = [64, 1], strides = [1, 1]} : vector<64x3xf32> to vector<64x1xf32>
    %slice3A_270 = vector.extract_strided_slice %get3A_255 {offsets = [2, 0], sizes = [1, 128], strides = [1, 1]} : vector<8x128xf32> to vector<1x128xf32>
    %sub3A_271 = vector.broadcast %slice3A_269 : vector<64x1xf32> to vector<64x128xf32>
    %sub3A_272 = vector.broadcast %slice3A_270 : vector<1x128xf32> to vector<64x128xf32>
    %sub3A_273 = arith.subf %sub3A_271, %sub3A_272 : vector<64x128xf32>
    %mul3A_274 = arith.mulf %sub3A_273, %sub3A_273 : vector<64x128xf32>
    %add3A_275 = arith.addf %add3A_268, %mul3A_274 : vector<64x128xf32>
    %le3A_276 = arith.constant 0.00999999977 : f32
    %le3A_277 = vector.broadcast %le3A_276 : f32 to vector<64x128xf32>
    %le3A_278 = arith.cmpf ole, %add3A_275, %le3A_277 : vector<64x128xf32>
    %reduce_or3A_279 = arith.constant 1.000000e+00 : f32
    %reduce_or3A_280 = arith.constant 0.000000e+00 : f32
    %reduce_or3A_281 = vector.broadcast %reduce_or3A_279 : f32 to vector<64x128xf32>
    %reduce_or3A_282 = vector.broadcast %reduce_or3A_280 : f32 to vector<64x128xf32>
    %reduce_or3A_283 = arith.select %le3A_278, %reduce_or3A_281, %reduce_or3A_282 : vector<64x128xi1>, vector<64x128xf32>
    %reduce_or3A_284 = vector.shape_cast %reduce_or3A_283 : vector<64x128xf32> to vector<1x64x128xf32>
    %reduce_or3A_285 = arith.constant dense<0xFF800000> : vector<1xf32>
    %reduce_or3A_286 = vector.multi_reduction <maximumf>, %reduce_or3A_284, %reduce_or3A_285 [1, 2] : vector<1x64x128xf32> to vector<1xf32>
    %reduce_or3A_287 = vector.shape_cast %reduce_or3A_286 : vector<1xf32> to vector<1x1x1xf32>
    %reduce_or3A_288 = vector.extract %reduce_or3A_287[0, 0, 0] : f32 from vector<1x1x1xf32>
    %reduce_or3A_289 = arith.constant 0.000000e+00 : f32
    %reduce_or3A_290 = arith.cmpf ogt, %reduce_or3A_288, %reduce_or3A_289 : f32
    %convert_element_type3A_291 = arith.extui %reduce_or3A_290 : i1 to i32
    %cond3A_292 = arith.constant 0 : i32
    %cond3A_293 = arith.cmpi ne, %convert_element_type3A_291, %cond3A_292 : i32
    scf.if %cond3A_293 {
      %get3A_340 = arith.constant 0 : index
      %get3A_341 = arith.constant 0 : index
      %get3A_342 = vector.load %arg16[%get3A_340, %get3A_341] : memref<64x1xf32, #tpu.memory_space<vmem>>, vector<64x1xf32>
      %convert_element_type3A_343 = arith.extui %le3A_278 : vector<64x128xi1> to vector<64x128xi32>
      %convert_element_type3A_344 = arith.sitofp %convert_element_type3A_343 : vector<64x128xi32> to vector<64x128xf32>
      %reduce_sum3A = arith.constant dense<0.000000e+00> : vector<64xf32>
      %reduce_sum3A_345 = vector.multi_reduction <add>, %convert_element_type3A_344, %reduce_sum3A [1] : vector<64x128xf32> to vector<64xf32>
      %broadcast_in_dim3A = vector.shape_cast %reduce_sum3A_345 : vector<64xf32> to vector<64x1xf32>
      %add3A_346 = arith.addf %get3A_342, %broadcast_in_dim3A : vector<64x1xf32>
      %swap3A = arith.constant 0 : index
      %swap3A_347 = arith.constant 0 : index
      %swap3A_348 = vector.load %arg16[%swap3A, %swap3A_347] : memref<64x1xf32, #tpu.memory_space<vmem>>, vector<64x1xf32>
      tpu.vector_store %arg16[%swap3A, %swap3A_347], %add3A_346 {strides = array<i32>} : memref<64x1xf32, #tpu.memory_space<vmem>>, vector<64x1xf32>,
      %get3A_349 = arith.constant 384 : index
      %get3A_350 = arith.constant 0 : index
      %get3A_351 = vector.load %arg4[%get3A_349, %get3A_350] : memref<512x6xf32, #tpu.memory_space<vmem>>, vector<64x6xf32>
      %get3A_352 = arith.constant 0 : index
      %get3A_353 = arith.constant 0 : index
      %get3A_354 = vector.load %arg9[%get3A_352, %get3A_353] : memref<6x128xf32, #tpu.memory_space<vmem>>, vector<6x128xf32>
      %dot_general3A_355 = arith.constant dense<0.000000e+00> : vector<64x128xf32>
      %dot_general3A_356 = tpu.matmul %get3A_351, %get3A_354, %dot_general3A_355 {dimension_numbers = #tpu.dot_dimension_numbers<[1], [0], [0], [1], [0, 0, 1, 1], [], []>, transpose_lhs_hint = false} : vector<64x6xf32>, vector<6x128xf32>, vector<64x128xf32> -> vector<64x128xf32>
      %broadcast_in_dim3A_357 = vector.shape_cast %add3A_11 : vector<64x128xf32> to vector<64x1x128xf32>
      %broadcast_in_dim3A_358 = vector.shape_cast %dot_general3A_356 : vector<64x128xf32> to vector<1x64x128xf32>
      %add3A_359 = vector.broadcast %broadcast_in_dim3A_357 : vector<64x1x128xf32> to vector<64x64x128xf32>
      %add3A_360 = vector.broadcast %broadcast_in_dim3A_358 : vector<1x64x128xf32> to vector<64x64x128xf32>
      %add3A_361 = arith.addf %add3A_359, %add3A_360 : vector<64x64x128xf32>
      %integer_pow3A = arith.mulf %add3A_361, %add3A_361 : vector<64x64x128xf32>
      %integer_pow3A_362 = arith.mulf %add3A_361, %integer_pow3A : vector<64x64x128xf32>
      %mul3A_363 = arith.constant 4.471500e-02 : f32
      %mul3A_364 = vector.broadcast %mul3A_363 : f32 to vector<64x64x128xf32>
      %mul3A_365 = arith.mulf %mul3A_364, %integer_pow3A_362 : vector<64x64x128xf32>
      %add3A_366 = arith.addf %add3A_361, %mul3A_365 : vector<64x64x128xf32>
      %mul3A_367 = arith.constant 0.797884583 : f32
      %mul3A_368 = vector.broadcast %mul3A_367 : f32 to vector<64x64x128xf32>
      %mul3A_369 = arith.mulf %mul3A_368, %add3A_366 : vector<64x64x128xf32>
      %tanh3A = math.tanh %mul3A_369 : vector<64x64x128xf32>
      %add3A_370 = arith.constant 1.000000e+00 : f32
      %add3A_371 = vector.broadcast %add3A_370 : f32 to vector<64x64x128xf32>
      %add3A_372 = arith.addf %add3A_371, %tanh3A : vector<64x64x128xf32>
      %mul3A_373 = arith.constant 5.000000e-01 : f32
      %mul3A_374 = vector.broadcast %mul3A_373 : f32 to vector<64x64x128xf32>
      %mul3A_375 = arith.mulf %mul3A_374, %add3A_372 : vector<64x64x128xf32>
      %mul3A_376 = arith.mulf %add3A_361, %mul3A_375 : vector<64x64x128xf32>
      %reshape3A = vector.shape_cast %mul3A_376 : vector<64x64x128xf32> to vector<4096x128xf32>
      %get3A_377 = arith.constant 0 : index
      %get3A_378 = arith.constant 0 : index
      %get3A_379 = vector.load %arg10[%get3A_377, %get3A_378] : memref<128x128xf32, #tpu.memory_space<vmem>>, vector<128x128xf32>
      %dot_general3A_380 = arith.constant dense<0.000000e+00> : vector<4096x128xf32>
      %dot_general3A_381 = tpu.matmul %reshape3A, %get3A_379, %dot_general3A_380 {dimension_numbers = #tpu.dot_dimension_numbers<[1], [0], [0], [1], [0, 0, 1, 1], [], []>, transpose_lhs_hint = false} : vector<4096x128xf32>, vector<128x128xf32>, vector<4096x128xf32> -> vector<4096x128xf32>
      %get3A_382 = arith.constant 0 : index
      %get3A_383 = arith.constant 0 : index
      %get3A_384 = vector.load %arg11[%get3A_382, %get3A_383] : memref<1x128xf32, #tpu.memory_space<vmem>>, vector<1x128xf32>
      %add3A_385 = vector.broadcast %get3A_384 : vector<1x128xf32> to vector<4096x128xf32>
      %add3A_386 = arith.addf %dot_general3A_381, %add3A_385 : vector<4096x128xf32>
      %integer_pow3A_387 = arith.mulf %add3A_386, %add3A_386 : vector<4096x128xf32>
      %integer_pow3A_388 = arith.mulf %add3A_386, %integer_pow3A_387 : vector<4096x128xf32>
      %mul3A_389 = arith.constant 4.471500e-02 : f32
      %mul3A_390 = vector.broadcast %mul3A_389 : f32 to vector<4096x128xf32>
      %mul3A_391 = arith.mulf %mul3A_390, %integer_pow3A_388 : vector<4096x128xf32>
      %add3A_392 = arith.addf %add3A_386, %mul3A_391 : vector<4096x128xf32>
      %mul3A_393 = arith.constant 0.797884583 : f32
      %mul3A_394 = vector.broadcast %mul3A_393 : f32 to vector<4096x128xf32>
      %mul3A_395 = arith.mulf %mul3A_394, %add3A_392 : vector<4096x128xf32>
      %tanh3A_396 = math.tanh %mul3A_395 : vector<4096x128xf32>
      %add3A_397 = arith.constant 1.000000e+00 : f32
      %add3A_398 = vector.broadcast %add3A_397 : f32 to vector<4096x128xf32>
      %add3A_399 = arith.addf %add3A_398, %tanh3A_396 : vector<4096x128xf32>
      %mul3A_400 = arith.constant 5.000000e-01 : f32
      %mul3A_401 = vector.broadcast %mul3A_400 : f32 to vector<4096x128xf32>
      %mul3A_402 = arith.mulf %mul3A_401, %add3A_399 : vector<4096x128xf32>
      %mul3A_403 = arith.mulf %add3A_386, %mul3A_402 : vector<4096x128xf32>
      %get3A_404 = arith.constant 0 : index
      %get3A_405 = arith.constant 0 : index
      %get3A_406 = vector.load %arg12[%get3A_404, %get3A_405] : memref<128x128xf32, #tpu.memory_space<vmem>>, vector<128x128xf32>
      %dot_general3A_407 = arith.constant dense<0.000000e+00> : vector<4096x128xf32>
      %dot_general3A_408 = tpu.matmul %mul3A_403, %get3A_406, %dot_general3A_407 {dimension_numbers = #tpu.dot_dimension_numbers<[1], [0], [0], [1], [0, 0, 1, 1], [], []>, transpose_lhs_hint = false} : vector<4096x128xf32>, vector<128x128xf32>, vector<4096x128xf32> -> vector<4096x128xf32>
      %get3A_409 = arith.constant 0 : index
      %get3A_410 = arith.constant 0 : index
      %get3A_411 = vector.load %arg13[%get3A_409, %get3A_410] : memref<1x128xf32, #tpu.memory_space<vmem>>, vector<1x128xf32>
      %add3A_412 = vector.broadcast %get3A_411 : vector<1x128xf32> to vector<4096x128xf32>
      %add3A_413 = arith.addf %dot_general3A_408, %add3A_412 : vector<4096x128xf32>
      %reshape3A_414 = vector.shape_cast %add3A_413 : vector<4096x128xf32> to vector<64x64x128xf32>
      %get3A_415 = arith.constant 0 : index
      %get3A_416 = arith.constant 384 : index
      %get3A_417 = arith.constant 0 : index
      %get3A_418 = vector.load %arg5[%get3A_415, %get3A_416, %get3A_417] : memref<3x512x128xf32, #tpu.memory_space<vmem>>, vector<3x64x128xf32>
      %slice3A_419 = vector.extract_strided_slice %get3A_1 {offsets = [0, 0], sizes = [64, 1], strides = [1, 1]} : vector<64x3xf32> to vector<64x1xf32>
      %broadcast_in_dim3A_420 = vector.shape_cast %slice3A_419 : vector<64x1xf32> to vector<64x1xf32>
      %broadcast_in_dim3A_421 = vector.broadcast %broadcast_in_dim3A_420 : vector<64x1xf32> to vector<64x128xf32>
      %broadcast_in_dim3A_422 = vector.shape_cast %broadcast_in_dim3A_421 : vector<64x128xf32> to vector<64x1x128xf32>
      %slice3A_423 = vector.extract_strided_slice %get3A_418 {offsets = [0, 0, 0], sizes = [1, 64, 128], strides = [1, 1, 1]} : vector<3x64x128xf32> to vector<1x64x128xf32>
      %squeeze3A = vector.shape_cast %slice3A_423 : vector<1x64x128xf32> to vector<64x128xf32>
      %broadcast_in_dim3A_424 = vector.shape_cast %squeeze3A : vector<64x128xf32> to vector<1x64x128xf32>
      %sub3A_425 = vector.broadcast %broadcast_in_dim3A_422 : vector<64x1x128xf32> to vector<64x64x128xf32>
      %sub3A_426 = vector.broadcast %broadcast_in_dim3A_424 : vector<1x64x128xf32> to vector<64x64x128xf32>
      %sub3A_427 = arith.subf %sub3A_425, %sub3A_426 : vector<64x64x128xf32>
      %mul3A_428 = arith.mulf %sub3A_427, %sub3A_427 : vector<64x64x128xf32>
      %slice3A_429 = vector.extract_strided_slice %get3A_1 {offsets = [0, 1], sizes = [64, 1], strides = [1, 1]} : vector<64x3xf32> to vector<64x1xf32>
      %broadcast_in_dim3A_430 = vector.shape_cast %slice3A_429 : vector<64x1xf32> to vector<64x1xf32>
      %broadcast_in_dim3A_431 = vector.broadcast %broadcast_in_dim3A_430 : vector<64x1xf32> to vector<64x128xf32>
      %broadcast_in_dim3A_432 = vector.shape_cast %broadcast_in_dim3A_431 : vector<64x128xf32> to vector<64x1x128xf32>
      %slice3A_433 = vector.extract_strided_slice %get3A_418 {offsets = [1, 0, 0], sizes = [1, 64, 128], strides = [1, 1, 1]} : vector<3x64x128xf32> to vector<1x64x128xf32>
      %squeeze3A_434 = vector.shape_cast %slice3A_433 : vector<1x64x128xf32> to vector<64x128xf32>
      %broadcast_in_dim3A_435 = vector.shape_cast %squeeze3A_434 : vector<64x128xf32> to vector<1x64x128xf32>
      %sub3A_436 = vector.broadcast %broadcast_in_dim3A_432 : vector<64x1x128xf32> to vector<64x64x128xf32>
      %sub3A_437 = vector.broadcast %broadcast_in_dim3A_435 : vector<1x64x128xf32> to vector<64x64x128xf32>
      %sub3A_438 = arith.subf %sub3A_436, %sub3A_437 : vector<64x64x128xf32>
      %mul3A_439 = arith.mulf %sub3A_438, %sub3A_438 : vector<64x64x128xf32>
      %add3A_440 = arith.addf %mul3A_428, %mul3A_439 : vector<64x64x128xf32>
      %slice3A_441 = vector.extract_strided_slice %get3A_1 {offsets = [0, 2], sizes = [64, 1], strides = [1, 1]} : vector<64x3xf32> to vector<64x1xf32>
      %broadcast_in_dim3A_442 = vector.shape_cast %slice3A_441 : vector<64x1xf32> to vector<64x1xf32>
      %broadcast_in_dim3A_443 = vector.broadcast %broadcast_in_dim3A_442 : vector<64x1xf32> to vector<64x128xf32>
      %broadcast_in_dim3A_444 = vector.shape_cast %broadcast_in_dim3A_443 : vector<64x128xf32> to vector<64x1x128xf32>
      %slice3A_445 = vector.extract_strided_slice %get3A_418 {offsets = [2, 0, 0], sizes = [1, 64, 128], strides = [1, 1, 1]} : vector<3x64x128xf32> to vector<1x64x128xf32>
      %squeeze3A_446 = vector.shape_cast %slice3A_445 : vector<1x64x128xf32> to vector<64x128xf32>
      %broadcast_in_dim3A_447 = vector.shape_cast %squeeze3A_446 : vector<64x128xf32> to vector<1x64x128xf32>
      %sub3A_448 = vector.broadcast %broadcast_in_dim3A_444 : vector<64x1x128xf32> to vector<64x64x128xf32>
      %sub3A_449 = vector.broadcast %broadcast_in_dim3A_447 : vector<1x64x128xf32> to vector<64x64x128xf32>
      %sub3A_450 = arith.subf %sub3A_448, %sub3A_449 : vector<64x64x128xf32>
      %mul3A_451 = arith.mulf %sub3A_450, %sub3A_450 : vector<64x64x128xf32>
      %add3A_452 = arith.addf %add3A_440, %mul3A_451 : vector<64x64x128xf32>
      %le3A_453 = arith.constant 0.00999999977 : f32
      %le3A_454 = vector.broadcast %le3A_453 : f32 to vector<64x64x128xf32>
      %le3A_455 = arith.cmpf ole, %add3A_452, %le3A_454 : vector<64x64x128xf32>
      %convert_element_type3A_456 = arith.extui %le3A_455 : vector<64x64x128xi1> to vector<64x64x128xi32>
      %convert_element_type3A_457 = arith.sitofp %convert_element_type3A_456 : vector<64x64x128xi32> to vector<64x64x128xf32>
      %mul3A_458 = arith.mulf %reshape3A_414, %convert_element_type3A_457 : vector<64x64x128xf32>
      %get3A_459 = arith.constant 0 : index
      %get3A_460 = arith.constant 0 : index
      %get3A_461 = arith.constant 0 : index
      %get3A_462 = vector.load %arg15[%get3A_459, %get3A_460, %get3A_461] : memref<4x64x128xf32, #tpu.memory_space<vmem>>, vector<1x64x128xf32>
      %get3A_463 = vector.shape_cast %get3A_462 : vector<1x64x128xf32> to vector<64x128xf32>
      %get3A_464 = arith.constant 0 : index
      %get3A_465 = arith.constant 384 : index
      %get3A_466 = arith.constant 0 : index
      %get3A_467 = vector.load %arg6[%get3A_464, %get3A_465, %get3A_466] : memref<4x512x128xf32, #tpu.memory_space<vmem>>, vector<1x64x128xf32>
      %get3A_468 = vector.shape_cast %get3A_467 : vector<1x64x128xf32> to vector<64x128xf32>
      %broadcast_in_dim3A_469 = vector.shape_cast %get3A_468 : vector<64x128xf32> to vector<1x64x128xf32>
      %mul3A_470 = vector.broadcast %broadcast_in_dim3A_469 : vector<1x64x128xf32> to vector<64x64x128xf32>
      %mul3A_471 = arith.mulf %mul3A_458, %mul3A_470 : vector<64x64x128xf32>
      %reduce_sum3A_472 = arith.constant dense<0.000000e+00> : vector<64x128xf32>
      %reduce_sum3A_473 = vector.multi_reduction <add>, %mul3A_471, %reduce_sum3A_472 [1] : vector<64x64x128xf32> to vector<64x128xf32>
      %add3A_474 = arith.addf %get3A_463, %reduce_sum3A_473 : vector<64x128xf32>
      %swap3A_475 = arith.constant 0 : index
      %swap3A_476 = arith.constant 0 : index
      %swap3A_477 = arith.constant 0 : index
      %swap3A_478 = vector.load %arg15[%swap3A_475, %swap3A_476, %swap3A_477] : memref<4x64x128xf32, #tpu.memory_space<vmem>>, vector<1x64x128xf32>
      %swap3A_479 = vector.shape_cast %swap3A_478 : vector<1x64x128xf32> to vector<64x128xf32>
      %swap3A_480 = vector.shape_cast %add3A_474 : vector<64x128xf32> to vector<1x64x128xf32>
      tpu.vector_store %arg15[%swap3A_475, %swap3A_476, %swap3A_477], %swap3A_480 {strides = array<i32>} : memref<4x64x128xf32, #tpu.memory_space<vmem>>, vector<1x64x128xf32>,
      %get3A_481 = arith.constant 1 : index
      %get3A_482 = arith.constant 0 : index
      %get3A_483 = arith.constant 0 : index
      %get3A_484 = vector.load %arg15[%get3A_481, %get3A_482, %get3A_483] : memref<4x64x128xf32, #tpu.memory_space<vmem>>, vector<1x64x128xf32>
      %get3A_485 = vector.shape_cast %get3A_484 : vector<1x64x128xf32> to vector<64x128xf32>
      %get3A_486 = arith.constant 1 : index
      %get3A_487 = arith.constant 384 : index
      %get3A_488 = arith.constant 0 : index
      %get3A_489 = vector.load %arg6[%get3A_486, %get3A_487, %get3A_488] : memref<4x512x128xf32, #tpu.memory_space<vmem>>, vector<1x64x128xf32>
      %get3A_490 = vector.shape_cast %get3A_489 : vector<1x64x128xf32> to vector<64x128xf32>
      %broadcast_in_dim3A_491 = vector.shape_cast %get3A_490 : vector<64x128xf32> to vector<1x64x128xf32>
      %mul3A_492 = vector.broadcast %broadcast_in_dim3A_491 : vector<1x64x128xf32> to vector<64x64x128xf32>
      %mul3A_493 = arith.mulf %mul3A_458, %mul3A_492 : vector<64x64x128xf32>
      %reduce_sum3A_494 = arith.constant dense<0.000000e+00> : vector<64x128xf32>
      %reduce_sum3A_495 = vector.multi_reduction <add>, %mul3A_493, %reduce_sum3A_494 [1] : vector<64x64x128xf32> to vector<64x128xf32>
      %add3A_496 = arith.addf %get3A_485, %reduce_sum3A_495 : vector<64x128xf32>
      %swap3A_497 = arith.constant 1 : index
      %swap3A_498 = arith.constant 0 : index
      %swap3A_499 = arith.constant 0 : index
      %swap3A_500 = vector.load %arg15[%swap3A_497, %swap3A_498, %swap3A_499] : memref<4x64x128xf32, #tpu.memory_space<vmem>>, vector<1x64x128xf32>
      %swap3A_501 = vector.shape_cast %swap3A_500 : vector<1x64x128xf32> to vector<64x128xf32>
      %swap3A_502 = vector.shape_cast %add3A_496 : vector<64x128xf32> to vector<1x64x128xf32>
      tpu.vector_store %arg15[%swap3A_497, %swap3A_498, %swap3A_499], %swap3A_502 {strides = array<i32>} : memref<4x64x128xf32, #tpu.memory_space<vmem>>, vector<1x64x128xf32>,
      %get3A_503 = arith.constant 2 : index
      %get3A_504 = arith.constant 0 : index
      %get3A_505 = arith.constant 0 : index
      %get3A_506 = vector.load %arg15[%get3A_503, %get3A_504, %get3A_505] : memref<4x64x128xf32, #tpu.memory_space<vmem>>, vector<1x64x128xf32>
      %get3A_507 = vector.shape_cast %get3A_506 : vector<1x64x128xf32> to vector<64x128xf32>
      %get3A_508 = arith.constant 2 : index
      %get3A_509 = arith.constant 384 : index
      %get3A_510 = arith.constant 0 : index
      %get3A_511 = vector.load %arg6[%get3A_508, %get3A_509, %get3A_510] : memref<4x512x128xf32, #tpu.memory_space<vmem>>, vector<1x64x128xf32>
      %get3A_512 = vector.shape_cast %get3A_511 : vector<1x64x128xf32> to vector<64x128xf32>
      %broadcast_in_dim3A_513 = vector.shape_cast %get3A_512 : vector<64x128xf32> to vector<1x64x128xf32>
      %mul3A_514 = vector.broadcast %broadcast_in_dim3A_513 : vector<1x64x128xf32> to vector<64x64x128xf32>
      %mul3A_515 = arith.mulf %mul3A_458, %mul3A_514 : vector<64x64x128xf32>
      %reduce_sum3A_516 = arith.constant dense<0.000000e+00> : vector<64x128xf32>
      %reduce_sum3A_517 = vector.multi_reduction <add>, %mul3A_515, %reduce_sum3A_516 [1] : vector<64x64x128xf32> to vector<64x128xf32>
      %add3A_518 = arith.addf %get3A_507, %reduce_sum3A_517 : vector<64x128xf32>
      %swap3A_519 = arith.constant 2 : index
      %swap3A_520 = arith.constant 0 : index
      %swap3A_521 = arith.constant 0 : index
      %swap3A_522 = vector.load %arg15[%swap3A_519, %swap3A_520, %swap3A_521] : memref<4x64x128xf32, #tpu.memory_space<vmem>>, vector<1x64x128xf32>
      %swap3A_523 = vector.shape_cast %swap3A_522 : vector<1x64x128xf32> to vector<64x128xf32>
      %swap3A_524 = vector.shape_cast %add3A_518 : vector<64x128xf32> to vector<1x64x128xf32>
      tpu.vector_store %arg15[%swap3A_519, %swap3A_520, %swap3A_521], %swap3A_524 {strides = array<i32>} : memref<4x64x128xf32, #tpu.memory_space<vmem>>, vector<1x64x128xf32>,
      %get3A_525 = arith.constant 3 : index
      %get3A_526 = arith.constant 0 : index
      %get3A_527 = arith.constant 0 : index
      %get3A_528 = vector.load %arg15[%get3A_525, %get3A_526, %get3A_527] : memref<4x64x128xf32, #tpu.memory_space<vmem>>, vector<1x64x128xf32>
      %get3A_529 = vector.shape_cast %get3A_528 : vector<1x64x128xf32> to vector<64x128xf32>
      %get3A_530 = arith.constant 3 : index
      %get3A_531 = arith.constant 384 : index
      %get3A_532 = arith.constant 0 : index
      %get3A_533 = vector.load %arg6[%get3A_530, %get3A_531, %get3A_532] : memref<4x512x128xf32, #tpu.memory_space<vmem>>, vector<1x64x128xf32>
      %get3A_534 = vector.shape_cast %get3A_533 : vector<1x64x128xf32> to vector<64x128xf32>
      %broadcast_in_dim3A_535 = vector.shape_cast %get3A_534 : vector<64x128xf32> to vector<1x64x128xf32>
      %mul3A_536 = vector.broadcast %broadcast_in_dim3A_535 : vector<1x64x128xf32> to vector<64x64x128xf32>
      %mul3A_537 = arith.mulf %mul3A_458, %mul3A_536 : vector<64x64x128xf32>
      %reduce_sum3A_538 = arith.constant dense<0.000000e+00> : vector<64x128xf32>
      %reduce_sum3A_539 = vector.multi_reduction <add>, %mul3A_537, %reduce_sum3A_538 [1] : vector<64x64x128xf32> to vector<64x128xf32>
      %add3A_540 = arith.addf %get3A_529, %reduce_sum3A_539 : vector<64x128xf32>
      %swap3A_541 = arith.constant 3 : index
      %swap3A_542 = arith.constant 0 : index
      %swap3A_543 = arith.constant 0 : index
      %swap3A_544 = vector.load %arg15[%swap3A_541, %swap3A_542, %swap3A_543] : memref<4x64x128xf32, #tpu.memory_space<vmem>>, vector<1x64x128xf32>
      %swap3A_545 = vector.shape_cast %swap3A_544 : vector<1x64x128xf32> to vector<64x128xf32>
      %swap3A_546 = vector.shape_cast %add3A_540 : vector<64x128xf32> to vector<1x64x128xf32>
      tpu.vector_store %arg15[%swap3A_541, %swap3A_542, %swap3A_543], %swap3A_546 {strides = array<i32>} : memref<4x64x128xf32, #tpu.memory_space<vmem>>, vector<1x64x128xf32>,
    } else {
    }
    %get3A_294 = arith.constant 0 : index
    %get3A_295 = arith.constant 896 : index
    %get3A_296 = vector.load %arg3[%get3A_294, %get3A_295] : memref<8x1024xf32, #tpu.memory_space<vmem>>, vector<8x128xf32>
    %slice3A_297 = vector.extract_strided_slice %get3A_1 {offsets = [0, 0], sizes = [64, 1], strides = [1, 1]} : vector<64x3xf32> to vector<64x1xf32>
    %slice3A_298 = vector.extract_strided_slice %get3A_296 {offsets = [0, 0], sizes = [1, 128], strides = [1, 1]} : vector<8x128xf32> to vector<1x128xf32>
    %sub3A_299 = vector.broadcast %slice3A_297 : vector<64x1xf32> to vector<64x128xf32>
    %sub3A_300 = vector.broadcast %slice3A_298 : vector<1x128xf32> to vector<64x128xf32>
    %sub3A_301 = arith.subf %sub3A_299, %sub3A_300 : vector<64x128xf32>
    %mul3A_302 = arith.mulf %sub3A_301, %sub3A_301 : vector<64x128xf32>
    %slice3A_303 = vector.extract_strided_slice %get3A_1 {offsets = [0, 1], sizes = [64, 1], strides = [1, 1]} : vector<64x3xf32> to vector<64x1xf32>
    %slice3A_304 = vector.extract_strided_slice %get3A_296 {offsets = [1, 0], sizes = [1, 128], strides = [1, 1]} : vector<8x128xf32> to vector<1x128xf32>
    %sub3A_305 = vector.broadcast %slice3A_303 : vector<64x1xf32> to vector<64x128xf32>
    %sub3A_306 = vector.broadcast %slice3A_304 : vector<1x128xf32> to vector<64x128xf32>
    %sub3A_307 = arith.subf %sub3A_305, %sub3A_306 : vector<64x128xf32>
    %mul3A_308 = arith.mulf %sub3A_307, %sub3A_307 : vector<64x128xf32>
    %add3A_309 = arith.addf %mul3A_302, %mul3A_308 : vector<64x128xf32>
    %slice3A_310 = vector.extract_strided_slice %get3A_1 {offsets = [0, 2], sizes = [64, 1], strides = [1, 1]} : vector<64x3xf32> to vector<64x1xf32>
    %slice3A_311 = vector.extract_strided_slice %get3A_296 {offsets = [2, 0], sizes = [1, 128], strides = [1, 1]} : vector<8x128xf32> to vector<1x128xf32>
    %sub3A_312 = vector.broadcast %slice3A_310 : vector<64x1xf32> to vector<64x128xf32>
    %sub3A_313 = vector.broadcast %slice3A_311 : vector<1x128xf32> to vector<64x128xf32>
    %sub3A_314 = arith.subf %sub3A_312, %sub3A_313 : vector<64x128xf32>
    %mul3A_315 = arith.mulf %sub3A_314, %sub3A_314 : vector<64x128xf32>
    %add3A_316 = arith.addf %add3A_309, %mul3A_315 : vector<64x128xf32>
    %le3A_317 = arith.constant 0.00999999977 : f32
    %le3A_318 = vector.broadcast %le3A_317 : f32 to vector<64x128xf32>
    %le3A_319 = arith.cmpf ole, %add3A_316, %le3A_318 : vector<64x128xf32>
    %reduce_or3A_320 = arith.constant 1.000000e+00 : f32
    %reduce_or3A_321 = arith.constant 0.000000e+00 : f32
    %reduce_or3A_322 = vector.broadcast %reduce_or3A_320 : f32 to vector<64x128xf32>
    %reduce_or3A_323 = vector.broadcast %reduce_or3A_321 : f32 to vector<64x128xf32>
    %reduce_or3A_324 = arith.select %le3A_319, %reduce_or3A_322, %reduce_or3A_323 : vector<64x128xi1>, vector<64x128xf32>
    %reduce_or3A_325 = vector.shape_cast %reduce_or3A_324 : vector<64x128xf32> to vector<1x64x128xf32>
    %reduce_or3A_326 = arith.constant dense<0xFF800000> : vector<1xf32>
    %reduce_or3A_327 = vector.multi_reduction <maximumf>, %reduce_or3A_325, %reduce_or3A_326 [1, 2] : vector<1x64x128xf32> to vector<1xf32>
    %reduce_or3A_328 = vector.shape_cast %reduce_or3A_327 : vector<1xf32> to vector<1x1x1xf32>
    %reduce_or3A_329 = vector.extract %reduce_or3A_328[0, 0, 0] : f32 from vector<1x1x1xf32>
    %reduce_or3A_330 = arith.constant 0.000000e+00 : f32
    %reduce_or3A_331 = arith.cmpf ogt, %reduce_or3A_329, %reduce_or3A_330 : f32
    %convert_element_type3A_332 = arith.extui %reduce_or3A_331 : i1 to i32
    %cond3A_333 = arith.constant 0 : i32
    %cond3A_334 = arith.cmpi ne, %convert_element_type3A_332, %cond3A_333 : i32
    scf.if %cond3A_334 {
      %get3A_340 = arith.constant 0 : index
      %get3A_341 = arith.constant 0 : index
      %get3A_342 = vector.load %arg16[%get3A_340, %get3A_341] : memref<64x1xf32, #tpu.memory_space<vmem>>, vector<64x1xf32>
      %convert_element_type3A_343 = arith.extui %le3A_319 : vector<64x128xi1> to vector<64x128xi32>
      %convert_element_type3A_344 = arith.sitofp %convert_element_type3A_343 : vector<64x128xi32> to vector<64x128xf32>
      %reduce_sum3A = arith.constant dense<0.000000e+00> : vector<64xf32>
      %reduce_sum3A_345 = vector.multi_reduction <add>, %convert_element_type3A_344, %reduce_sum3A [1] : vector<64x128xf32> to vector<64xf32>
      %broadcast_in_dim3A = vector.shape_cast %reduce_sum3A_345 : vector<64xf32> to vector<64x1xf32>
      %add3A_346 = arith.addf %get3A_342, %broadcast_in_dim3A : vector<64x1xf32>
      %swap3A = arith.constant 0 : index
      %swap3A_347 = arith.constant 0 : index
      %swap3A_348 = vector.load %arg16[%swap3A, %swap3A_347] : memref<64x1xf32, #tpu.memory_space<vmem>>, vector<64x1xf32>
      tpu.vector_store %arg16[%swap3A, %swap3A_347], %add3A_346 {strides = array<i32>} : memref<64x1xf32, #tpu.memory_space<vmem>>, vector<64x1xf32>,
      %get3A_349 = arith.constant 448 : index
      %get3A_350 = arith.constant 0 : index
      %get3A_351 = vector.load %arg4[%get3A_349, %get3A_350] : memref<512x6xf32, #tpu.memory_space<vmem>>, vector<64x6xf32>
      %get3A_352 = arith.constant 0 : index
      %get3A_353 = arith.constant 0 : index
      %get3A_354 = vector.load %arg9[%get3A_352, %get3A_353] : memref<6x128xf32, #tpu.memory_space<vmem>>, vector<6x128xf32>
      %dot_general3A_355 = arith.constant dense<0.000000e+00> : vector<64x128xf32>
      %dot_general3A_356 = tpu.matmul %get3A_351, %get3A_354, %dot_general3A_355 {dimension_numbers = #tpu.dot_dimension_numbers<[1], [0], [0], [1], [0, 0, 1, 1], [], []>, transpose_lhs_hint = false} : vector<64x6xf32>, vector<6x128xf32>, vector<64x128xf32> -> vector<64x128xf32>
      %broadcast_in_dim3A_357 = vector.shape_cast %add3A_11 : vector<64x128xf32> to vector<64x1x128xf32>
      %broadcast_in_dim3A_358 = vector.shape_cast %dot_general3A_356 : vector<64x128xf32> to vector<1x64x128xf32>
      %add3A_359 = vector.broadcast %broadcast_in_dim3A_357 : vector<64x1x128xf32> to vector<64x64x128xf32>
      %add3A_360 = vector.broadcast %broadcast_in_dim3A_358 : vector<1x64x128xf32> to vector<64x64x128xf32>
      %add3A_361 = arith.addf %add3A_359, %add3A_360 : vector<64x64x128xf32>
      %integer_pow3A = arith.mulf %add3A_361, %add3A_361 : vector<64x64x128xf32>
      %integer_pow3A_362 = arith.mulf %add3A_361, %integer_pow3A : vector<64x64x128xf32>
      %mul3A_363 = arith.constant 4.471500e-02 : f32
      %mul3A_364 = vector.broadcast %mul3A_363 : f32 to vector<64x64x128xf32>
      %mul3A_365 = arith.mulf %mul3A_364, %integer_pow3A_362 : vector<64x64x128xf32>
      %add3A_366 = arith.addf %add3A_361, %mul3A_365 : vector<64x64x128xf32>
      %mul3A_367 = arith.constant 0.797884583 : f32
      %mul3A_368 = vector.broadcast %mul3A_367 : f32 to vector<64x64x128xf32>
      %mul3A_369 = arith.mulf %mul3A_368, %add3A_366 : vector<64x64x128xf32>
      %tanh3A = math.tanh %mul3A_369 : vector<64x64x128xf32>
      %add3A_370 = arith.constant 1.000000e+00 : f32
      %add3A_371 = vector.broadcast %add3A_370 : f32 to vector<64x64x128xf32>
      %add3A_372 = arith.addf %add3A_371, %tanh3A : vector<64x64x128xf32>
      %mul3A_373 = arith.constant 5.000000e-01 : f32
      %mul3A_374 = vector.broadcast %mul3A_373 : f32 to vector<64x64x128xf32>
      %mul3A_375 = arith.mulf %mul3A_374, %add3A_372 : vector<64x64x128xf32>
      %mul3A_376 = arith.mulf %add3A_361, %mul3A_375 : vector<64x64x128xf32>
      %reshape3A = vector.shape_cast %mul3A_376 : vector<64x64x128xf32> to vector<4096x128xf32>
      %get3A_377 = arith.constant 0 : index
      %get3A_378 = arith.constant 0 : index
      %get3A_379 = vector.load %arg10[%get3A_377, %get3A_378] : memref<128x128xf32, #tpu.memory_space<vmem>>, vector<128x128xf32>
      %dot_general3A_380 = arith.constant dense<0.000000e+00> : vector<4096x128xf32>
      %dot_general3A_381 = tpu.matmul %reshape3A, %get3A_379, %dot_general3A_380 {dimension_numbers = #tpu.dot_dimension_numbers<[1], [0], [0], [1], [0, 0, 1, 1], [], []>, transpose_lhs_hint = false} : vector<4096x128xf32>, vector<128x128xf32>, vector<4096x128xf32> -> vector<4096x128xf32>
      %get3A_382 = arith.constant 0 : index
      %get3A_383 = arith.constant 0 : index
      %get3A_384 = vector.load %arg11[%get3A_382, %get3A_383] : memref<1x128xf32, #tpu.memory_space<vmem>>, vector<1x128xf32>
      %add3A_385 = vector.broadcast %get3A_384 : vector<1x128xf32> to vector<4096x128xf32>
      %add3A_386 = arith.addf %dot_general3A_381, %add3A_385 : vector<4096x128xf32>
      %integer_pow3A_387 = arith.mulf %add3A_386, %add3A_386 : vector<4096x128xf32>
      %integer_pow3A_388 = arith.mulf %add3A_386, %integer_pow3A_387 : vector<4096x128xf32>
      %mul3A_389 = arith.constant 4.471500e-02 : f32
      %mul3A_390 = vector.broadcast %mul3A_389 : f32 to vector<4096x128xf32>
      %mul3A_391 = arith.mulf %mul3A_390, %integer_pow3A_388 : vector<4096x128xf32>
      %add3A_392 = arith.addf %add3A_386, %mul3A_391 : vector<4096x128xf32>
      %mul3A_393 = arith.constant 0.797884583 : f32
      %mul3A_394 = vector.broadcast %mul3A_393 : f32 to vector<4096x128xf32>
      %mul3A_395 = arith.mulf %mul3A_394, %add3A_392 : vector<4096x128xf32>
      %tanh3A_396 = math.tanh %mul3A_395 : vector<4096x128xf32>
      %add3A_397 = arith.constant 1.000000e+00 : f32
      %add3A_398 = vector.broadcast %add3A_397 : f32 to vector<4096x128xf32>
      %add3A_399 = arith.addf %add3A_398, %tanh3A_396 : vector<4096x128xf32>
      %mul3A_400 = arith.constant 5.000000e-01 : f32
      %mul3A_401 = vector.broadcast %mul3A_400 : f32 to vector<4096x128xf32>
      %mul3A_402 = arith.mulf %mul3A_401, %add3A_399 : vector<4096x128xf32>
      %mul3A_403 = arith.mulf %add3A_386, %mul3A_402 : vector<4096x128xf32>
      %get3A_404 = arith.constant 0 : index
      %get3A_405 = arith.constant 0 : index
      %get3A_406 = vector.load %arg12[%get3A_404, %get3A_405] : memref<128x128xf32, #tpu.memory_space<vmem>>, vector<128x128xf32>
      %dot_general3A_407 = arith.constant dense<0.000000e+00> : vector<4096x128xf32>
      %dot_general3A_408 = tpu.matmul %mul3A_403, %get3A_406, %dot_general3A_407 {dimension_numbers = #tpu.dot_dimension_numbers<[1], [0], [0], [1], [0, 0, 1, 1], [], []>, transpose_lhs_hint = false} : vector<4096x128xf32>, vector<128x128xf32>, vector<4096x128xf32> -> vector<4096x128xf32>
      %get3A_409 = arith.constant 0 : index
      %get3A_410 = arith.constant 0 : index
      %get3A_411 = vector.load %arg13[%get3A_409, %get3A_410] : memref<1x128xf32, #tpu.memory_space<vmem>>, vector<1x128xf32>
      %add3A_412 = vector.broadcast %get3A_411 : vector<1x128xf32> to vector<4096x128xf32>
      %add3A_413 = arith.addf %dot_general3A_408, %add3A_412 : vector<4096x128xf32>
      %reshape3A_414 = vector.shape_cast %add3A_413 : vector<4096x128xf32> to vector<64x64x128xf32>
      %get3A_415 = arith.constant 0 : index
      %get3A_416 = arith.constant 448 : index
      %get3A_417 = arith.constant 0 : index
      %get3A_418 = vector.load %arg5[%get3A_415, %get3A_416, %get3A_417] : memref<3x512x128xf32, #tpu.memory_space<vmem>>, vector<3x64x128xf32>
      %slice3A_419 = vector.extract_strided_slice %get3A_1 {offsets = [0, 0], sizes = [64, 1], strides = [1, 1]} : vector<64x3xf32> to vector<64x1xf32>
      %broadcast_in_dim3A_420 = vector.shape_cast %slice3A_419 : vector<64x1xf32> to vector<64x1xf32>
      %broadcast_in_dim3A_421 = vector.broadcast %broadcast_in_dim3A_420 : vector<64x1xf32> to vector<64x128xf32>
      %broadcast_in_dim3A_422 = vector.shape_cast %broadcast_in_dim3A_421 : vector<64x128xf32> to vector<64x1x128xf32>
      %slice3A_423 = vector.extract_strided_slice %get3A_418 {offsets = [0, 0, 0], sizes = [1, 64, 128], strides = [1, 1, 1]} : vector<3x64x128xf32> to vector<1x64x128xf32>
      %squeeze3A = vector.shape_cast %slice3A_423 : vector<1x64x128xf32> to vector<64x128xf32>
      %broadcast_in_dim3A_424 = vector.shape_cast %squeeze3A : vector<64x128xf32> to vector<1x64x128xf32>
      %sub3A_425 = vector.broadcast %broadcast_in_dim3A_422 : vector<64x1x128xf32> to vector<64x64x128xf32>
      %sub3A_426 = vector.broadcast %broadcast_in_dim3A_424 : vector<1x64x128xf32> to vector<64x64x128xf32>
      %sub3A_427 = arith.subf %sub3A_425, %sub3A_426 : vector<64x64x128xf32>
      %mul3A_428 = arith.mulf %sub3A_427, %sub3A_427 : vector<64x64x128xf32>
      %slice3A_429 = vector.extract_strided_slice %get3A_1 {offsets = [0, 1], sizes = [64, 1], strides = [1, 1]} : vector<64x3xf32> to vector<64x1xf32>
      %broadcast_in_dim3A_430 = vector.shape_cast %slice3A_429 : vector<64x1xf32> to vector<64x1xf32>
      %broadcast_in_dim3A_431 = vector.broadcast %broadcast_in_dim3A_430 : vector<64x1xf32> to vector<64x128xf32>
      %broadcast_in_dim3A_432 = vector.shape_cast %broadcast_in_dim3A_431 : vector<64x128xf32> to vector<64x1x128xf32>
      %slice3A_433 = vector.extract_strided_slice %get3A_418 {offsets = [1, 0, 0], sizes = [1, 64, 128], strides = [1, 1, 1]} : vector<3x64x128xf32> to vector<1x64x128xf32>
      %squeeze3A_434 = vector.shape_cast %slice3A_433 : vector<1x64x128xf32> to vector<64x128xf32>
      %broadcast_in_dim3A_435 = vector.shape_cast %squeeze3A_434 : vector<64x128xf32> to vector<1x64x128xf32>
      %sub3A_436 = vector.broadcast %broadcast_in_dim3A_432 : vector<64x1x128xf32> to vector<64x64x128xf32>
      %sub3A_437 = vector.broadcast %broadcast_in_dim3A_435 : vector<1x64x128xf32> to vector<64x64x128xf32>
      %sub3A_438 = arith.subf %sub3A_436, %sub3A_437 : vector<64x64x128xf32>
      %mul3A_439 = arith.mulf %sub3A_438, %sub3A_438 : vector<64x64x128xf32>
      %add3A_440 = arith.addf %mul3A_428, %mul3A_439 : vector<64x64x128xf32>
      %slice3A_441 = vector.extract_strided_slice %get3A_1 {offsets = [0, 2], sizes = [64, 1], strides = [1, 1]} : vector<64x3xf32> to vector<64x1xf32>
      %broadcast_in_dim3A_442 = vector.shape_cast %slice3A_441 : vector<64x1xf32> to vector<64x1xf32>
      %broadcast_in_dim3A_443 = vector.broadcast %broadcast_in_dim3A_442 : vector<64x1xf32> to vector<64x128xf32>
      %broadcast_in_dim3A_444 = vector.shape_cast %broadcast_in_dim3A_443 : vector<64x128xf32> to vector<64x1x128xf32>
      %slice3A_445 = vector.extract_strided_slice %get3A_418 {offsets = [2, 0, 0], sizes = [1, 64, 128], strides = [1, 1, 1]} : vector<3x64x128xf32> to vector<1x64x128xf32>
      %squeeze3A_446 = vector.shape_cast %slice3A_445 : vector<1x64x128xf32> to vector<64x128xf32>
      %broadcast_in_dim3A_447 = vector.shape_cast %squeeze3A_446 : vector<64x128xf32> to vector<1x64x128xf32>
      %sub3A_448 = vector.broadcast %broadcast_in_dim3A_444 : vector<64x1x128xf32> to vector<64x64x128xf32>
      %sub3A_449 = vector.broadcast %broadcast_in_dim3A_447 : vector<1x64x128xf32> to vector<64x64x128xf32>
      %sub3A_450 = arith.subf %sub3A_448, %sub3A_449 : vector<64x64x128xf32>
      %mul3A_451 = arith.mulf %sub3A_450, %sub3A_450 : vector<64x64x128xf32>
      %add3A_452 = arith.addf %add3A_440, %mul3A_451 : vector<64x64x128xf32>
      %le3A_453 = arith.constant 0.00999999977 : f32
      %le3A_454 = vector.broadcast %le3A_453 : f32 to vector<64x64x128xf32>
      %le3A_455 = arith.cmpf ole, %add3A_452, %le3A_454 : vector<64x64x128xf32>
      %convert_element_type3A_456 = arith.extui %le3A_455 : vector<64x64x128xi1> to vector<64x64x128xi32>
      %convert_element_type3A_457 = arith.sitofp %convert_element_type3A_456 : vector<64x64x128xi32> to vector<64x64x128xf32>
      %mul3A_458 = arith.mulf %reshape3A_414, %convert_element_type3A_457 : vector<64x64x128xf32>
      %get3A_459 = arith.constant 0 : index
      %get3A_460 = arith.constant 0 : index
      %get3A_461 = arith.constant 0 : index
      %get3A_462 = vector.load %arg15[%get3A_459, %get3A_460, %get3A_461] : memref<4x64x128xf32, #tpu.memory_space<vmem>>, vector<1x64x128xf32>
      %get3A_463 = vector.shape_cast %get3A_462 : vector<1x64x128xf32> to vector<64x128xf32>
      %get3A_464 = arith.constant 0 : index
      %get3A_465 = arith.constant 448 : index
      %get3A_466 = arith.constant 0 : index
      %get3A_467 = vector.load %arg6[%get3A_464, %get3A_465, %get3A_466] : memref<4x512x128xf32, #tpu.memory_space<vmem>>, vector<1x64x128xf32>
      %get3A_468 = vector.shape_cast %get3A_467 : vector<1x64x128xf32> to vector<64x128xf32>
      %broadcast_in_dim3A_469 = vector.shape_cast %get3A_468 : vector<64x128xf32> to vector<1x64x128xf32>
      %mul3A_470 = vector.broadcast %broadcast_in_dim3A_469 : vector<1x64x128xf32> to vector<64x64x128xf32>
      %mul3A_471 = arith.mulf %mul3A_458, %mul3A_470 : vector<64x64x128xf32>
      %reduce_sum3A_472 = arith.constant dense<0.000000e+00> : vector<64x128xf32>
      %reduce_sum3A_473 = vector.multi_reduction <add>, %mul3A_471, %reduce_sum3A_472 [1] : vector<64x64x128xf32> to vector<64x128xf32>
      %add3A_474 = arith.addf %get3A_463, %reduce_sum3A_473 : vector<64x128xf32>
      %swap3A_475 = arith.constant 0 : index
      %swap3A_476 = arith.constant 0 : index
      %swap3A_477 = arith.constant 0 : index
      %swap3A_478 = vector.load %arg15[%swap3A_475, %swap3A_476, %swap3A_477] : memref<4x64x128xf32, #tpu.memory_space<vmem>>, vector<1x64x128xf32>
      %swap3A_479 = vector.shape_cast %swap3A_478 : vector<1x64x128xf32> to vector<64x128xf32>
      %swap3A_480 = vector.shape_cast %add3A_474 : vector<64x128xf32> to vector<1x64x128xf32>
      tpu.vector_store %arg15[%swap3A_475, %swap3A_476, %swap3A_477], %swap3A_480 {strides = array<i32>} : memref<4x64x128xf32, #tpu.memory_space<vmem>>, vector<1x64x128xf32>,
      %get3A_481 = arith.constant 1 : index
      %get3A_482 = arith.constant 0 : index
      %get3A_483 = arith.constant 0 : index
      %get3A_484 = vector.load %arg15[%get3A_481, %get3A_482, %get3A_483] : memref<4x64x128xf32, #tpu.memory_space<vmem>>, vector<1x64x128xf32>
      %get3A_485 = vector.shape_cast %get3A_484 : vector<1x64x128xf32> to vector<64x128xf32>
      %get3A_486 = arith.constant 1 : index
      %get3A_487 = arith.constant 448 : index
      %get3A_488 = arith.constant 0 : index
      %get3A_489 = vector.load %arg6[%get3A_486, %get3A_487, %get3A_488] : memref<4x512x128xf32, #tpu.memory_space<vmem>>, vector<1x64x128xf32>
      %get3A_490 = vector.shape_cast %get3A_489 : vector<1x64x128xf32> to vector<64x128xf32>
      %broadcast_in_dim3A_491 = vector.shape_cast %get3A_490 : vector<64x128xf32> to vector<1x64x128xf32>
      %mul3A_492 = vector.broadcast %broadcast_in_dim3A_491 : vector<1x64x128xf32> to vector<64x64x128xf32>
      %mul3A_493 = arith.mulf %mul3A_458, %mul3A_492 : vector<64x64x128xf32>
      %reduce_sum3A_494 = arith.constant dense<0.000000e+00> : vector<64x128xf32>
      %reduce_sum3A_495 = vector.multi_reduction <add>, %mul3A_493, %reduce_sum3A_494 [1] : vector<64x64x128xf32> to vector<64x128xf32>
      %add3A_496 = arith.addf %get3A_485, %reduce_sum3A_495 : vector<64x128xf32>
      %swap3A_497 = arith.constant 1 : index
      %swap3A_498 = arith.constant 0 : index
      %swap3A_499 = arith.constant 0 : index
      %swap3A_500 = vector.load %arg15[%swap3A_497, %swap3A_498, %swap3A_499] : memref<4x64x128xf32, #tpu.memory_space<vmem>>, vector<1x64x128xf32>
      %swap3A_501 = vector.shape_cast %swap3A_500 : vector<1x64x128xf32> to vector<64x128xf32>
      %swap3A_502 = vector.shape_cast %add3A_496 : vector<64x128xf32> to vector<1x64x128xf32>
      tpu.vector_store %arg15[%swap3A_497, %swap3A_498, %swap3A_499], %swap3A_502 {strides = array<i32>} : memref<4x64x128xf32, #tpu.memory_space<vmem>>, vector<1x64x128xf32>,
      %get3A_503 = arith.constant 2 : index
      %get3A_504 = arith.constant 0 : index
      %get3A_505 = arith.constant 0 : index
      %get3A_506 = vector.load %arg15[%get3A_503, %get3A_504, %get3A_505] : memref<4x64x128xf32, #tpu.memory_space<vmem>>, vector<1x64x128xf32>
      %get3A_507 = vector.shape_cast %get3A_506 : vector<1x64x128xf32> to vector<64x128xf32>
      %get3A_508 = arith.constant 2 : index
      %get3A_509 = arith.constant 448 : index
      %get3A_510 = arith.constant 0 : index
      %get3A_511 = vector.load %arg6[%get3A_508, %get3A_509, %get3A_510] : memref<4x512x128xf32, #tpu.memory_space<vmem>>, vector<1x64x128xf32>
      %get3A_512 = vector.shape_cast %get3A_511 : vector<1x64x128xf32> to vector<64x128xf32>
      %broadcast_in_dim3A_513 = vector.shape_cast %get3A_512 : vector<64x128xf32> to vector<1x64x128xf32>
      %mul3A_514 = vector.broadcast %broadcast_in_dim3A_513 : vector<1x64x128xf32> to vector<64x64x128xf32>
      %mul3A_515 = arith.mulf %mul3A_458, %mul3A_514 : vector<64x64x128xf32>
      %reduce_sum3A_516 = arith.constant dense<0.000000e+00> : vector<64x128xf32>
      %reduce_sum3A_517 = vector.multi_reduction <add>, %mul3A_515, %reduce_sum3A_516 [1] : vector<64x64x128xf32> to vector<64x128xf32>
      %add3A_518 = arith.addf %get3A_507, %reduce_sum3A_517 : vector<64x128xf32>
      %swap3A_519 = arith.constant 2 : index
      %swap3A_520 = arith.constant 0 : index
      %swap3A_521 = arith.constant 0 : index
      %swap3A_522 = vector.load %arg15[%swap3A_519, %swap3A_520, %swap3A_521] : memref<4x64x128xf32, #tpu.memory_space<vmem>>, vector<1x64x128xf32>
      %swap3A_523 = vector.shape_cast %swap3A_522 : vector<1x64x128xf32> to vector<64x128xf32>
      %swap3A_524 = vector.shape_cast %add3A_518 : vector<64x128xf32> to vector<1x64x128xf32>
      tpu.vector_store %arg15[%swap3A_519, %swap3A_520, %swap3A_521], %swap3A_524 {strides = array<i32>} : memref<4x64x128xf32, #tpu.memory_space<vmem>>, vector<1x64x128xf32>,
      %get3A_525 = arith.constant 3 : index
      %get3A_526 = arith.constant 0 : index
      %get3A_527 = arith.constant 0 : index
      %get3A_528 = vector.load %arg15[%get3A_525, %get3A_526, %get3A_527] : memref<4x64x128xf32, #tpu.memory_space<vmem>>, vector<1x64x128xf32>
      %get3A_529 = vector.shape_cast %get3A_528 : vector<1x64x128xf32> to vector<64x128xf32>
      %get3A_530 = arith.constant 3 : index
      %get3A_531 = arith.constant 448 : index
      %get3A_532 = arith.constant 0 : index
      %get3A_533 = vector.load %arg6[%get3A_530, %get3A_531, %get3A_532] : memref<4x512x128xf32, #tpu.memory_space<vmem>>, vector<1x64x128xf32>
      %get3A_534 = vector.shape_cast %get3A_533 : vector<1x64x128xf32> to vector<64x128xf32>
      %broadcast_in_dim3A_535 = vector.shape_cast %get3A_534 : vector<64x128xf32> to vector<1x64x128xf32>
      %mul3A_536 = vector.broadcast %broadcast_in_dim3A_535 : vector<1x64x128xf32> to vector<64x64x128xf32>
      %mul3A_537 = arith.mulf %mul3A_458, %mul3A_536 : vector<64x64x128xf32>
      %reduce_sum3A_538 = arith.constant dense<0.000000e+00> : vector<64x128xf32>
      %reduce_sum3A_539 = vector.multi_reduction <add>, %mul3A_537, %reduce_sum3A_538 [1] : vector<64x64x128xf32> to vector<64x128xf32>
      %add3A_540 = arith.addf %get3A_529, %reduce_sum3A_539 : vector<64x128xf32>
      %swap3A_541 = arith.constant 3 : index
      %swap3A_542 = arith.constant 0 : index
      %swap3A_543 = arith.constant 0 : index
      %swap3A_544 = vector.load %arg15[%swap3A_541, %swap3A_542, %swap3A_543] : memref<4x64x128xf32, #tpu.memory_space<vmem>>, vector<1x64x128xf32>
      %swap3A_545 = vector.shape_cast %swap3A_544 : vector<1x64x128xf32> to vector<64x128xf32>
      %swap3A_546 = vector.shape_cast %add3A_540 : vector<64x128xf32> to vector<1x64x128xf32>
      tpu.vector_store %arg15[%swap3A_541, %swap3A_542, %swap3A_543], %swap3A_546 {strides = array<i32>} : memref<4x64x128xf32, #tpu.memory_space<vmem>>, vector<1x64x128xf32>,
    } else {
    }
    %eq3A_335 = arith.constant 7 : i32
    %eq3A_336 = arith.cmpi eq, %arg1, %eq3A_335 : i32
    %convert_element_type3A_337 = arith.extui %eq3A_336 : i1 to i32
    %cond3A_338 = arith.constant 0 : i32
    %cond3A_339 = arith.cmpi ne, %convert_element_type3A_337, %cond3A_338 : i32
    scf.if %cond3A_339 {
      %get3A_340 = arith.constant 0 : index
      %get3A_341 = arith.constant 0 : index
      %get3A_342 = vector.load %arg16[%get3A_340, %get3A_341] : memref<64x1xf32, #tpu.memory_space<vmem>>, vector<64x1xf32>
      %max3A = arith.constant 1.000000e+00 : f32
      %max3A_343 = vector.broadcast %max3A : f32 to vector<64x1xf32>
      %max3A_344 = arith.maximumf %get3A_342, %max3A_343 : vector<64x1xf32>
      %get3A_345 = arith.constant 0 : index
      %get3A_346 = arith.constant 0 : index
      %get3A_347 = arith.constant 0 : index
      %get3A_348 = vector.load %arg15[%get3A_345, %get3A_346, %get3A_347] : memref<4x64x128xf32, #tpu.memory_space<vmem>>, vector<4x64x128xf32>
      %slice3A_349 = vector.extract_strided_slice %get3A_348 {offsets = [0, 0, 0], sizes = [4, 64, 64], strides = [1, 1, 1]} : vector<4x64x128xf32> to vector<4x64x64xf32>
      %slice3A_350 = vector.extract_strided_slice %get3A_348 {offsets = [0, 0, 64], sizes = [4, 64, 64], strides = [1, 1, 1]} : vector<4x64x128xf32> to vector<4x64x64xf32>
      %add3A_351 = arith.addf %slice3A_349, %slice3A_350 : vector<4x64x64xf32>
      %broadcast_in_dim3A = vector.shape_cast %max3A_344 : vector<64x1xf32> to vector<1x64x1xf32>
      %div3A = vector.broadcast %broadcast_in_dim3A : vector<1x64x1xf32> to vector<4x64x64xf32>
      %div3A_352 = arith.divf %add3A_351, %div3A : vector<4x64x64xf32>
      %swap3A = arith.constant 0 : index
      %swap3A_353 = arith.constant 0 : index
      %swap3A_354 = arith.constant 0 : index
      %swap3A_355 = vector.load %arg14[%swap3A, %swap3A_353, %swap3A_354] : memref<4x64x64xf32, #tpu.memory_space<vmem>>, vector<4x64x64xf32>
      tpu.vector_store %arg14[%swap3A, %swap3A_353, %swap3A_354], %div3A_352 {strides = array<i32>} : memref<4x64x64xf32, #tpu.memory_space<vmem>>, vector<4x64x64xf32>,
    } else {
    }
    return
  }
  func.func @transform_0(%arg0: i32, %arg1: i32) -> (i32, i32) {
    %c0_i32 = arith.constant 0 : i32
    %c0_i32_0 = arith.constant 0 : i32
    return %arg0, %c0_i32 : i32, i32
  }
  func.func @transform_1(%arg0: i32, %arg1: i32) -> (i32, i32) {
    %c0_i32 = arith.constant 0 : i32
    %c0_i32_0 = arith.constant 0 : i32
    return %c0_i32, %arg1 : i32, i32
  }
  func.func @transform_2(%arg0: i32, %arg1: i32) -> (i32, i32) {
    %c0_i32 = arith.constant 0 : i32
    %c0_i32_0 = arith.constant 0 : i32
    return %arg1, %c0_i32 : i32, i32
  }
  func.func @transform_3(%arg0: i32, %arg1: i32) -> (i32, i32, i32) {
    %c0_i32 = arith.constant 0 : i32
    %c0_i32_0 = arith.constant 0 : i32
    %c0_i32_1 = arith.constant 0 : i32
    return %c0_i32, %arg1, %c0_i32_0 : i32, i32, i32
  }
  func.func @transform_4(%arg0: i32, %arg1: i32) -> (i32, i32, i32) {
    %c0_i32 = arith.constant 0 : i32
    %c0_i32_0 = arith.constant 0 : i32
    %c0_i32_1 = arith.constant 0 : i32
    return %c0_i32, %arg1, %c0_i32_0 : i32, i32, i32
  }
  func.func @transform_5(%arg0: i32, %arg1: i32) -> (i32, i32) {
    %c0_i32 = arith.constant 0 : i32
    %c0_i32_0 = arith.constant 0 : i32
    %c0_i32_1 = arith.constant 0 : i32
    return %c0_i32, %c0_i32_0 : i32, i32
  }
  func.func @transform_6(%arg0: i32, %arg1: i32) -> (i32, i32) {
    %c0_i32 = arith.constant 0 : i32
    %c0_i32_0 = arith.constant 0 : i32
    %c0_i32_1 = arith.constant 0 : i32
    return %c0_i32, %c0_i32_0 : i32, i32
  }
  func.func @transform_7(%arg0: i32, %arg1: i32) -> (i32, i32) {
    %c0_i32 = arith.constant 0 : i32
    %c0_i32_0 = arith.constant 0 : i32
    %c0_i32_1 = arith.constant 0 : i32
    return %c0_i32, %c0_i32_0 : i32, i32
  }
  func.func @transform_8(%arg0: i32, %arg1: i32) -> (i32, i32) {
    %c0_i32 = arith.constant 0 : i32
    %c0_i32_0 = arith.constant 0 : i32
    %c0_i32_1 = arith.constant 0 : i32
    return %c0_i32, %c0_i32_0 : i32, i32
  }
  func.func @transform_9(%arg0: i32, %arg1: i32) -> (i32, i32) {
    %c0_i32 = arith.constant 0 : i32
    %c0_i32_0 = arith.constant 0 : i32
    %c0_i32_1 = arith.constant 0 : i32
    return %c0_i32, %c0_i32_0 : i32, i32
  }
  func.func @transform_10(%arg0: i32, %arg1: i32) -> (i32, i32) {
    %c0_i32 = arith.constant 0 : i32
    %c0_i32_0 = arith.constant 0 : i32
    %c0_i32_1 = arith.constant 0 : i32
    return %c0_i32, %c0_i32_0 : i32, i32
  }
  func.func @transform_11(%arg0: i32, %arg1: i32) -> (i32, i32) {
    %c0_i32 = arith.constant 0 : i32
    %c0_i32_0 = arith.constant 0 : i32
    %c0_i32_1 = arith.constant 0 : i32
    return %c0_i32, %c0_i32_0 : i32, i32
  }
  func.func @transform_12(%arg0: i32, %arg1: i32) -> (i32, i32, i32) {
    %c0_i32 = arith.constant 0 : i32
    %c0_i32_0 = arith.constant 0 : i32
    %c0_i32_1 = arith.constant 0 : i32
    return %c0_i32, %arg0, %c0_i32_0 : i32, i32, i32
  }
}

</mosaic_0001>

<sc_bundles>
// kernel: gather_offload_async_start.1
scs
__scs_entry_jumppad:
0x0: {  	(pc) =	sbr.rel $0x88, $3  }
0x1: {  	(tag) =	ssettag $0x0;
	lr =	simm.s32 $0x1  }
0x2: {  	[smem:$0x3F96] =	sst lr;
	_ =	strace $0xD0000000  }
0x3: {  	_ = 	snop  }
0x4: {  	_ = 	snop  }
0x5: {  	_ = 	snop  }
0x6: {  	_ = 	snop  }
0x7: {  	_ = 	snop  }
__scs_overlays_trampoline_lowered:
0x8: {  	[smem:$0x3FA5] =	sst s0  }
0x9: {  	[smem:$0x3FA6] =	sst s1  }
0xa: {  	[smem:$0x3FA7] =	sst s2  }
0xb: {  	[smem:$0x3FA8] =	sst s3  }
0xc: {  	[smem:$0x3FA9] =	sst s4  }
0xd: {  	[smem:$0x3FAA] =	sst s5  }
0xe: {  	[smem:$0x3FAB] =	sst s6  }
0xf: {  	[smem:$0x3FAC] =	sst s7  }
0x10: {  	[smem:$0x3FAD] =	sst s8  }
0x11: {  	[smem:$0x3FAE] =	sst s9;
	s0 =	simm.s32 @!p0 $0x0  }
0x12: {  	s1 =	sld [smem:$0x3F94];
	s0 =	simm.s32 @p0 $0x1  }
0x13: {  	[smem:$0x3FAF] =	sst s0;
	s0 =	simm.s32 @!p1 $0x0  }
0x14: {  	s2 =	sld [smem:$0x3F93];
	s0 =	simm.s32 @p1 $0x1  }
0x15: {  	[smem:$0x3FB0] =	sst s0;
	s0 =	simm.s32 @!p2 $0x0  }
0x16: {  	s3 =	sld [smem:$0x3FDB];
	s0 =	simm.s32 @p2 $0x1  }
0x17: {  	s4 =	simm.s32 $0x1BF5;
	[smem:$0x3FB2] =	sst s0  }
0x18: {  	s0 =	sld [smem:$0x3F95];
	_ =	swait.ge [sflag:s4], $0x0  }
0x19: {  	s7 =	sld [smem:$0x3F96]  }
0x1a: {  	s8 =	sadd.s32 $0xFFFFE003, lr  }
0x1b: {  	s9 =	sadd.s32 $0xFFFFFEF7, lr;
	s5 =	simm.s32 $0xFFFFFFFF;
	p2 =	slt.u32 s8, $0xFFFFF086  }
0x1c: {  	p1 =	slt.u32 s9, $0xF7A;
	s5 =	simm.s32 @!p2 $0x0  }
0x1d: {  	s5 =	simm.s32 @p1 $0x1;
	p0 =	seq.s32 s7, s2  }
0x1e: {  	s7 =	smul.u32 @!p0 $0xF7A, s2;
	p2 =	seq.s32 @!p0 s5, $0x0  }
0x1f: {  	s9 =	smul.u32 $0xF7A, s1;
	s8 =	simm.s32 @!p0 $0x1BF5;
	p2 =	por !p2, p0  }
0x20: {  	[sflag:s8] =	ssyncset.s32 @!p0 $0xFFFFF086;
	s6 =	sadd.s32 @!p0 s3, s7;
	s7 =	simm.s32 @!p0 $0x108  }
0x21: {  	s3 =	sadd.s32 s3, s9;
	s6 =	sadd.s32 @!p0 $0x88, s6;
	s7 =	simm.s32 @p2 $0x1082  }
0x22: {  	[simem:s7], [sflag:s8] =	dma.local @!p0 [hbm:s6], $0xF7A  }
0x23: {  	s9 =	sor.u32 $0xD0000000, s2;
	s6 =	simm.s32 $0x108;
	_ =	swait.ge @!p0 [sflag:s8], $0x0  }
0x24: {  	s3 =	sadd.s32 $0x88, s3;
	s6 =	simm.s32 @!p1 $0x1082;
	[sflag:s4] =	ssyncset.s32 $0xFFFFF086  }
0x25: {  	[simem:s6], [sflag:s4] =	dma.local [hbm:s3], $0xF7A  }
0x26: {  	[smem:$0x3F96] =	sst s1;
	(tag) =	ssettag s2;
	_ =	strace s9  }
0x27: {  	s1 =	sld [smem:$0x3FA6]  }
0x28: {  	s2 =	sld [smem:$0x3FA7]  }
0x29: {  	s4 =	sld [smem:$0x3FA9]  }
0x2a: {  	p0 =	seq.s32 s5, $0x0;
	s5 =	sld [smem:$0x3FAA]  }
0x2b: {  	s6 =	sld [smem:$0x3FAB]  }
0x2c: {  	s7 =	sld [smem:$0x3FAC]  }
0x2d: {  	s3 =	simm.s32 $0x108;
	s8 =	sld [smem:$0x3FAD]  }
0x2e: {  	s3 =	simm.s32 @!p0 $0x1082;
	s9 =	sld [smem:$0x3FAE]  }
0x2f: {  	lr =	sadd.s32 s0, s3;
	s0 =	sld [smem:$0x3FA5]  }
0x30: {  	s3 =	sld [smem:$0x3FA8]  }
0x31: {  	[smem:$0x3FB1] =	sst s10  }
0x32: {  	s10 =	sld [smem:$0x3FAF];
	_ =	sdelay $0x3  }
0x33: {  	p0 =	seq.s32 s10, $0x1;
	s10 =	sld [smem:$0x3FB1];
	_ =	sdelay $0x3  }
0x34: {  	[smem:$0x3FB1] =	sst s10  }
0x35: {  	s10 =	sld [smem:$0x3FB0];
	_ =	sdelay $0x3  }
0x36: {  	p1 =	seq.s32 s10, $0x1;
	s10 =	sld [smem:$0x3FB1];
	_ =	sdelay $0x3  }
0x37: {  	[smem:$0x3FB1] =	sst s10  }
0x38: {  	s10 =	sld [smem:$0x3FB2]  }
0x39: {  	_ = 	snop;
	(pc) =	sbr.ind lr, $3  }
0x3a: {  	_ = 	snop  }
0x3b: {  	_ = 	snop  }
0x3c: {  	p2 =	seq.s32 s10, $0x1;
	s10 =	sld [smem:$0x3FB1]  }
0x3d: {  	_ =	shalt  }
0x3e: {  	_ =	shalt  }
0x3f: {  	_ =	shalt  }
0x40: {  	_ =	shalt  }
0x41: {  	_ =	shalt  }
0x42: {  	_ =	shalt  }
0x43: {  	_ =	shalt  }
0x44: {  	_ =	shalt  }
0x45: {  	_ =	shalt  }
0x46: {  	_ =	shalt  }
0x47: {  	_ =	shalt  }
0x48: {  	_ =	shalt  }
0x49: {  	_ =	shalt  }
0x4a: {  	_ =	shalt  }
0x4b: {  	_ =	shalt  }
0x4c: {  	_ =	shalt  }
0x4d: {  	_ =	shalt  }
0x4e: {  	_ =	shalt  }
0x4f: {  	_ =	shalt  }
0x50: {  	_ =	shalt  }
0x51: {  	_ =	shalt  }
0x52: {  	_ =	shalt  }
0x53: {  	_ =	shalt  }
0x54: {  	_ =	shalt  }
0x55: {  	_ =	shalt  }
0x56: {  	_ =	shalt  }
0x57: {  	_ =	shalt  }
0x58: {  	_ =	shalt  }
0x59: {  	_ =	shalt  }
0x5a: {  	_ =	shalt  }
0x5b: {  	_ =	shalt  }
0x5c: {  	_ =	shalt  }
0x5d: {  	_ =	shalt  }
0x5e: {  	_ =	shalt  }
0x5f: {  	_ =	shalt  }
0x60: {  	_ =	shalt  }
0x61: {  	_ =	shalt  }
0x62: {  	_ =	shalt  }
0x63: {  	_ =	shalt  }
0x64: {  	_ =	shalt  }
0x65: {  	_ =	shalt  }
0x66: {  	_ =	shalt  }
0x67: {  	_ =	shalt  }
0x68: {  	_ =	shalt  }
0x69: {  	_ =	shalt  }
0x6a: {  	_ =	shalt  }
0x6b: {  	_ =	shalt  }
0x6c: {  	_ =	shalt  }
0x6d: {  	_ =	shalt  }
0x6e: {  	_ =	shalt  }
0x6f: {  	_ =	shalt  }
0x70: {  	_ =	shalt  }
0x71: {  	_ =	shalt  }
0x72: {  	_ =	shalt  }
0x73: {  	_ =	shalt  }
0x74: {  	_ =	shalt  }
0x75: {  	_ =	shalt  }
0x76: {  	_ =	shalt  }
0x77: {  	_ =	shalt  }
0x78: {  	_ =	shalt  }
0x79: {  	_ =	shalt  }
0x7a: {  	_ =	shalt  }
0x7b: {  	_ =	shalt  }
0x7c: {  	_ =	shalt  }
0x7d: {  	_ =	shalt  }
0x7e: {  	_ =	shalt  }
0x7f: {  	_ =	shalt  }
0x80: {  	_ =	shalt  }
0x81: {  	_ =	shalt  }
0x82: {  	_ =	shalt  }
0x83: {  	_ =	shalt  }
0x84: {  	_ =	shalt  }
0x85: {  	_ =	shalt  }
0x86: {  	_ =	shalt  }
0x87: {  	_ =	shalt  }
.Lfunc_end0:
.L_simem_size_0:
called_computation.1_lowered:
.L_overlay_start_0:
0x88: {  	s2 =	sld [smem:$0x3FD9]  }
0x89: {  	s3 =	sld [smem:$0x3FFE];
	_ =	sdelay $0x1  }
0x8a: {  	s1 =	srdreg.scid  }
0x8b: {  	s0 =	sand.u32 $0x1, s1  }
0x8c: {  	s17 =	sshll.u32 s0, $0xA;
	s2 =	sadd.s32 s3, s2  }
0x8d: {  	s2 =	sadd.s32 s2, s17  }
0x8e: {  	[smem:$0x3FBD] =	sst s2  }
0x8f: {  	_ = 	snop  }
0x90: {  	s2 =	sld [smem:$0x3FD0];
	(tm) =	ssettm $0x1  }
0x91: {  	s18 =	sld [smem:$0x3FFB];
	_ =	sdelay $0x3  }
0x92: {  	_ =	strace s18  }
0x93: {  	s3 =	sld [smem:$0x3FFC];
	_ =	sdelay $0x3  }
0x94: {  	_ =	strace s3  }
0x95: {  	s3 =	sld [smem:$0x3FFD];
	_ =	sdelay $0x3  }
0x96: {  	_ =	strace s3  }
0x97: {  	_ =	strace $0x8FFFFFFF  }
0x98: {  	s19 =	sld [smem:$0x3FDB];
	_ =	sdelay $0x1  }
0x99: {  	s4 =	simm.s32 $_scs_section_size  }
0x9a: {  	s5 =	simm.s32 $_size__tile_overlayer_lowered;
	s6 =	simm.s32 $_tile_overlayer_lowered  }
0x9b: {  	s22 =	simm.s32 $0x1BFF;
	s21 =	sshll.u32 s6, $0x1;
	s3 =	sadd.s32 s4, s19  }
0x9c: {  	s7 =	simm.s32 $0x0;
	s20 =	sshll.u32 s5, $0x1;
	s5 =	sadd.s32 s21, s3  }
0x9d: {  	[timem:s7], [sflag:s22] =	dma.local [hbm:s5], s20  }
0x9e: {  	_ =	swait.ge [sflag:s22], s20  }
0x9f: {  	s4 =	ssub.s32 $0x0, s20;
	[sflag:s22] =	ssyncset.done $0x0  }
0xa0: {  	[sflag:s22] =	ssyncadd.s32 s4;
	_ =	sdelay $0x1  }
0xa1: {  	s23 =	simm.s32 $0x1B8B  }
0xa2: {  	_ =	swait.ge [sflag:s23], $0x1  }
0xa3: {  	[sflag:s23] =	ssyncset.done $0x0  }
0xa4: {  	s25 =	simm.s32 $0x1B8E;
	s24 =	sld [smem:$0x3FFE];
	[sflag:s23] =	ssyncadd.s32 $0xFFFFFFFF  }
0xa5: {  	s26 =	simm.s32 $execute0_lowered;
	[smem:$0x3FD2] =	sst s25  }
0xa6: {  	s5 =	sshll.u32 s26, $0x1;
	_ =	strace $0x8000004C;
	[dreg:$0x1] =	wrdreg $0xFFFFFFFF  }
0xa7: {  	s28 =	simm.s32 $_size_execute0_lowered;
	s3 =	sadd.s32 s3, s5;
	[dreg:$0x0] =	wrdreg $0x0  }
0xa8: {  	s5 =	sshll.u32 s28, $0x1;
	[dreg:$0x2] =	wrdreg s3  }
0xa9: {  	[dreg:$0x3] =	wrdreg s5  }
0xaa: {  	[dreg:$0x4] =	wrdreg $0xC0  }
0xab: {  	_ =	task [dreg:s7], $0x5FFFF  }
0xac: {  	[dreg:$0x1] =	wrdreg $0xFFFFFFFF  }
0xad: {  	[dreg:$0x0] =	wrdreg $0x60  }
0xae: {  	[dreg:$0x2] =	wrdreg s24  }
0xaf: {  	[dreg:$0x3] =	wrdreg s2  }
0xb0: {  	[dreg:$0x4] =	wrdreg $0x9  }
0xb1: {  	_ =	task.clear_ibuf [dreg:s7], $0x5FFFF;
	_ =	strace $0x9000004C  }
0xb2: {  	s29 =	simm.s32 $0x9;
	_ =	strace $0x8000004E  }
0xb3: {  	_ =	swait.ge [sflag:s29], $0x1  }
0xb4: {  	[sflag:s29] =	ssyncadd.s32 $0xFFFFFFFF  }
0xb5: {  	_ =	strace $0x9000004E  }
0xb6: {  	_ =	sfence  }
0xb7: {  	s30 =	sld [smem:$0x0];
	_ =	sdelay $0x2  }
0xb8: {  	s31 =	sshll.u32 s1, $0xD;
	s1 =	sshrl.u32 s1, $0x2  }
0xb9: {  	s3 =	sand.u32 $0x4000, s31;
	s1 =	sadd.s32 s1, s30  }
0xba: {  	s0 =	sor.u32 s3, s0;
	s1 =	sshll.u32 s1, $0x11  }
0xbb: {  	s0 =	sor.u32 s1, s0  }
0xbc: {  	s0 =	sadd.s32 $0x8F2B, s0  }
0xbd: {  	[sflag:s0] =	ssyncadd.remote.s32 $0x1  }
0xbe: {  	_ =	sfence.sel $0xFFFF  }
0xbf: {  	[dreg:$0x0] =	wrdreg $0xFFFFFFFF;
	(pc) =	sbr.abs _section_cstart, $3  }
0xc0: {  	[dreg:$0x1] =	wrdreg $0xFFFFFFFF  }
0xc1: {  	_ =	task.clear_ibuf [dreg:s7], $0x2FFFF;
	_ =	strace $0x9FFFFFFF  }
0xc2: {  	(tm) =	ssettm $0x7FFFFFFF  }
0xc3: {  	_ =	shalt  }
tec
execute0_lowered:
.L_overlay_start_1:
0x0: {  	(tag) =	ssettag $0x1  }
0x1: {  	s7 =	rddreg [dreg:$0x0]  }
0x2: {  	s2 =	rddreg [dreg:$0x1]  }
0x3: {  	s0 =	rddreg [dreg:$0x2]  }
0x4: {  	s1 =	srdreg.scid;
	_ =	strace $0x8000004D;
	s4 =	simm.s32 $0x1  }
0x5: {  	s9 =	simm.s32 $0x3;
	s12 =	simm.s32 $0x0;
	s5 =	sshll.u32 s1, $0x4  }
.Ltmp0:
0x6: {  	s1 =	stileid.u32;
	s5 =	sand.u32 $0x10, s5;
	(pc) =	sbr.rel .LBB2_1-.Ltmp0, $4  }
0x7: {  	s10 =	simm.s32 $0x0;
	s3 =	sadd.s32 $0x120800, s7;
	s6 =	sor.u32 s1, s5  }
0x8: {  	[sflag:s4] =	ssyncpa.u1 $0x0;
	s5 =	simm.s32 $0x2;
	s6 =	sshll.u32 s6, $0x7  }
0x9: {  	s7 =	sadd.s32 $0x80400, s7;
	[sflag:s5] =	ssyncpa.u1 $0x0;
	s8 =	sadd.s32 $0x80, s6  }
0xa: {  	vm0 =	vmmov $0xff;
	vm1 =	vcmask $0x3F20;
	[sflag:s9] =	ssyncpa.u1 $0x0;
	s9 =	simm.s32 $0x80;
	s11 =	smov.u32 s6  }
.LBB2_9:
0xb: {  	p0 =	seq.s32 s10, $0x2  }
.Ltmp1:
0xc: {  	_ = 	snop;
	(pc) =	sbr.rel @p0 .LBB2_11-.Ltmp1, $1  }
0xd: {  	_ =	sdelay $0x3  }
.LBB2_10:
0xe: {  	s12 =	sadd.s32 $0x80, s11  }
0xf: {  	s13 =	smov.u32 s6;
	p0 =	slt.s32 s12, s8  }
0x10: {  	s13 =	smov.u32 @p0 s12  }
0x11: {  	s10 =	sadd.s32 $0x1, s10;
	s12 =	smov.u32 s11;
	s11 =	smov.u32 s13  }
.LBB2_1:
0x12: {  	p0 =	sne.s32 s10, $0x0  }
.Ltmp2:
0x13: {  	_ = 	snop;
	(pc) =	sbr.rel @!p0 .LBB2_2-.Ltmp2, $1  }
0x14: {  	_ =	sdelay $0x3  }
0x15: {  	s13 =	sand.u32 $0x1, s10  }
0x16: {  	p0 =	seq.s32 s13, $0x0  }
.Ltmp3:
0x17: {  	_ = 	snop;
	(pc) =	sbr.rel @p0 .LBB2_9-.Ltmp3, $1  }
0x18: {  	_ =	sdelay $0x3  }
0x19: {  	_ =	swait.ge [sflag:s5], $0x80  }
0x1a: {  	[sflag:s5] =	ssyncset.done $0x0  }
0x1b: {  	s13 =	simm.s32 $0x0;
	[sflag:s5] =	ssyncadd.s32 $0xFFFFFF80  }
0x1c: {  	v0 =	vld.msk [tilespmem:s13+$0x80 ss:$0x1], $0xffff;
	_ =	sdelay $0x4  }
0x1d: {  	vm2 =	vgt.s32 v0, $0x0  }
0x1e: {  	v0 =	vnsel vm2, $0x0, v0  }
0x1f: {  	v0 =	vmin.u32 v0, $0xFFF  }
0x20: {  	v0 =	vshll.u32 v0, $0x4;
	_ =	sdelay $0x3  }
0x21: {  	s13 =	simm.s32 $0x4100  }
0x22: {  	[tilespmem:s13], [sflag:$0x1] =	stream.indirect_vreg.gather [hbm:s3], $0x80, v0, vm0, $0x38;
	[tilespmem:$0x8100] =	vst v63  }
0x23: {  	s14 =	simm.s32 $0x4500;
	s31 =	simm.s32 $0x10  }
0x24: {  	[tilespmem:s14], [sflag:$0x1] =	stream.indirect_vreg.gather [hbm:s3], $0x80, v0, vm1, $0x38;
	[tilespmem:$0x8100] =	vst v63  }
0x25: {  	s14 =	simm.s32 $0x80;
	v0 =	vld.msk [tilespmem:s31+$0x80 ss:$0x1], $0xffff  }
.LBB2_5:
0x26: {  	p0 =	sne.s32 s14, $0x1C0;
	_ =	sdelay $0x4  }
0x27: {  	vm2 =	vgt.s32 v0, $0x0  }
0x28: {  	v0 =	vnsel vm2, $0x0, v0  }
0x29: {  	v0 =	vmin.u32 v0, $0xFFF  }
0x2a: {  	v0 =	vshll.u32 v0, $0x4;
	_ =	sdelay $0x3  }
.Ltmp4:
0x2b: {  	s13 =	sadd.s32 $0x800, s13;
	(pc) =	sbr.rel @p0 .LBB2_5-.Ltmp4, $4  }
0x2c: {  	[tilespmem:s13], [sflag:$0x1] =	stream.indirect_vreg.gather [hbm:s3], $0x80, v0, vm0, $0x38;
	[tilespmem:$0x8100] =	vst v63  }
0x2d: {  	s15 =	sshra.s32 s14, $0x2;
	s16 =	sadd.s32 $0x400, s13  }
0x2e: {  	[tilespmem:s16], [sflag:$0x1] =	stream.indirect_vreg.gather [hbm:s3], $0x80, v0, vm1, $0x38;
	[tilespmem:$0x8100] =	vst v63  }
0x2f: {  	s14 =	sadd.s32 $0x40, s14;
	v0 =	vld.msk [tilespmem:s15+$0x80 ss:$0x1], $0xffff  }
0x30: {  	_ =	sdelay $0x3  }
0x31: {  	vm2 =	vgt.s32 v0, $0x0  }
0x32: {  	v0 =	vnsel vm2, $0x0, v0  }
0x33: {  	v0 =	vmin.u32 v0, $0xFFF  }
0x34: {  	v0 =	vshll.u32 v0, $0x4;
	_ =	sdelay $0x3  }
0x35: {  	s13 =	sadd.s32 $0x800, s13  }
0x36: {  	[tilespmem:s13], [sflag:$0x1] =	stream.indirect_vreg.gather [hbm:s3], $0x80, v0, vm0, $0x38;
	[tilespmem:$0x8100] =	vst v63  }
0x37: {  	s13 =	sadd.s32 $0x400, s13  }
0x38: {  	[tilespmem:s13], [sflag:$0x1] =	stream.indirect_vreg.gather [hbm:s3], $0x80, v0, vm1, $0x38;
	[tilespmem:$0x8100] =	vst v63  }
0x39: {  	s12 =	sshll.u32 s12, $0x4;
	s14 =	simm.s32 $0x80;
	_ =	swait.ge [sflag:s4], $0x4000  }
0x3a: {  	s15 =	simm.s32 $0x4500;
	s12 =	sadd.s32 s12, s2;
	[sflag:s4] =	ssyncset.done $0x0  }
0x3b: {  	s16 =	sadd.s32 $0x0, s12;
	s13 =	simm.s32 $0x4100;
	[sflag:s4] =	ssyncadd.s32 $0xFFFFC000  }
.LBB2_7:
0x3c: {  	[hbm:s16] =	stream.linear.scatter [tilespmem:s13], [sflag:$0x3], $0x400, $0x38;
	[tilespmem:$0x8100] =	vst v63  }
0x3d: {  	s16 =	smov.u32 s14;
	s13 =	smov.u32 s15;
	p0 =	sne.s32 s14, $0x780  }
.Ltmp5:
0x3e: {  	s14 =	sadd.s32 $0x80, s14;
	(pc) =	sbr.rel @p0 .LBB2_7-.Ltmp5, $2  }
0x3f: {  	_ =	sdelay $0x2  }
0x40: {  	s15 =	sadd.s32 $0x400, s15;
	s16 =	sadd.s32 s16, s12  }
.Ltmp6:
0x41: {  	(pc) =	sbr.rel .LBB2_9-.Ltmp6, $2  }
0x42: {  	_ =	sdelay $0x2  }
0x43: {  	[hbm:s16] =	stream.linear.scatter [tilespmem:s13], [sflag:$0x3], $0x400, $0x38;
	[tilespmem:$0x8100] =	vst v63  }
.LBB2_2:
.Ltmp7:
0x44: {  	(pc) =	sbr.rel .LBB2_10-.Ltmp7, $4  }
0x45: {  	_ = 	snop  }
0x46: {  	s12 =	sshrl.u32 s11, $0x3  }
0x47: {  	s13 =	sand.u32 $0x7, s11;
	s12 =	sadd.s32 s7, s12  }
0x48: {  	[tilespmem:s9], [sflag:$0x2] =	stream.linear.gather [hbm4b:s12+s13], $0x80, $0x38;
	[tilespmem:$0x8100] =	vst v63  }
.LBB2_11:
0x49: {  	s2 =	simm.s32 $0x3  }
0x4a: {  	_ =	swait.ge [sflag:s2], $0x4000  }
0x4b: {  	[sflag:s2] =	ssyncset.done $0x0  }
0x4c: {  	[sflag:s2] =	ssyncadd.s32 $0xFFFFC000  }
0x4d: {  	_ =	sfence.sel $0x180000  }
0x4e: {  	s3 =	simm.s32 $0x2;
	[bflag:$0x0] =	sbarrier.arrive $0xFFFF  }
0x4f: {  	[sflag:s3] =	ssyncpa.u1 $0x1  }
0x50: {  	s31 =	simm.s32 $0x1;
	[sflag:s2] =	ssyncpa.u1 $0x1  }
0x51: {  	[sflag:s31] =	ssyncpa.u1 $0x1  }
0x52: {  	p0 =	sne.s32 s1, $0x0;
	_ =	strace $0x9000004D  }
0x53: {  	s0 =	sadd.s32 @!p0 $0x100000, s0;
	[bflag:$0x2] =	sbarrier.arrive $0xFFFF  }
0x54: {  	[sflag:s0] =	ssyncadd.tile.s32 @!p0 $0x1;
	_ =	shalt  }
.Lfunc_end2:
_tile_overlayer_lowered:
.L_overlay_start_2:
0x55: {  	(tag) =	ssettag $0x2  }
0x56: {  	s0 =	rddreg [dreg:$0x0];
	s2 =	stileid.u32  }
0x57: {  	s1 =	rddreg [dreg:$0x1];
	p0 =	sne.s32 s2, $0x0  }
0x58: {  	s3 =	rddreg [dreg:$0x2];
	[bflag:$0x3] =	sbarrier.arrive $0xFFFF;
	s2 =	simm.s32 @!p0 $0x1C01  }
0x59: {  	[timem:s3], [sflag:s2] =	dma.local @!p0 [hbm:s0], s1  }
0x5a: {  	s0 =	simm.s32 @!p0 $0x1  }
0x5b: {  	_ =	swait.ge @!p0 [sflag:s0], s1  }
0x5c: {  	s1 =	ssub.s32 @!p0 $0x0, s1;
	[sflag:s0] =	ssyncset.done @!p0 $0x0  }
0x5d: {  	[sflag:s0] =	ssyncadd.s32 @!p0 s1  }
0x5e: {  	[bflag:$0x3] =	sbarrier.arrive $0xFFFF  }
0x5f: {  	_ =	shalt  }

// kernel: gather_offload_async_start.2
scs
__scs_entry_jumppad:
0x0: {  	(pc) =	sbr.rel $0x88, $3  }
0x1: {  	(tag) =	ssettag $0x0;
	lr =	simm.s32 $0x1  }
0x2: {  	[smem:$0x3F96] =	sst lr;
	_ =	strace $0xD0000000  }
0x3: {  	_ = 	snop  }
0x4: {  	_ = 	snop  }
0x5: {  	_ = 	snop  }
0x6: {  	_ = 	snop  }
0x7: {  	_ = 	snop  }
__scs_overlays_trampoline_lowered:
0x8: {  	[smem:$0x3FA5] =	sst s0  }
0x9: {  	[smem:$0x3FA6] =	sst s1  }
0xa: {  	[smem:$0x3FA7] =	sst s2  }
0xb: {  	[smem:$0x3FA8] =	sst s3  }
0xc: {  	[smem:$0x3FA9] =	sst s4  }
0xd: {  	[smem:$0x3FAA] =	sst s5  }
0xe: {  	[smem:$0x3FAB] =	sst s6  }
0xf: {  	[smem:$0x3FAC] =	sst s7  }
0x10: {  	[smem:$0x3FAD] =	sst s8  }
0x11: {  	[smem:$0x3FAE] =	sst s9;
	s0 =	simm.s32 @!p0 $0x0  }
0x12: {  	s1 =	sld [smem:$0x3F94];
	s0 =	simm.s32 @p0 $0x1  }
0x13: {  	[smem:$0x3FAF] =	sst s0;
	s0 =	simm.s32 @!p1 $0x0  }
0x14: {  	s2 =	sld [smem:$0x3F93];
	s0 =	simm.s32 @p1 $0x1  }
0x15: {  	[smem:$0x3FB0] =	sst s0;
	s0 =	simm.s32 @!p2 $0x0  }
0x16: {  	s3 =	sld [smem:$0x3FDB];
	s0 =	simm.s32 @p2 $0x1  }
0x17: {  	s4 =	simm.s32 $0x1BF5;
	[smem:$0x3FB2] =	sst s0  }
0x18: {  	s0 =	sld [smem:$0x3F95];
	_ =	swait.ge [sflag:s4], $0x0  }
0x19: {  	s7 =	sld [smem:$0x3F96]  }
0x1a: {  	s8 =	sadd.s32 $0xFFFFE003, lr  }
0x1b: {  	s9 =	sadd.s32 $0xFFFFFEF7, lr;
	s5 =	simm.s32 $0xFFFFFFFF;
	p2 =	slt.u32 s8, $0xFFFFF086  }
0x1c: {  	p1 =	slt.u32 s9, $0xF7A;
	s5 =	simm.s32 @!p2 $0x0  }
0x1d: {  	s5 =	simm.s32 @p1 $0x1;
	p0 =	seq.s32 s7, s2  }
0x1e: {  	s7 =	smul.u32 @!p0 $0xF7A, s2;
	p2 =	seq.s32 @!p0 s5, $0x0  }
0x1f: {  	s9 =	smul.u32 $0xF7A, s1;
	s8 =	simm.s32 @!p0 $0x1BF5;
	p2 =	por !p2, p0  }
0x20: {  	[sflag:s8] =	ssyncset.s32 @!p0 $0xFFFFF086;
	s6 =	sadd.s32 @!p0 s3, s7;
	s7 =	simm.s32 @!p0 $0x108  }
0x21: {  	s3 =	sadd.s32 s3, s9;
	s6 =	sadd.s32 @!p0 $0x88, s6;
	s7 =	simm.s32 @p2 $0x1082  }
0x22: {  	[simem:s7], [sflag:s8] =	dma.local @!p0 [hbm:s6], $0xF7A  }
0x23: {  	s9 =	sor.u32 $0xD0000000, s2;
	s6 =	simm.s32 $0x108;
	_ =	swait.ge @!p0 [sflag:s8], $0x0  }
0x24: {  	s3 =	sadd.s32 $0x88, s3;
	s6 =	simm.s32 @!p1 $0x1082;
	[sflag:s4] =	ssyncset.s32 $0xFFFFF086  }
0x25: {  	[simem:s6], [sflag:s4] =	dma.local [hbm:s3], $0xF7A  }
0x26: {  	[smem:$0x3F96] =	sst s1;
	(tag) =	ssettag s2;
	_ =	strace s9  }
0x27: {  	s1 =	sld [smem:$0x3FA6]  }
0x28: {  	s2 =	sld [smem:$0x3FA7]  }
0x29: {  	s4 =	sld [smem:$0x3FA9]  }
0x2a: {  	p0 =	seq.s32 s5, $0x0;
	s5 =	sld [smem:$0x3FAA]  }
0x2b: {  	s6 =	sld [smem:$0x3FAB]  }
0x2c: {  	s7 =	sld [smem:$0x3FAC]  }
0x2d: {  	s3 =	simm.s32 $0x108;
	s8 =	sld [smem:$0x3FAD]  }
0x2e: {  	s3 =	simm.s32 @!p0 $0x1082;
	s9 =	sld [smem:$0x3FAE]  }
0x2f: {  	lr =	sadd.s32 s0, s3;
	s0 =	sld [smem:$0x3FA5]  }
0x30: {  	s3 =	sld [smem:$0x3FA8]  }
0x31: {  	[smem:$0x3FB1] =	sst s10  }
0x32: {  	s10 =	sld [smem:$0x3FAF];
	_ =	sdelay $0x3  }
0x33: {  	p0 =	seq.s32 s10, $0x1;
	s10 =	sld [smem:$0x3FB1];
	_ =	sdelay $0x3  }
0x34: {  	[smem:$0x3FB1] =	sst s10  }
0x35: {  	s10 =	sld [smem:$0x3FB0];
	_ =	sdelay $0x3  }
0x36: {  	p1 =	seq.s32 s10, $0x1;
	s10 =	sld [smem:$0x3FB1];
	_ =	sdelay $0x3  }
0x37: {  	[smem:$0x3FB1] =	sst s10  }
0x38: {  	s10 =	sld [smem:$0x3FB2]  }
0x39: {  	_ = 	snop;
	(pc) =	sbr.ind lr, $3  }
0x3a: {  	_ = 	snop  }
0x3b: {  	_ = 	snop  }
0x3c: {  	p2 =	seq.s32 s10, $0x1;
	s10 =	sld [smem:$0x3FB1]  }
0x3d: {  	_ =	shalt  }
0x3e: {  	_ =	shalt  }
0x3f: {  	_ =	shalt  }
0x40: {  	_ =	shalt  }
0x41: {  	_ =	shalt  }
0x42: {  	_ =	shalt  }
0x43: {  	_ =	shalt  }
0x44: {  	_ =	shalt  }
0x45: {  	_ =	shalt  }
0x46: {  	_ =	shalt  }
0x47: {  	_ =	shalt  }
0x48: {  	_ =	shalt  }
0x49: {  	_ =	shalt  }
0x4a: {  	_ =	shalt  }
0x4b: {  	_ =	shalt  }
0x4c: {  	_ =	shalt  }
0x4d: {  	_ =	shalt  }
0x4e: {  	_ =	shalt  }
0x4f: {  	_ =	shalt  }
0x50: {  	_ =	shalt  }
0x51: {  	_ =	shalt  }
0x52: {  	_ =	shalt  }
0x53: {  	_ =	shalt  }
0x54: {  	_ =	shalt  }
0x55: {  	_ =	shalt  }
0x56: {  	_ =	shalt  }
0x57: {  	_ =	shalt  }
0x58: {  	_ =	shalt  }
0x59: {  	_ =	shalt  }
0x5a: {  	_ =	shalt  }
0x5b: {  	_ =	shalt  }
0x5c: {  	_ =	shalt  }
0x5d: {  	_ =	shalt  }
0x5e: {  	_ =	shalt  }
0x5f: {  	_ =	shalt  }
0x60: {  	_ =	shalt  }
0x61: {  	_ =	shalt  }
0x62: {  	_ =	shalt  }
0x63: {  	_ =	shalt  }
0x64: {  	_ =	shalt  }
0x65: {  	_ =	shalt  }
0x66: {  	_ =	shalt  }
0x67: {  	_ =	shalt  }
0x68: {  	_ =	shalt  }
0x69: {  	_ =	shalt  }
0x6a: {  	_ =	shalt  }
0x6b: {  	_ =	shalt  }
0x6c: {  	_ =	shalt  }
0x6d: {  	_ =	shalt  }
0x6e: {  	_ =	shalt  }
0x6f: {  	_ =	shalt  }
0x70: {  	_ =	shalt  }
0x71: {  	_ =	shalt  }
0x72: {  	_ =	shalt  }
0x73: {  	_ =	shalt  }
0x74: {  	_ =	shalt  }
0x75: {  	_ =	shalt  }
0x76: {  	_ =	shalt  }
0x77: {  	_ =	shalt  }
0x78: {  	_ =	shalt  }
0x79: {  	_ =	shalt  }
0x7a: {  	_ =	shalt  }
0x7b: {  	_ =	shalt  }
0x7c: {  	_ =	shalt  }
0x7d: {  	_ =	shalt  }
0x7e: {  	_ =	shalt  }
0x7f: {  	_ =	shalt  }
0x80: {  	_ =	shalt  }
0x81: {  	_ =	shalt  }
0x82: {  	_ =	shalt  }
0x83: {  	_ =	shalt  }
0x84: {  	_ =	shalt  }
0x85: {  	_ =	shalt  }
0x86: {  	_ =	shalt  }
0x87: {  	_ =	shalt  }
.Lfunc_end0:
.L_simem_size_0:
called_computation.2_lowered:
.L_overlay_start_0:
0x88: {  	s2 =	sld [smem:$0x3FD9]  }
0x89: {  	s3 =	sld [smem:$0x3FFE];
	_ =	sdelay $0x1  }
0x8a: {  	s1 =	srdreg.scid  }
0x8b: {  	s0 =	sand.u32 $0x1, s1  }
0x8c: {  	s16 =	sshll.u32 s0, $0xA;
	s2 =	sadd.s32 s3, s2  }
0x8d: {  	s2 =	sadd.s32 s2, s16  }
0x8e: {  	[smem:$0x3FBD] =	sst s2  }
0x8f: {  	_ = 	snop  }
0x90: {  	(tm) =	ssettm $0x1  }
0x91: {  	s17 =	sld [smem:$0x3FFB];
	_ =	sdelay $0x3  }
0x92: {  	_ =	strace s17  }
0x93: {  	s2 =	sld [smem:$0x3FFC];
	_ =	sdelay $0x3  }
0x94: {  	_ =	strace s2  }
0x95: {  	s2 =	sld [smem:$0x3FFD];
	_ =	sdelay $0x3  }
0x96: {  	_ =	strace s2  }
0x97: {  	_ =	strace $0x8FFFFFFF  }
0x98: {  	s18 =	sld [smem:$0x3FDB];
	_ =	sdelay $0x1  }
0x99: {  	s19 =	simm.s32 $_scs_section_size  }
0x9a: {  	s4 =	simm.s32 $_size__tile_overlayer_lowered;
	s5 =	simm.s32 $_tile_overlayer_lowered  }
0x9b: {  	s22 =	simm.s32 $0x1BFF;
	s21 =	sshll.u32 s5, $0x1;
	s2 =	sadd.s32 s19, s18  }
0x9c: {  	s6 =	simm.s32 $0x0;
	s20 =	sshll.u32 s4, $0x1;
	s4 =	sadd.s32 s21, s2  }
0x9d: {  	[timem:s6], [sflag:s22] =	dma.local [hbm:s4], s20  }
0x9e: {  	_ =	swait.ge [sflag:s22], s20  }
0x9f: {  	s3 =	ssub.s32 $0x0, s20;
	[sflag:s22] =	ssyncset.done $0x0  }
0xa0: {  	[sflag:s22] =	ssyncadd.s32 s3;
	_ =	sdelay $0x1  }
0xa1: {  	s23 =	simm.s32 $0x1B8B  }
0xa2: {  	_ =	swait.ge [sflag:s23], $0x1  }
0xa3: {  	[sflag:s23] =	ssyncset.done $0x0  }
0xa4: {  	s25 =	simm.s32 $0x1B8E;
	s24 =	sld [smem:$0x3FFE];
	[sflag:s23] =	ssyncadd.s32 $0xFFFFFFFF  }
0xa5: {  	s26 =	simm.s32 $execute0_lowered;
	[smem:$0x3FD2] =	sst s25  }
0xa6: {  	s4 =	sshll.u32 s26, $0x1;
	_ =	strace $0x80000046;
	[dreg:$0x1] =	wrdreg $0xFFFFFFFF  }
0xa7: {  	s28 =	simm.s32 $_size_execute0_lowered;
	s2 =	sadd.s32 s2, s4;
	[dreg:$0x0] =	wrdreg $0x0  }
0xa8: {  	s4 =	sshll.u32 s28, $0x1;
	[dreg:$0x2] =	wrdreg s2  }
0xa9: {  	[dreg:$0x3] =	wrdreg s4  }
0xaa: {  	[dreg:$0x4] =	wrdreg $0xC0  }
0xab: {  	_ =	task [dreg:s6], $0x5FFFF  }
0xac: {  	[dreg:$0x1] =	wrdreg $0xFFFFFFFF  }
0xad: {  	[dreg:$0x0] =	wrdreg $0x60  }
0xae: {  	[dreg:$0x2] =	wrdreg s24  }
0xaf: {  	[dreg:$0x3] =	wrdreg $0xA  }
0xb0: {  	_ =	task.clear_ibuf [dreg:s6], $0x4FFFF;
	_ =	strace $0x90000046  }
0xb1: {  	s29 =	simm.s32 $0xA;
	_ =	strace $0x80000048  }
0xb2: {  	_ =	swait.ge [sflag:s29], $0x1  }
0xb3: {  	[sflag:s29] =	ssyncadd.s32 $0xFFFFFFFF  }
0xb4: {  	_ =	strace $0x90000048  }
0xb5: {  	_ =	sfence  }
0xb6: {  	s30 =	sld [smem:$0x0];
	_ =	sdelay $0x2  }
0xb7: {  	s31 =	sshll.u32 s1, $0xD;
	s1 =	sshrl.u32 s1, $0x2  }
0xb8: {  	s3 =	sand.u32 $0x4000, s31;
	s1 =	sadd.s32 s1, s30  }
0xb9: {  	s0 =	sor.u32 s3, s0;
	s1 =	sshll.u32 s1, $0x11  }
0xba: {  	s0 =	sor.u32 s1, s0  }
0xbb: {  	s0 =	sadd.s32 $0x8F2B, s0  }
0xbc: {  	[sflag:s0] =	ssyncadd.remote.s32 $0x1  }
0xbd: {  	_ =	sfence.sel $0xFFFF  }
0xbe: {  	[dreg:$0x0] =	wrdreg $0xFFFFFFFF;
	(pc) =	sbr.abs _section_cstart, $3  }
0xbf: {  	[dreg:$0x1] =	wrdreg $0xFFFFFFFF  }
0xc0: {  	_ =	task.clear_ibuf [dreg:s6], $0x2FFFF;
	_ =	strace $0x9FFFFFFF  }
0xc1: {  	(tm) =	ssettm $0x7FFFFFFF  }
tec
execute0_lowered:
.L_overlay_start_1:
0x0: {  	(tag) =	ssettag $0x1  }
0x1: {  	s2 =	rddreg [dreg:$0x0]  }
0x2: {  	s0 =	rddreg [dreg:$0x1]  }
0x3: {  	s1 =	srdreg.scid;
	_ =	strace $0x80000047;
	s4 =	simm.s32 $0x1  }
0x4: {  	s9 =	simm.s32 $0x3;
	s11 =	simm.s32 $0x0;
	s5 =	sshll.u32 s1, $0x4  }
.Ltmp0:
0x5: {  	s1 =	stileid.u32;
	s5 =	sand.u32 $0x10, s5;
	(pc) =	sbr.rel .LBB2_1-.Ltmp0, $4  }
0x6: {  	p0 =	por $0x0, $0x0;
	s3 =	sadd.s32 $0x400, s2;
	s6 =	sor.u32 s1, s5  }
0x7: {  	[sflag:s4] =	ssyncpa.u1 $0x0;
	s5 =	simm.s32 $0x2;
	s6 =	sshll.u32 s6, $0x8  }
0x8: {  	s7 =	sadd.s32 $0x80600, s2;
	[sflag:s5] =	ssyncpa.u1 $0x0;
	s8 =	sadd.s32 $0x100, s6  }
0x9: {  	vm0 =	vmmov $0xffff;
	[sflag:s9] =	ssyncpa.u1 $0x0;
	s10 =	smov.u32 s6;
	s9 =	simm.s32 $0x0  }
.LBB2_7:
0xa: {  	p1 =	slt.u32 s9, $0x2;
	s11 =	sadd.s32 $0x40, s10  }
0xb: {  	s13 =	smov.u32 s6;
	s9 =	sadd.s32 $0x1, s9;
	p2 =	slt.s32 s11, s8  }
0xc: {  	s13 =	smov.u32 @p2 s11;
	p2 =	sne.s32 s9, $0x6  }
.Ltmp1:
0xd: {  	_ = 	snop;
	(pc) =	sbr.rel @!p2 .LBB2_8-.Ltmp1, $4  }
0xe: {  	s12 =	simm.s32 @!p1 $0x3  }
0xf: {  	_ =	swait.ge @!p1 [sflag:s12], $0x8000  }
0x10: {  	p0 =	por !p0, !p0;
	[sflag:s12] =	ssyncset.done @!p1 $0x0  }
0x11: {  	s11 =	smov.u32 s10;
	s10 =	smov.u32 s13;
	[sflag:s12] =	ssyncadd.s32 @!p1 $0xFFFF8000  }
.LBB2_1:
0x12: {  	p1 =	sgt.u32 s9, $0x3  }
0x13: {  	s12 =	sxor.u32 @!p1 $0xFFFFFFFF, s9  }
0x14: {  	s13 =	sshrl.u32 @!p1 s10, $0x3;
	s12 =	sshll.u32 @!p1 s12, $0x6  }
0x15: {  	s14 =	sand.u32 @!p1 $0x7, s10;
	s13 =	sadd.s32 @!p1 s2, s13;
	s12 =	sand.u32 @!p1 $0x40, s12  }
0x16: {  	[tilespmem:s12], [sflag:$0x2] =	stream.linear.gather @!p1 [hbm4b:s13+s14], $0x40, $0x38;
	[tilespmem:$0x10080] =	vst v63  }
0x17: {  	p1 =	seq.s32 s9, $0x0  }
0x18: {  	p2 =	seq.s32 @!p1 s9, $0x5  }
0x19: {  	p1 =	por p1, p2  }
.Ltmp2:
0x1a: {  	_ = 	snop;
	(pc) =	sbr.rel @p1 .LBB2_7-.Ltmp2, $1  }
0x1b: {  	_ =	sdelay $0x3  }
0x1c: {  	s12 =	simm.s32 $0x1  }
0x1d: {  	_ =	swait.ge [sflag:s5], $0x40;
	s12 =	simm.s32 @!p0 $0x0  }
0x1e: {  	[sflag:s5] =	ssyncset.done $0x0;
	s13 =	sshll.u32 s12, $0x6  }
0x1f: {  	[sflag:s5] =	ssyncadd.s32 $0xFFFFFFC0;
	s14 =	sadd.s32 $0x0, s13  }
0x20: {  	v0 =	vld.msk [tilespmem:s14+$0x0 ss:$0x1], $0xffff;
	_ =	sdelay $0x4  }
0x21: {  	vm1 =	vgt.s32 v0, $0x0  }
0x22: {  	v0 =	vnsel vm1, $0x0, v0  }
0x23: {  	v0 =	vmin.u32 v0, $0x1FFF  }
0x24: {  	v0 =	vshll.u32 v0, $0x6;
	_ =	sdelay $0x2  }
0x25: {  	s12 =	sshll.u32 s12, $0xF  }
0x26: {  	s12 =	sor.u32 $0x80, s12;
	s31 =	sadd.s32 $0x10, s13  }
0x27: {  	[tilespmem:s12], [sflag:$0x1] =	stream.indirect_vreg.gather [hbm:s3], $0x200, v0, vm0, $0x38;
	[tilespmem:$0x10080] =	vst v63  }
0x28: {  	s15 =	simm.s32 $0x80;
	s14 =	smov.u32 s12;
	v0 =	vld.msk [tilespmem:s31+$0x0 ss:$0x1], $0xffff  }
.LBB2_3:
0x29: {  	p1 =	sne.s32 s15, $0xC0;
	_ =	sdelay $0x4  }
0x2a: {  	vm1 =	vgt.s32 v0, $0x0  }
0x2b: {  	v0 =	vnsel vm1, $0x0, v0  }
0x2c: {  	v0 =	vmin.u32 v0, $0x1FFF  }
0x2d: {  	v0 =	vshll.u32 v0, $0x6;
	_ =	sdelay $0x1  }
.Ltmp3:
0x2e: {  	(pc) =	sbr.rel @p1 .LBB2_3-.Ltmp3, $4  }
0x2f: {  	s16 =	sshra.s32 s15, $0x2  }
0x30: {  	s14 =	sadd.s32 $0x2000, s14;
	s16 =	sadd.s32 s16, s13  }
0x31: {  	[tilespmem:s14], [sflag:$0x1] =	stream.indirect_vreg.gather [hbm:s3], $0x200, v0, vm0, $0x38;
	[tilespmem:$0x10080] =	vst v63  }
0x32: {  	s15 =	sadd.s32 $0x40, s15;
	v0 =	vld.msk [tilespmem:s16+$0x0 ss:$0x1], $0xffff  }
0x33: {  	_ =	sdelay $0x3  }
0x34: {  	vm1 =	vgt.s32 v0, $0x0  }
0x35: {  	v0 =	vnsel vm1, $0x0, v0  }
0x36: {  	v0 =	vmin.u32 v0, $0x1FFF  }
0x37: {  	v0 =	vshll.u32 v0, $0x6;
	_ =	sdelay $0x3  }
0x38: {  	s13 =	sadd.s32 $0x2000, s14  }
0x39: {  	[tilespmem:s13], [sflag:$0x1] =	stream.indirect_vreg.gather [hbm:s3], $0x200, v0, vm0, $0x38;
	[tilespmem:$0x10080] =	vst v63  }
0x3a: {  	s11 =	sshll.u32 s11, $0x6;
	_ =	swait.ge [sflag:s4], $0x8000  }
0x3b: {  	s14 =	sadd.s32 $0x200, s12;
	s11 =	sadd.s32 s11, s7;
	[sflag:s4] =	ssyncset.done $0x0  }
0x3c: {  	s15 =	sadd.s32 $0x0, s11;
	s13 =	simm.s32 $0x40;
	[sflag:s4] =	ssyncadd.s32 $0xFFFF8000  }
.LBB2_5:
0x3d: {  	[hbm:s15] =	stream.linear.scatter [tilespmem:s12], [sflag:$0x3], $0x200, $0x38;
	[tilespmem:$0x10080] =	vst v63  }
0x3e: {  	s15 =	smov.u32 s13;
	s12 =	smov.u32 s14;
	p1 =	sne.s32 s13, $0xFC0  }
.Ltmp4:
0x3f: {  	s13 =	sadd.s32 $0x40, s13;
	(pc) =	sbr.rel @p1 .LBB2_5-.Ltmp4, $2  }
0x40: {  	_ =	sdelay $0x2  }
0x41: {  	s14 =	sadd.s32 $0x200, s14;
	s15 =	sadd.s32 s15, s11  }
.Ltmp5:
0x42: {  	(pc) =	sbr.rel .LBB2_7-.Ltmp5, $2  }
0x43: {  	_ =	sdelay $0x2  }
0x44: {  	[hbm:s15] =	stream.linear.scatter [tilespmem:s12], [sflag:$0x3], $0x200, $0x38;
	[tilespmem:$0x10080] =	vst v63  }
.LBB2_8:
0x45: {  	_ =	sfence.sel $0x180000  }
0x46: {  	s2 =	simm.s32 $0x2;
	[bflag:$0x0] =	sbarrier.arrive $0xFFFF  }
0x47: {  	s30 =	simm.s32 $0x3;
	[sflag:s2] =	ssyncpa.u1 $0x1  }
0x48: {  	s31 =	simm.s32 $0x1;
	[sflag:s30] =	ssyncpa.u1 $0x1  }
0x49: {  	[sflag:s31] =	ssyncpa.u1 $0x1  }
0x4a: {  	p0 =	sne.s32 s1, $0x0;
	_ =	strace $0x90000047  }
0x4b: {  	s0 =	sadd.s32 @!p0 $0x100000, s0;
	[bflag:$0x2] =	sbarrier.arrive $0xFFFF  }
0x4c: {  	[sflag:s0] =	ssyncadd.tile.s32 @!p0 $0x1;
	_ =	shalt  }
.Lfunc_end2:
_tile_overlayer_lowered:
.L_overlay_start_2:
0x4d: {  	(tag) =	ssettag $0x2  }
0x4e: {  	s0 =	rddreg [dreg:$0x0];
	s2 =	stileid.u32  }
0x4f: {  	s1 =	rddreg [dreg:$0x1];
	p0 =	sne.s32 s2, $0x0  }
0x50: {  	s3 =	rddreg [dreg:$0x2];
	[bflag:$0x3] =	sbarrier.arrive $0xFFFF;
	s2 =	simm.s32 @!p0 $0x1C01  }
0x51: {  	[timem:s3], [sflag:s2] =	dma.local @!p0 [hbm:s0], s1  }
0x52: {  	s0 =	simm.s32 @!p0 $0x1  }
0x53: {  	_ =	swait.ge @!p0 [sflag:s0], s1  }
0x54: {  	s1 =	ssub.s32 @!p0 $0x0, s1;
	[sflag:s0] =	ssyncset.done @!p0 $0x0  }
0x55: {  	[sflag:s0] =	ssyncadd.s32 @!p0 s1  }
0x56: {  	[bflag:$0x3] =	sbarrier.arrive $0xFFFF  }
0x57: {  	_ =	shalt  }

// kernel: gather_offload_async_start.3
scs
__scs_entry_jumppad:
0x0: {  	(pc) =	sbr.rel $0x88, $3  }
0x1: {  	(tag) =	ssettag $0x0;
	lr =	simm.s32 $0x1  }
0x2: {  	[smem:$0x3F96] =	sst lr;
	_ =	strace $0xD0000000  }
0x3: {  	_ = 	snop  }
0x4: {  	_ = 	snop  }
0x5: {  	_ = 	snop  }
0x6: {  	_ = 	snop  }
0x7: {  	_ = 	snop  }
__scs_overlays_trampoline_lowered:
0x8: {  	[smem:$0x3FA5] =	sst s0  }
0x9: {  	[smem:$0x3FA6] =	sst s1  }
0xa: {  	[smem:$0x3FA7] =	sst s2  }
0xb: {  	[smem:$0x3FA8] =	sst s3  }
0xc: {  	[smem:$0x3FA9] =	sst s4  }
0xd: {  	[smem:$0x3FAA] =	sst s5  }
0xe: {  	[smem:$0x3FAB] =	sst s6  }
0xf: {  	[smem:$0x3FAC] =	sst s7  }
0x10: {  	[smem:$0x3FAD] =	sst s8  }
0x11: {  	[smem:$0x3FAE] =	sst s9;
	s0 =	simm.s32 @!p0 $0x0  }
0x12: {  	s1 =	sld [smem:$0x3F94];
	s0 =	simm.s32 @p0 $0x1  }
0x13: {  	[smem:$0x3FAF] =	sst s0;
	s0 =	simm.s32 @!p1 $0x0  }
0x14: {  	s2 =	sld [smem:$0x3F93];
	s0 =	simm.s32 @p1 $0x1  }
0x15: {  	[smem:$0x3FB0] =	sst s0;
	s0 =	simm.s32 @!p2 $0x0  }
0x16: {  	s3 =	sld [smem:$0x3FDB];
	s0 =	simm.s32 @p2 $0x1  }
0x17: {  	s4 =	simm.s32 $0x1BF5;
	[smem:$0x3FB2] =	sst s0  }
0x18: {  	s0 =	sld [smem:$0x3F95];
	_ =	swait.ge [sflag:s4], $0x0  }
0x19: {  	s7 =	sld [smem:$0x3F96]  }
0x1a: {  	s8 =	sadd.s32 $0xFFFFE003, lr  }
0x1b: {  	s9 =	sadd.s32 $0xFFFFFEF7, lr;
	s5 =	simm.s32 $0xFFFFFFFF;
	p2 =	slt.u32 s8, $0xFFFFF086  }
0x1c: {  	p1 =	slt.u32 s9, $0xF7A;
	s5 =	simm.s32 @!p2 $0x0  }
0x1d: {  	s5 =	simm.s32 @p1 $0x1;
	p0 =	seq.s32 s7, s2  }
0x1e: {  	s7 =	smul.u32 @!p0 $0xF7A, s2;
	p2 =	seq.s32 @!p0 s5, $0x0  }
0x1f: {  	s9 =	smul.u32 $0xF7A, s1;
	s8 =	simm.s32 @!p0 $0x1BF5;
	p2 =	por !p2, p0  }
0x20: {  	[sflag:s8] =	ssyncset.s32 @!p0 $0xFFFFF086;
	s6 =	sadd.s32 @!p0 s3, s7;
	s7 =	simm.s32 @!p0 $0x108  }
0x21: {  	s3 =	sadd.s32 s3, s9;
	s6 =	sadd.s32 @!p0 $0x88, s6;
	s7 =	simm.s32 @p2 $0x1082  }
0x22: {  	[simem:s7], [sflag:s8] =	dma.local @!p0 [hbm:s6], $0xF7A  }
0x23: {  	s9 =	sor.u32 $0xD0000000, s2;
	s6 =	simm.s32 $0x108;
	_ =	swait.ge @!p0 [sflag:s8], $0x0  }
0x24: {  	s3 =	sadd.s32 $0x88, s3;
	s6 =	simm.s32 @!p1 $0x1082;
	[sflag:s4] =	ssyncset.s32 $0xFFFFF086  }
0x25: {  	[simem:s6], [sflag:s4] =	dma.local [hbm:s3], $0xF7A  }
0x26: {  	[smem:$0x3F96] =	sst s1;
	(tag) =	ssettag s2;
	_ =	strace s9  }
0x27: {  	s1 =	sld [smem:$0x3FA6]  }
0x28: {  	s2 =	sld [smem:$0x3FA7]  }
0x29: {  	s4 =	sld [smem:$0x3FA9]  }
0x2a: {  	p0 =	seq.s32 s5, $0x0;
	s5 =	sld [smem:$0x3FAA]  }
0x2b: {  	s6 =	sld [smem:$0x3FAB]  }
0x2c: {  	s7 =	sld [smem:$0x3FAC]  }
0x2d: {  	s3 =	simm.s32 $0x108;
	s8 =	sld [smem:$0x3FAD]  }
0x2e: {  	s3 =	simm.s32 @!p0 $0x1082;
	s9 =	sld [smem:$0x3FAE]  }
0x2f: {  	lr =	sadd.s32 s0, s3;
	s0 =	sld [smem:$0x3FA5]  }
0x30: {  	s3 =	sld [smem:$0x3FA8]  }
0x31: {  	[smem:$0x3FB1] =	sst s10  }
0x32: {  	s10 =	sld [smem:$0x3FAF];
	_ =	sdelay $0x3  }
0x33: {  	p0 =	seq.s32 s10, $0x1;
	s10 =	sld [smem:$0x3FB1];
	_ =	sdelay $0x3  }
0x34: {  	[smem:$0x3FB1] =	sst s10  }
0x35: {  	s10 =	sld [smem:$0x3FB0];
	_ =	sdelay $0x3  }
0x36: {  	p1 =	seq.s32 s10, $0x1;
	s10 =	sld [smem:$0x3FB1];
	_ =	sdelay $0x3  }
0x37: {  	[smem:$0x3FB1] =	sst s10  }
0x38: {  	s10 =	sld [smem:$0x3FB2]  }
0x39: {  	_ = 	snop;
	(pc) =	sbr.ind lr, $3  }
0x3a: {  	_ = 	snop  }
0x3b: {  	_ = 	snop  }
0x3c: {  	p2 =	seq.s32 s10, $0x1;
	s10 =	sld [smem:$0x3FB1]  }
0x3d: {  	_ =	shalt  }
0x3e: {  	_ =	shalt  }
0x3f: {  	_ =	shalt  }
0x40: {  	_ =	shalt  }
0x41: {  	_ =	shalt  }
0x42: {  	_ =	shalt  }
0x43: {  	_ =	shalt  }
0x44: {  	_ =	shalt  }
0x45: {  	_ =	shalt  }
0x46: {  	_ =	shalt  }
0x47: {  	_ =	shalt  }
0x48: {  	_ =	shalt  }
0x49: {  	_ =	shalt  }
0x4a: {  	_ =	shalt  }
0x4b: {  	_ =	shalt  }
0x4c: {  	_ =	shalt  }
0x4d: {  	_ =	shalt  }
0x4e: {  	_ =	shalt  }
0x4f: {  	_ =	shalt  }
0x50: {  	_ =	shalt  }
0x51: {  	_ =	shalt  }
0x52: {  	_ =	shalt  }
0x53: {  	_ =	shalt  }
0x54: {  	_ =	shalt  }
0x55: {  	_ =	shalt  }
0x56: {  	_ =	shalt  }
0x57: {  	_ =	shalt  }
0x58: {  	_ =	shalt  }
0x59: {  	_ =	shalt  }
0x5a: {  	_ =	shalt  }
0x5b: {  	_ =	shalt  }
0x5c: {  	_ =	shalt  }
0x5d: {  	_ =	shalt  }
0x5e: {  	_ =	shalt  }
0x5f: {  	_ =	shalt  }
0x60: {  	_ =	shalt  }
0x61: {  	_ =	shalt  }
0x62: {  	_ =	shalt  }
0x63: {  	_ =	shalt  }
0x64: {  	_ =	shalt  }
0x65: {  	_ =	shalt  }
0x66: {  	_ =	shalt  }
0x67: {  	_ =	shalt  }
0x68: {  	_ =	shalt  }
0x69: {  	_ =	shalt  }
0x6a: {  	_ =	shalt  }
0x6b: {  	_ =	shalt  }
0x6c: {  	_ =	shalt  }
0x6d: {  	_ =	shalt  }
0x6e: {  	_ =	shalt  }
0x6f: {  	_ =	shalt  }
0x70: {  	_ =	shalt  }
0x71: {  	_ =	shalt  }
0x72: {  	_ =	shalt  }
0x73: {  	_ =	shalt  }
0x74: {  	_ =	shalt  }
0x75: {  	_ =	shalt  }
0x76: {  	_ =	shalt  }
0x77: {  	_ =	shalt  }
0x78: {  	_ =	shalt  }
0x79: {  	_ =	shalt  }
0x7a: {  	_ =	shalt  }
0x7b: {  	_ =	shalt  }
0x7c: {  	_ =	shalt  }
0x7d: {  	_ =	shalt  }
0x7e: {  	_ =	shalt  }
0x7f: {  	_ =	shalt  }
0x80: {  	_ =	shalt  }
0x81: {  	_ =	shalt  }
0x82: {  	_ =	shalt  }
0x83: {  	_ =	shalt  }
0x84: {  	_ =	shalt  }
0x85: {  	_ =	shalt  }
0x86: {  	_ =	shalt  }
0x87: {  	_ =	shalt  }
.Lfunc_end0:
.L_simem_size_0:
called_computation.3_lowered:
.L_overlay_start_0:
0x88: {  	s2 =	sld [smem:$0x3FD9]  }
0x89: {  	s3 =	sld [smem:$0x3FFE];
	_ =	sdelay $0x1  }
0x8a: {  	s1 =	srdreg.scid  }
0x8b: {  	s0 =	sand.u32 $0x1, s1  }
0x8c: {  	s16 =	sshll.u32 s0, $0xA;
	s2 =	sadd.s32 s3, s2  }
0x8d: {  	s2 =	sadd.s32 s2, s16  }
0x8e: {  	[smem:$0x3FBD] =	sst s2  }
0x8f: {  	_ = 	snop  }
0x90: {  	(tm) =	ssettm $0x1  }
0x91: {  	s17 =	sld [smem:$0x3FFB];
	_ =	sdelay $0x3  }
0x92: {  	_ =	strace s17  }
0x93: {  	s2 =	sld [smem:$0x3FFC];
	_ =	sdelay $0x3  }
0x94: {  	_ =	strace s2  }
0x95: {  	s2 =	sld [smem:$0x3FFD];
	_ =	sdelay $0x3  }
0x96: {  	_ =	strace s2  }
0x97: {  	_ =	strace $0x8FFFFFFF  }
0x98: {  	s18 =	sld [smem:$0x3FDB];
	_ =	sdelay $0x1  }
0x99: {  	s19 =	simm.s32 $_scs_section_size  }
0x9a: {  	s4 =	simm.s32 $_size__tile_overlayer_lowered;
	s5 =	simm.s32 $_tile_overlayer_lowered  }
0x9b: {  	s22 =	simm.s32 $0x1BFF;
	s21 =	sshll.u32 s5, $0x1;
	s2 =	sadd.s32 s19, s18  }
0x9c: {  	s6 =	simm.s32 $0x0;
	s20 =	sshll.u32 s4, $0x1;
	s4 =	sadd.s32 s21, s2  }
0x9d: {  	[timem:s6], [sflag:s22] =	dma.local [hbm:s4], s20  }
0x9e: {  	_ =	swait.ge [sflag:s22], s20  }
0x9f: {  	s3 =	ssub.s32 $0x0, s20;
	[sflag:s22] =	ssyncset.done $0x0  }
0xa0: {  	[sflag:s22] =	ssyncadd.s32 s3;
	_ =	sdelay $0x1  }
0xa1: {  	s23 =	simm.s32 $0x1B8B  }
0xa2: {  	_ =	swait.ge [sflag:s23], $0x1  }
0xa3: {  	[sflag:s23] =	ssyncset.done $0x0  }
0xa4: {  	s25 =	simm.s32 $0x1B8E;
	s24 =	sld [smem:$0x3FFE];
	[sflag:s23] =	ssyncadd.s32 $0xFFFFFFFF  }
0xa5: {  	s26 =	simm.s32 $execute0_lowered;
	[smem:$0x3FD2] =	sst s25  }
0xa6: {  	s4 =	sshll.u32 s26, $0x1;
	_ =	strace $0x8000004F;
	[dreg:$0x1] =	wrdreg $0xFFFFFFFF  }
0xa7: {  	s28 =	simm.s32 $_size_execute0_lowered;
	s2 =	sadd.s32 s2, s4;
	[dreg:$0x0] =	wrdreg $0x0  }
0xa8: {  	s4 =	sshll.u32 s28, $0x1;
	[dreg:$0x2] =	wrdreg s2  }
0xa9: {  	[dreg:$0x3] =	wrdreg s4  }
0xaa: {  	[dreg:$0x4] =	wrdreg $0xC0  }
0xab: {  	_ =	task [dreg:s6], $0x5FFFF  }
0xac: {  	[dreg:$0x1] =	wrdreg $0xFFFFFFFF  }
0xad: {  	[dreg:$0x0] =	wrdreg $0x60  }
0xae: {  	[dreg:$0x2] =	wrdreg s24  }
0xaf: {  	[dreg:$0x3] =	wrdreg $0x9  }
0xb0: {  	_ =	task.clear_ibuf [dreg:s6], $0x4FFFF;
	_ =	strace $0x9000004F  }
0xb1: {  	s29 =	simm.s32 $0x9;
	_ =	strace $0x80000051  }
0xb2: {  	_ =	swait.ge [sflag:s29], $0x1  }
0xb3: {  	[sflag:s29] =	ssyncadd.s32 $0xFFFFFFFF  }
0xb4: {  	_ =	strace $0x90000051  }
0xb5: {  	_ =	sfence  }
0xb6: {  	s30 =	sld [smem:$0x0];
	_ =	sdelay $0x2  }
0xb7: {  	s31 =	sshll.u32 s1, $0xD;
	s1 =	sshrl.u32 s1, $0x2  }
0xb8: {  	s3 =	sand.u32 $0x4000, s31;
	s1 =	sadd.s32 s1, s30  }
0xb9: {  	s0 =	sor.u32 s3, s0;
	s1 =	sshll.u32 s1, $0x11  }
0xba: {  	s0 =	sor.u32 s1, s0  }
0xbb: {  	s0 =	sadd.s32 $0x8F2B, s0  }
0xbc: {  	[sflag:s0] =	ssyncadd.remote.s32 $0x1  }
0xbd: {  	_ =	sfence.sel $0xFFFF  }
0xbe: {  	[dreg:$0x0] =	wrdreg $0xFFFFFFFF;
	(pc) =	sbr.abs _section_cstart, $3  }
0xbf: {  	[dreg:$0x1] =	wrdreg $0xFFFFFFFF  }
0xc0: {  	_ =	task.clear_ibuf [dreg:s6], $0x2FFFF;
	_ =	strace $0x9FFFFFFF  }
0xc1: {  	(tm) =	ssettm $0x7FFFFFFF  }
tec
execute0_lowered:
.L_overlay_start_1:
0x0: {  	(tag) =	ssettag $0x1  }
0x1: {  	s2 =	rddreg [dreg:$0x0]  }
0x2: {  	s0 =	rddreg [dreg:$0x1]  }
0x3: {  	s1 =	srdreg.scid;
	_ =	strace $0x80000050;
	s4 =	simm.s32 $0x1  }
0x4: {  	s9 =	simm.s32 $0x3;
	s11 =	simm.s32 $0x0;
	s5 =	sshll.u32 s1, $0x4  }
.Ltmp0:
0x5: {  	s1 =	stileid.u32;
	s5 =	sand.u32 $0x10, s5;
	(pc) =	sbr.rel .LBB2_1-.Ltmp0, $4  }
0x6: {  	p0 =	por $0x0, $0x0;
	s3 =	sadd.s32 $0x100600, s2;
	s6 =	sor.u32 s1, s5  }
0x7: {  	[sflag:s4] =	ssyncpa.u1 $0x0;
	s5 =	simm.s32 $0x2;
	s6 =	sshll.u32 s6, $0x7  }
0x8: {  	s7 =	sadd.s32 $0x40000, s2;
	[sflag:s5] =	ssyncpa.u1 $0x0;
	s8 =	sadd.s32 $0x80, s6  }
0x9: {  	vm0 =	vmmov $0xffff;
	[sflag:s9] =	ssyncpa.u1 $0x0;
	s10 =	smov.u32 s6;
	s9 =	simm.s32 $0x0  }
.LBB2_7:
0xa: {  	p1 =	slt.u32 s9, $0x2;
	s11 =	sadd.s32 $0x40, s10  }
0xb: {  	s13 =	smov.u32 s6;
	s9 =	sadd.s32 $0x1, s9;
	p2 =	slt.s32 s11, s8  }
0xc: {  	s13 =	smov.u32 @p2 s11;
	p2 =	sne.s32 s9, $0x4  }
.Ltmp1:
0xd: {  	_ = 	snop;
	(pc) =	sbr.rel @!p2 .LBB2_8-.Ltmp1, $4  }
0xe: {  	s12 =	simm.s32 @!p1 $0x3  }
0xf: {  	_ =	swait.ge @!p1 [sflag:s12], $0x8000  }
0x10: {  	p0 =	por !p0, !p0;
	[sflag:s12] =	ssyncset.done @!p1 $0x0  }
0x11: {  	s11 =	smov.u32 s10;
	s10 =	smov.u32 s13;
	[sflag:s12] =	ssyncadd.s32 @!p1 $0xFFFF8000  }
.LBB2_1:
0x12: {  	p1 =	sgt.u32 s9, $0x1  }
0x13: {  	s12 =	sshll.u32 @!p1 s9, $0x6;
	s13 =	sshrl.u32 @!p1 s10, $0x3  }
0x14: {  	s14 =	sand.u32 @!p1 $0x7, s10;
	s12 =	sxor.u32 @!p1 $0x40, s12;
	s13 =	sadd.s32 @!p1 s3, s13  }
0x15: {  	[tilespmem:s12], [sflag:$0x2] =	stream.linear.gather @!p1 [hbm4b:s13+s14], $0x40, $0x38;
	[tilespmem:$0x10080] =	vst v63  }
0x16: {  	p1 =	seq.s32 s9, $0x0  }
0x17: {  	p2 =	seq.s32 @!p1 s9, $0x3  }
0x18: {  	p1 =	por p1, p2  }
.Ltmp2:
0x19: {  	_ = 	snop;
	(pc) =	sbr.rel @p1 .LBB2_7-.Ltmp2, $1  }
0x1a: {  	_ =	sdelay $0x3  }
0x1b: {  	s12 =	simm.s32 $0x1  }
0x1c: {  	_ =	swait.ge [sflag:s5], $0x40;
	s12 =	simm.s32 @!p0 $0x0  }
0x1d: {  	[sflag:s5] =	ssyncset.done $0x0;
	s13 =	sshll.u32 s12, $0x6  }
0x1e: {  	[sflag:s5] =	ssyncadd.s32 $0xFFFFFFC0;
	s14 =	sadd.s32 $0x0, s13  }
0x1f: {  	v0 =	vld.msk [tilespmem:s14+$0x0 ss:$0x1], $0xffff;
	_ =	sdelay $0x4  }
0x20: {  	vm1 =	vgt.s32 v0, $0x0  }
0x21: {  	v0 =	vnsel vm1, $0x0, v0  }
0x22: {  	v0 =	vmin.u32 v0, $0xFFF  }
0x23: {  	v0 =	vshll.u32 v0, $0x6;
	_ =	sdelay $0x2  }
0x24: {  	s12 =	sshll.u32 s12, $0xF  }
0x25: {  	s12 =	sor.u32 $0x80, s12;
	s31 =	sadd.s32 $0x10, s13  }
0x26: {  	[tilespmem:s12], [sflag:$0x1] =	stream.indirect_vreg.gather [hbm:s2], $0x200, v0, vm0, $0x38;
	[tilespmem:$0x10080] =	vst v63  }
0x27: {  	s15 =	simm.s32 $0x80;
	s14 =	smov.u32 s12;
	v0 =	vld.msk [tilespmem:s31+$0x0 ss:$0x1], $0xffff  }
.LBB2_3:
0x28: {  	p1 =	sne.s32 s15, $0xC0;
	_ =	sdelay $0x4  }
0x29: {  	vm1 =	vgt.s32 v0, $0x0  }
0x2a: {  	v0 =	vnsel vm1, $0x0, v0  }
0x2b: {  	v0 =	vmin.u32 v0, $0xFFF  }
0x2c: {  	v0 =	vshll.u32 v0, $0x6;
	_ =	sdelay $0x1  }
.Ltmp3:
0x2d: {  	(pc) =	sbr.rel @p1 .LBB2_3-.Ltmp3, $4  }
0x2e: {  	s16 =	sshra.s32 s15, $0x2  }
0x2f: {  	s14 =	sadd.s32 $0x2000, s14;
	s16 =	sadd.s32 s16, s13  }
0x30: {  	[tilespmem:s14], [sflag:$0x1] =	stream.indirect_vreg.gather [hbm:s2], $0x200, v0, vm0, $0x38;
	[tilespmem:$0x10080] =	vst v63  }
0x31: {  	s15 =	sadd.s32 $0x40, s15;
	v0 =	vld.msk [tilespmem:s16+$0x0 ss:$0x1], $0xffff  }
0x32: {  	_ =	sdelay $0x3  }
0x33: {  	vm1 =	vgt.s32 v0, $0x0  }
0x34: {  	v0 =	vnsel vm1, $0x0, v0  }
0x35: {  	v0 =	vmin.u32 v0, $0xFFF  }
0x36: {  	v0 =	vshll.u32 v0, $0x6;
	_ =	sdelay $0x3  }
0x37: {  	s13 =	sadd.s32 $0x2000, s14  }
0x38: {  	[tilespmem:s13], [sflag:$0x1] =	stream.indirect_vreg.gather [hbm:s2], $0x200, v0, vm0, $0x38;
	[tilespmem:$0x10080] =	vst v63  }
0x39: {  	s11 =	sshll.u32 s11, $0x6;
	_ =	swait.ge [sflag:s4], $0x8000  }
0x3a: {  	s14 =	sadd.s32 $0x200, s12;
	s11 =	sadd.s32 s11, s7;
	[sflag:s4] =	ssyncset.done $0x0  }
0x3b: {  	s15 =	sadd.s32 $0x0, s11;
	s13 =	simm.s32 $0x40;
	[sflag:s4] =	ssyncadd.s32 $0xFFFF8000  }
.LBB2_5:
0x3c: {  	[hbm:s15] =	stream.linear.scatter [tilespmem:s12], [sflag:$0x3], $0x200, $0x38;
	[tilespmem:$0x10080] =	vst v63  }
0x3d: {  	s15 =	smov.u32 s13;
	s12 =	smov.u32 s14;
	p1 =	sne.s32 s13, $0xFC0  }
.Ltmp4:
0x3e: {  	s13 =	sadd.s32 $0x40, s13;
	(pc) =	sbr.rel @p1 .LBB2_5-.Ltmp4, $2  }
0x3f: {  	_ =	sdelay $0x2  }
0x40: {  	s14 =	sadd.s32 $0x200, s14;
	s15 =	sadd.s32 s15, s11  }
.Ltmp5:
0x41: {  	(pc) =	sbr.rel .LBB2_7-.Ltmp5, $2  }
0x42: {  	_ =	sdelay $0x2  }
0x43: {  	[hbm:s15] =	stream.linear.scatter [tilespmem:s12], [sflag:$0x3], $0x200, $0x38;
	[tilespmem:$0x10080] =	vst v63  }
.LBB2_8:
0x44: {  	_ =	sfence.sel $0x180000  }
0x45: {  	s2 =	simm.s32 $0x2;
	[bflag:$0x0] =	sbarrier.arrive $0xFFFF  }
0x46: {  	s30 =	simm.s32 $0x3;
	[sflag:s2] =	ssyncpa.u1 $0x1  }
0x47: {  	s31 =	simm.s32 $0x1;
	[sflag:s30] =	ssyncpa.u1 $0x1  }
0x48: {  	[sflag:s31] =	ssyncpa.u1 $0x1  }
0x49: {  	p0 =	sne.s32 s1, $0x0;
	_ =	strace $0x90000050  }
0x4a: {  	s0 =	sadd.s32 @!p0 $0x100000, s0;
	[bflag:$0x2] =	sbarrier.arrive $0xFFFF  }
0x4b: {  	[sflag:s0] =	ssyncadd.tile.s32 @!p0 $0x1;
	_ =	shalt  }
.Lfunc_end2:
_tile_overlayer_lowered:
.L_overlay_start_2:
0x4c: {  	(tag) =	ssettag $0x2  }
0x4d: {  	s0 =	rddreg [dreg:$0x0];
	s2 =	stileid.u32  }
0x4e: {  	s1 =	rddreg [dreg:$0x1];
	p0 =	sne.s32 s2, $0x0  }
0x4f: {  	s3 =	rddreg [dreg:$0x2];
	[bflag:$0x3] =	sbarrier.arrive $0xFFFF;
	s2 =	simm.s32 @!p0 $0x1C01  }
0x50: {  	[timem:s3], [sflag:s2] =	dma.local @!p0 [hbm:s0], s1  }
0x51: {  	s0 =	simm.s32 @!p0 $0x1  }
0x52: {  	_ =	swait.ge @!p0 [sflag:s0], s1  }
0x53: {  	s1 =	ssub.s32 @!p0 $0x0, s1;
	[sflag:s0] =	ssyncset.done @!p0 $0x0  }
0x54: {  	[sflag:s0] =	ssyncadd.s32 @!p0 s1  }
0x55: {  	[bflag:$0x3] =	sbarrier.arrive $0xFFFF  }
0x56: {  	_ =	shalt  }

// kernel: gather_offload_async_start
scs
__scs_entry_jumppad:
0x0: {  	(pc) =	sbr.rel $0x88, $3  }
0x1: {  	(tag) =	ssettag $0x0;
	lr =	simm.s32 $0x1  }
0x2: {  	[smem:$0x3F96] =	sst lr;
	_ =	strace $0xD0000000  }
0x3: {  	_ = 	snop  }
0x4: {  	_ = 	snop  }
0x5: {  	_ = 	snop  }
0x6: {  	_ = 	snop  }
0x7: {  	_ = 	snop  }
__scs_overlays_trampoline_lowered:
0x8: {  	[smem:$0x3FA5] =	sst s0  }
0x9: {  	[smem:$0x3FA6] =	sst s1  }
0xa: {  	[smem:$0x3FA7] =	sst s2  }
0xb: {  	[smem:$0x3FA8] =	sst s3  }
0xc: {  	[smem:$0x3FA9] =	sst s4  }
0xd: {  	[smem:$0x3FAA] =	sst s5  }
0xe: {  	[smem:$0x3FAB] =	sst s6  }
0xf: {  	[smem:$0x3FAC] =	sst s7  }
0x10: {  	[smem:$0x3FAD] =	sst s8  }
0x11: {  	[smem:$0x3FAE] =	sst s9;
	s0 =	simm.s32 @!p0 $0x0  }
0x12: {  	s1 =	sld [smem:$0x3F94];
	s0 =	simm.s32 @p0 $0x1  }
0x13: {  	[smem:$0x3FAF] =	sst s0;
	s0 =	simm.s32 @!p1 $0x0  }
0x14: {  	s2 =	sld [smem:$0x3F93];
	s0 =	simm.s32 @p1 $0x1  }
0x15: {  	[smem:$0x3FB0] =	sst s0;
	s0 =	simm.s32 @!p2 $0x0  }
0x16: {  	s3 =	sld [smem:$0x3FDB];
	s0 =	simm.s32 @p2 $0x1  }
0x17: {  	s4 =	simm.s32 $0x1BF5;
	[smem:$0x3FB2] =	sst s0  }
0x18: {  	s0 =	sld [smem:$0x3F95];
	_ =	swait.ge [sflag:s4], $0x0  }
0x19: {  	s7 =	sld [smem:$0x3F96]  }
0x1a: {  	s8 =	sadd.s32 $0xFFFFE003, lr  }
0x1b: {  	s9 =	sadd.s32 $0xFFFFFEF7, lr;
	s5 =	simm.s32 $0xFFFFFFFF;
	p2 =	slt.u32 s8, $0xFFFFF086  }
0x1c: {  	p1 =	slt.u32 s9, $0xF7A;
	s5 =	simm.s32 @!p2 $0x0  }
0x1d: {  	s5 =	simm.s32 @p1 $0x1;
	p0 =	seq.s32 s7, s2  }
0x1e: {  	s7 =	smul.u32 @!p0 $0xF7A, s2;
	p2 =	seq.s32 @!p0 s5, $0x0  }
0x1f: {  	s9 =	smul.u32 $0xF7A, s1;
	s8 =	simm.s32 @!p0 $0x1BF5;
	p2 =	por !p2, p0  }
0x20: {  	[sflag:s8] =	ssyncset.s32 @!p0 $0xFFFFF086;
	s6 =	sadd.s32 @!p0 s3, s7;
	s7 =	simm.s32 @!p0 $0x108  }
0x21: {  	s3 =	sadd.s32 s3, s9;
	s6 =	sadd.s32 @!p0 $0x88, s6;
	s7 =	simm.s32 @p2 $0x1082  }
0x22: {  	[simem:s7], [sflag:s8] =	dma.local @!p0 [hbm:s6], $0xF7A  }
0x23: {  	s9 =	sor.u32 $0xD0000000, s2;
	s6 =	simm.s32 $0x108;
	_ =	swait.ge @!p0 [sflag:s8], $0x0  }
0x24: {  	s3 =	sadd.s32 $0x88, s3;
	s6 =	simm.s32 @!p1 $0x1082;
	[sflag:s4] =	ssyncset.s32 $0xFFFFF086  }
0x25: {  	[simem:s6], [sflag:s4] =	dma.local [hbm:s3], $0xF7A  }
0x26: {  	[smem:$0x3F96] =	sst s1;
	(tag) =	ssettag s2;
	_ =	strace s9  }
0x27: {  	s1 =	sld [smem:$0x3FA6]  }
0x28: {  	s2 =	sld [smem:$0x3FA7]  }
0x29: {  	s4 =	sld [smem:$0x3FA9]  }
0x2a: {  	p0 =	seq.s32 s5, $0x0;
	s5 =	sld [smem:$0x3FAA]  }
0x2b: {  	s6 =	sld [smem:$0x3FAB]  }
0x2c: {  	s7 =	sld [smem:$0x3FAC]  }
0x2d: {  	s3 =	simm.s32 $0x108;
	s8 =	sld [smem:$0x3FAD]  }
0x2e: {  	s3 =	simm.s32 @!p0 $0x1082;
	s9 =	sld [smem:$0x3FAE]  }
0x2f: {  	lr =	sadd.s32 s0, s3;
	s0 =	sld [smem:$0x3FA5]  }
0x30: {  	s3 =	sld [smem:$0x3FA8]  }
0x31: {  	[smem:$0x3FB1] =	sst s10  }
0x32: {  	s10 =	sld [smem:$0x3FAF];
	_ =	sdelay $0x3  }
0x33: {  	p0 =	seq.s32 s10, $0x1;
	s10 =	sld [smem:$0x3FB1];
	_ =	sdelay $0x3  }
0x34: {  	[smem:$0x3FB1] =	sst s10  }
0x35: {  	s10 =	sld [smem:$0x3FB0];
	_ =	sdelay $0x3  }
0x36: {  	p1 =	seq.s32 s10, $0x1;
	s10 =	sld [smem:$0x3FB1];
	_ =	sdelay $0x3  }
0x37: {  	[smem:$0x3FB1] =	sst s10  }
0x38: {  	s10 =	sld [smem:$0x3FB2]  }
0x39: {  	_ = 	snop;
	(pc) =	sbr.ind lr, $3  }
0x3a: {  	_ = 	snop  }
0x3b: {  	_ = 	snop  }
0x3c: {  	p2 =	seq.s32 s10, $0x1;
	s10 =	sld [smem:$0x3FB1]  }
0x3d: {  	_ =	shalt  }
0x3e: {  	_ =	shalt  }
0x3f: {  	_ =	shalt  }
0x40: {  	_ =	shalt  }
0x41: {  	_ =	shalt  }
0x42: {  	_ =	shalt  }
0x43: {  	_ =	shalt  }
0x44: {  	_ =	shalt  }
0x45: {  	_ =	shalt  }
0x46: {  	_ =	shalt  }
0x47: {  	_ =	shalt  }
0x48: {  	_ =	shalt  }
0x49: {  	_ =	shalt  }
0x4a: {  	_ =	shalt  }
0x4b: {  	_ =	shalt  }
0x4c: {  	_ =	shalt  }
0x4d: {  	_ =	shalt  }
0x4e: {  	_ =	shalt  }
0x4f: {  	_ =	shalt  }
0x50: {  	_ =	shalt  }
0x51: {  	_ =	shalt  }
0x52: {  	_ =	shalt  }
0x53: {  	_ =	shalt  }
0x54: {  	_ =	shalt  }
0x55: {  	_ =	shalt  }
0x56: {  	_ =	shalt  }
0x57: {  	_ =	shalt  }
0x58: {  	_ =	shalt  }
0x59: {  	_ =	shalt  }
0x5a: {  	_ =	shalt  }
0x5b: {  	_ =	shalt  }
0x5c: {  	_ =	shalt  }
0x5d: {  	_ =	shalt  }
0x5e: {  	_ =	shalt  }
0x5f: {  	_ =	shalt  }
0x60: {  	_ =	shalt  }
0x61: {  	_ =	shalt  }
0x62: {  	_ =	shalt  }
0x63: {  	_ =	shalt  }
0x64: {  	_ =	shalt  }
0x65: {  	_ =	shalt  }
0x66: {  	_ =	shalt  }
0x67: {  	_ =	shalt  }
0x68: {  	_ =	shalt  }
0x69: {  	_ =	shalt  }
0x6a: {  	_ =	shalt  }
0x6b: {  	_ =	shalt  }
0x6c: {  	_ =	shalt  }
0x6d: {  	_ =	shalt  }
0x6e: {  	_ =	shalt  }
0x6f: {  	_ =	shalt  }
0x70: {  	_ =	shalt  }
0x71: {  	_ =	shalt  }
0x72: {  	_ =	shalt  }
0x73: {  	_ =	shalt  }
0x74: {  	_ =	shalt  }
0x75: {  	_ =	shalt  }
0x76: {  	_ =	shalt  }
0x77: {  	_ =	shalt  }
0x78: {  	_ =	shalt  }
0x79: {  	_ =	shalt  }
0x7a: {  	_ =	shalt  }
0x7b: {  	_ =	shalt  }
0x7c: {  	_ =	shalt  }
0x7d: {  	_ =	shalt  }
0x7e: {  	_ =	shalt  }
0x7f: {  	_ =	shalt  }
0x80: {  	_ =	shalt  }
0x81: {  	_ =	shalt  }
0x82: {  	_ =	shalt  }
0x83: {  	_ =	shalt  }
0x84: {  	_ =	shalt  }
0x85: {  	_ =	shalt  }
0x86: {  	_ =	shalt  }
0x87: {  	_ =	shalt  }
.Lfunc_end0:
.L_simem_size_0:
called_computation_lowered:
.L_overlay_start_0:
0x88: {  	s2 =	sld [smem:$0x3FD9]  }
0x89: {  	s3 =	sld [smem:$0x3FFE];
	_ =	sdelay $0x1  }
0x8a: {  	s1 =	srdreg.scid  }
0x8b: {  	s0 =	sand.u32 $0x1, s1  }
0x8c: {  	s17 =	sshll.u32 s0, $0xA;
	s2 =	sadd.s32 s3, s2  }
0x8d: {  	s2 =	sadd.s32 s2, s17  }
0x8e: {  	[smem:$0x3FBD] =	sst s2  }
0x8f: {  	_ = 	snop  }
0x90: {  	s18 =	sld [smem:$0x3FD0];
	(tm) =	ssettm $0x1  }
0x91: {  	s19 =	sld [smem:$0x3FFB];
	_ =	sdelay $0x3  }
0x92: {  	_ =	strace s19  }
0x93: {  	s2 =	sld [smem:$0x3FFC];
	_ =	sdelay $0x3  }
0x94: {  	_ =	strace s2  }
0x95: {  	s2 =	sld [smem:$0x3FFD];
	_ =	sdelay $0x3  }
0x96: {  	_ =	strace s2  }
0x97: {  	_ =	strace $0x8FFFFFFF  }
0x98: {  	s20 =	sld [smem:$0x3FDB];
	_ =	sdelay $0x1  }
0x99: {  	s4 =	simm.s32 $_scs_section_size  }
0x9a: {  	s5 =	simm.s32 $_size__tile_overlayer_lowered;
	s6 =	simm.s32 $_tile_overlayer_lowered  }
0x9b: {  	s7 =	simm.s32 $0x1BFF;
	s21 =	sshll.u32 s6, $0x1;
	s4 =	sadd.s32 s4, s20  }
0x9c: {  	s22 =	simm.s32 $0x0;
	s5 =	sshll.u32 s5, $0x1;
	s6 =	sadd.s32 s21, s4  }
0x9d: {  	[timem:s22], [sflag:s7] =	dma.local [hbm:s6], s5  }
0x9e: {  	_ =	swait.ge [sflag:s7], s5  }
0x9f: {  	s5 =	ssub.s32 $0x0, s5;
	[sflag:s7] =	ssyncset.done $0x0  }
0xa0: {  	[sflag:s7] =	ssyncadd.s32 s5;
	_ =	sdelay $0x1  }
0xa1: {  	s23 =	simm.s32 $0x1B8B  }
0xa2: {  	_ =	swait.ge [sflag:s23], $0x1  }
0xa3: {  	[sflag:s23] =	ssyncset.done $0x0  }
0xa4: {  	[sflag:s23] =	ssyncadd.s32 $0xFFFFFFFF  }
0xa5: {  	s5 =	sld [smem:$0x0]  }
0xa6: {  	s6 =	sand.u32 $0xFFFFFFFE, s1  }
0xa7: {  	p0 =	sne.s32 s1, s6  }
0xa8: {  	s6 =	sshll.u32 @p0 s6, $0xE  }
0xa9: {  	s6 =	sadd.s32 @p0 $0x11B8D, s6;
	s7 =	sshll.u32 @p0 s5, $0x11  }
0xaa: {  	s6 =	sor.u32 @p0 s7, s6  }
0xab: {  	[sflag:s6] =	ssyncadd.remote.s32 @p0 $0x1;
	_ =	sdelay $0x1  }
0xac: {  	s6 =	simm.s32 @p0 $0x1B8D  }
0xad: {  	_ =	swait.eq @p0 [sflag:s6], $0x1  }
0xae: {  	[sflag:s6] =	ssyncadd.s32 @p0 $0xFFFFFFFF  }
0xaf: {  	s7 =	sshll.u32 @!p0 s1, $0xE  }
0xb0: {  	s7 =	sor.u32 @!p0 $0x4000, s7;
	s6 =	simm.s32 @!p0 $0x1B8D  }
0xb1: {  	s5 =	sshll.u32 @!p0 s5, $0x11;
	s7 =	sadd.s32 @!p0 $0x11B8D, s7;
	_ =	swait.eq @!p0 [sflag:s6], $0x1  }
0xb2: {  	s5 =	sor.u32 @!p0 s5, s7;
	[sflag:s6] =	ssyncadd.s32 @!p0 $0xFFFFFFFF  }
0xb3: {  	s25 =	simm.s32 $0x1B8E;
	s24 =	sld [smem:$0x3FFE];
	[sflag:s5] =	ssyncadd.remote.s32 @!p0 $0x1  }
0xb4: {  	s26 =	simm.s32 $execute0_lowered;
	[smem:$0x3FD2] =	sst s25  }
0xb5: {  	s6 =	sshll.u32 s26, $0x1;
	_ =	strace $0x80000049;
	[dreg:$0x1] =	wrdreg $0xFFFFFFFF  }
0xb6: {  	s28 =	simm.s32 $_size_execute0_lowered;
	s4 =	sadd.s32 s4, s6;
	[dreg:$0x0] =	wrdreg $0x0  }
0xb7: {  	s6 =	sshll.u32 s28, $0x1;
	[dreg:$0x2] =	wrdreg s4  }
0xb8: {  	[dreg:$0x3] =	wrdreg s6  }
0xb9: {  	[dreg:$0x4] =	wrdreg $0xC0  }
0xba: {  	_ =	task [dreg:s22], $0x5FFFF  }
0xbb: {  	[dreg:$0x1] =	wrdreg $0xFFFFFFFF  }
0xbc: {  	[dreg:$0x0] =	wrdreg $0x60  }
0xbd: {  	[dreg:$0x2] =	wrdreg s18  }
0xbe: {  	[dreg:$0x3] =	wrdreg s24  }
0xbf: {  	[dreg:$0x4] =	wrdreg $0x9  }
0xc0: {  	_ =	task.clear_ibuf [dreg:s22], $0x5FFFF;
	_ =	strace $0x90000049  }
0xc1: {  	s29 =	simm.s32 $0x9;
	_ =	strace $0x8000004B  }
0xc2: {  	_ =	swait.ge [sflag:s29], $0x1  }
0xc3: {  	[sflag:s29] =	ssyncadd.s32 $0xFFFFFFFF  }
0xc4: {  	_ =	strace $0x9000004B  }
0xc5: {  	_ =	sfence  }
0xc6: {  	s30 =	sld [smem:$0x0];
	_ =	sdelay $0x2  }
0xc7: {  	s31 =	sshll.u32 s1, $0xD;
	s1 =	sshrl.u32 s1, $0x2  }
0xc8: {  	s4 =	sand.u32 $0x4000, s31;
	s1 =	sadd.s32 s1, s30  }
0xc9: {  	s0 =	sor.u32 s4, s0;
	s1 =	sshll.u32 s1, $0x11  }
0xca: {  	s0 =	sor.u32 s1, s0  }
0xcb: {  	s0 =	sadd.s32 $0x8F2B, s0  }
0xcc: {  	[sflag:s0] =	ssyncadd.remote.s32 $0x1  }
0xcd: {  	_ =	sfence.sel $0xFFFF  }
0xce: {  	[dreg:$0x0] =	wrdreg $0xFFFFFFFF;
	(pc) =	sbr.abs _section_cstart, $3  }
0xcf: {  	[dreg:$0x1] =	wrdreg $0xFFFFFFFF  }
0xd0: {  	_ =	task.clear_ibuf [dreg:s22], $0x2FFFF;
	_ =	strace $0x9FFFFFFF  }
0xd1: {  	(tm) =	ssettm $0x7FFFFFFF  }
tec
execute0_lowered:
.L_overlay_start_1:
0x0: {  	(tag) =	ssettag $0x1  }
0x1: {  	s2 =	rddreg [dreg:$0x0]  }
0x2: {  	s3 =	rddreg [dreg:$0x1]  }
0x3: {  	s0 =	rddreg [dreg:$0x2];
	s1 =	srdreg.scid;
	_ =	strace $0x8000004A  }
0x4: {  	s4 =	simm.s32 $0x1;
	s9 =	simm.s32 $0x3;
	s5 =	sshll.u32 s1, $0x4  }
.Ltmp0:
0x5: {  	s1 =	stileid.u32;
	s5 =	sand.u32 $0x10, s5;
	(pc) =	sbr.rel .LBB2_1-.Ltmp0, $4  }
0x6: {  	s12 =	simm.s32 $0x0;
	s10 =	simm.s32 $0x0;
	s6 =	sor.u32 s1, s5  }
0x7: {  	[sflag:s4] =	ssyncpa.u1 $0x0;
	s5 =	simm.s32 $0x2;
	s6 =	sshll.u32 s6, $0x8  }
0x8: {  	s7 =	sadd.s32 $0x100800, s3;
	[sflag:s5] =	ssyncpa.u1 $0x0;
	s8 =	sadd.s32 $0x100, s6  }
0x9: {  	vm0 =	vmmov $0xff;
	vm1 =	vcmask $0x3F20;
	[sflag:s9] =	ssyncpa.u1 $0x0;
	s9 =	simm.s32 $0x100;
	s11 =	smov.u32 s6  }
.LBB2_9:
0xa: {  	p0 =	seq.s32 s10, $0x2  }
.Ltmp1:
0xb: {  	_ = 	snop;
	(pc) =	sbr.rel @p0 .LBB2_11-.Ltmp1, $1  }
0xc: {  	_ =	sdelay $0x3  }
.LBB2_10:
0xd: {  	s12 =	sadd.s32 $0x100, s11  }
0xe: {  	s13 =	smov.u32 s6;
	p0 =	slt.s32 s12, s8  }
0xf: {  	s13 =	smov.u32 @p0 s12  }
0x10: {  	s10 =	sadd.s32 $0x1, s10;
	s12 =	smov.u32 s11;
	s11 =	smov.u32 s13  }
.LBB2_1:
0x11: {  	p0 =	sne.s32 s10, $0x0  }
.Ltmp2:
0x12: {  	_ = 	snop;
	(pc) =	sbr.rel @!p0 .LBB2_2-.Ltmp2, $1  }
0x13: {  	_ =	sdelay $0x3  }
0x14: {  	s13 =	sand.u32 $0x1, s10  }
0x15: {  	p0 =	seq.s32 s13, $0x0  }
.Ltmp3:
0x16: {  	_ = 	snop;
	(pc) =	sbr.rel @p0 .LBB2_9-.Ltmp3, $1  }
0x17: {  	_ =	sdelay $0x3  }
0x18: {  	_ =	swait.ge [sflag:s5], $0x100  }
0x19: {  	[sflag:s5] =	ssyncset.done $0x0  }
0x1a: {  	s13 =	simm.s32 $0x0;
	[sflag:s5] =	ssyncadd.s32 $0xFFFFFF00  }
0x1b: {  	v0 =	vld.msk [tilespmem:s13+$0x100 ss:$0x1], $0xffff;
	_ =	sdelay $0x4  }
0x1c: {  	vm2 =	vgt.s32 v0, $0x0  }
0x1d: {  	v0 =	vnsel vm2, $0x0, v0  }
0x1e: {  	v0 =	vmin.u32 v0, $0x1FFF  }
0x1f: {  	v0 =	vshll.u32 v0, $0x4;
	_ =	sdelay $0x3  }
0x20: {  	s13 =	simm.s32 $0x8200  }
0x21: {  	[tilespmem:s13], [sflag:$0x1] =	stream.indirect_vreg.gather [hbm:s2], $0x80, v0, vm0, $0x38;
	[tilespmem:$0x10200] =	vst v63  }
0x22: {  	s14 =	simm.s32 $0x8600;
	s31 =	simm.s32 $0x10  }
0x23: {  	[tilespmem:s14], [sflag:$0x1] =	stream.indirect_vreg.gather [hbm:s2], $0x80, v0, vm1, $0x38;
	[tilespmem:$0x10200] =	vst v63  }
0x24: {  	s14 =	simm.s32 $0x80;
	v0 =	vld.msk [tilespmem:s31+$0x100 ss:$0x1], $0xffff  }
.LBB2_5:
0x25: {  	p0 =	sne.s32 s14, $0x3C0;
	_ =	sdelay $0x4  }
0x26: {  	vm2 =	vgt.s32 v0, $0x0  }
0x27: {  	v0 =	vnsel vm2, $0x0, v0  }
0x28: {  	v0 =	vmin.u32 v0, $0x1FFF  }
0x29: {  	v0 =	vshll.u32 v0, $0x4;
	_ =	sdelay $0x3  }
.Ltmp4:
0x2a: {  	s13 =	sadd.s32 $0x800, s13;
	(pc) =	sbr.rel @p0 .LBB2_5-.Ltmp4, $4  }
0x2b: {  	[tilespmem:s13], [sflag:$0x1] =	stream.indirect_vreg.gather [hbm:s2], $0x80, v0, vm0, $0x38;
	[tilespmem:$0x10200] =	vst v63  }
0x2c: {  	s15 =	sshra.s32 s14, $0x2;
	s16 =	sadd.s32 $0x400, s13  }
0x2d: {  	[tilespmem:s16], [sflag:$0x1] =	stream.indirect_vreg.gather [hbm:s2], $0x80, v0, vm1, $0x38;
	[tilespmem:$0x10200] =	vst v63  }
0x2e: {  	s14 =	sadd.s32 $0x40, s14;
	v0 =	vld.msk [tilespmem:s15+$0x100 ss:$0x1], $0xffff  }
0x2f: {  	_ =	sdelay $0x3  }
0x30: {  	vm2 =	vgt.s32 v0, $0x0  }
0x31: {  	v0 =	vnsel vm2, $0x0, v0  }
0x32: {  	v0 =	vmin.u32 v0, $0x1FFF  }
0x33: {  	v0 =	vshll.u32 v0, $0x4;
	_ =	sdelay $0x3  }
0x34: {  	s13 =	sadd.s32 $0x800, s13  }
0x35: {  	[tilespmem:s13], [sflag:$0x1] =	stream.indirect_vreg.gather [hbm:s2], $0x80, v0, vm0, $0x38;
	[tilespmem:$0x10200] =	vst v63  }
0x36: {  	s13 =	sadd.s32 $0x400, s13  }
0x37: {  	[tilespmem:s13], [sflag:$0x1] =	stream.indirect_vreg.gather [hbm:s2], $0x80, v0, vm1, $0x38;
	[tilespmem:$0x10200] =	vst v63  }
0x38: {  	s12 =	sshll.u32 s12, $0x4;
	s14 =	simm.s32 $0x80;
	_ =	swait.ge [sflag:s4], $0x8000  }
0x39: {  	s15 =	simm.s32 $0x8600;
	s12 =	sadd.s32 s12, s7;
	[sflag:s4] =	ssyncset.done $0x0  }
0x3a: {  	s16 =	sadd.s32 $0x0, s12;
	s13 =	simm.s32 $0x8200;
	[sflag:s4] =	ssyncadd.s32 $0xFFFF8000  }
.LBB2_7:
0x3b: {  	[hbm:s16] =	stream.linear.scatter [tilespmem:s13], [sflag:$0x3], $0x400, $0x38;
	[tilespmem:$0x10200] =	vst v63  }
0x3c: {  	s16 =	smov.u32 s14;
	s13 =	smov.u32 s15;
	p0 =	sne.s32 s14, $0xF80  }
.Ltmp5:
0x3d: {  	s14 =	sadd.s32 $0x80, s14;
	(pc) =	sbr.rel @p0 .LBB2_7-.Ltmp5, $2  }
0x3e: {  	_ =	sdelay $0x2  }
0x3f: {  	s15 =	sadd.s32 $0x400, s15;
	s16 =	sadd.s32 s16, s12  }
.Ltmp6:
0x40: {  	(pc) =	sbr.rel .LBB2_9-.Ltmp6, $2  }
0x41: {  	_ =	sdelay $0x2  }
0x42: {  	[hbm:s16] =	stream.linear.scatter [tilespmem:s13], [sflag:$0x3], $0x400, $0x38;
	[tilespmem:$0x10200] =	vst v63  }
.LBB2_2:
.Ltmp7:
0x43: {  	(pc) =	sbr.rel .LBB2_10-.Ltmp7, $4  }
0x44: {  	_ = 	snop  }
0x45: {  	s12 =	sshrl.u32 s11, $0x3  }
0x46: {  	s13 =	sand.u32 $0x7, s11;
	s12 =	sadd.s32 s3, s12  }
0x47: {  	[tilespmem:s9], [sflag:$0x2] =	stream.linear.gather [hbm4b:s12+s13], $0x100, $0x38;
	[tilespmem:$0x10200] =	vst v63  }
.LBB2_11:
0x48: {  	s2 =	simm.s32 $0x3  }
0x49: {  	_ =	swait.ge [sflag:s2], $0x8000  }
0x4a: {  	[sflag:s2] =	ssyncset.done $0x0  }
0x4b: {  	[sflag:s2] =	ssyncadd.s32 $0xFFFF8000  }
0x4c: {  	_ =	sfence.sel $0x180000  }
0x4d: {  	s3 =	simm.s32 $0x2;
	[bflag:$0x0] =	sbarrier.arrive $0xFFFF  }
0x4e: {  	[sflag:s3] =	ssyncpa.u1 $0x1  }
0x4f: {  	s31 =	simm.s32 $0x1;
	[sflag:s2] =	ssyncpa.u1 $0x1  }
0x50: {  	[sflag:s31] =	ssyncpa.u1 $0x1  }
0x51: {  	p0 =	sne.s32 s1, $0x0;
	_ =	strace $0x9000004A  }
0x52: {  	s0 =	sadd.s32 @!p0 $0x100000, s0;
	[bflag:$0x2] =	sbarrier.arrive $0xFFFF  }
0x53: {  	[sflag:s0] =	ssyncadd.tile.s32 @!p0 $0x1;
	_ =	shalt  }
.Lfunc_end2:
_tile_overlayer_lowered:
.L_overlay_start_2:
0x54: {  	(tag) =	ssettag $0x2  }
0x55: {  	s0 =	rddreg [dreg:$0x0];
	s2 =	stileid.u32  }
0x56: {  	s1 =	rddreg [dreg:$0x1];
	p0 =	sne.s32 s2, $0x0  }
0x57: {  	s3 =	rddreg [dreg:$0x2];
	[bflag:$0x3] =	sbarrier.arrive $0xFFFF;
	s2 =	simm.s32 @!p0 $0x1C01  }
0x58: {  	[timem:s3], [sflag:s2] =	dma.local @!p0 [hbm:s0], s1  }
0x59: {  	s0 =	simm.s32 @!p0 $0x1  }
0x5a: {  	_ =	swait.ge @!p0 [sflag:s0], s1  }
0x5b: {  	s1 =	ssub.s32 @!p0 $0x0, s1;
	[sflag:s0] =	ssyncset.done @!p0 $0x0  }
0x5c: {  	[sflag:s0] =	ssyncadd.s32 @!p0 s1  }
0x5d: {  	[bflag:$0x3] =	sbarrier.arrive $0xFFFF  }
0x5e: {  	_ =	shalt  }

</sc_bundles>
